<compile_context>
chip_gen: v7x
topology: tpu7x:2x2x1
jax: 0.10.2.dev20260603
libtpu: 0.0.44.dev20260713+nightly
codegen_flags: <defaults>
</compile_context>

<pallas_src>
import jax
import jax.numpy as jnp
from jax import lax
from jax.experimental import pallas as pl
from jax.experimental.pallas import tpu as pltpu, tpu_sc as plsc

B = 16384
D_NUM = 13
N_CAT = 26
D_TOKEN = 16
N_TOK = D_NUM + N_CAT
OUT_W = N_TOK * D_TOKEN
NUM_W = D_NUM * D_TOKEN
CAT_W = N_CAT * D_TOKEN
NC, NS = 2, 16
NW = NC * NS
ROWS_PER_W = B // NW
R = 64
NCHUNK = ROWS_PER_W // R
IDX_PER_CHUNK = R * N_CAT
G = 128
NG = IDX_PER_CHUNK // G
BB = 128
NBB = B // BB
ST_ROWS = B * N_CAT


def _sc_body(xcat_hbm, offt_hbm, table_hbm, st_hbm,
             idx_v, off_v, staged_v, sem):
    wid = lax.axis_index("s") * NC + lax.axis_index("c")
    row0 = wid * ROWS_PER_W

    pltpu.sync_copy(offt_hbm, off_v)

    def chunk_body(k, carry):
        b0 = row0 + k * R
        q = row0 // R + k
        pltpu.sync_copy(xcat_hbm.at[q], idx_v)

        for j in range(NG):
            for i in range(G // 16):
                s = pl.ds(i * 16, 16)
                idx_v[j, s] = idx_v[j, s] + off_v[j, s]

        cps = [
            pltpu.async_copy(table_hbm.at[idx_v.at[j]],
                             staged_v.at[pl.ds(j * G, G)], sem)
            for j in range(NG)
        ]
        for cp in cps:
            cp.wait()

        pltpu.sync_copy(staged_v, st_hbm.at[pl.ds(b0 * N_CAT, IDX_PER_CHUNK)])
        return carry

    lax.fori_loop(0, NCHUNK, chunk_body, 0)


def _tc_body(st_ref, xr_ref, wf_ref, bn_ref, bc_ref, out_ref):
    num = xr_ref[...] * wf_ref[...] + bn_ref[...]
    cat = st_ref[...] + bc_ref[...]
    out_ref[...] = jnp.concatenate([num, cat], axis=1)


def _sc_gather(xcat3d, off_tile, emb_table):
    mesh = plsc.VectorSubcoreMesh(core_axis_name="c", subcore_axis_name="s",
                                  num_cores=NC, num_subcores=NS)
    f = pl.kernel(
        _sc_body,
        out_type=jax.ShapeDtypeStruct((ST_ROWS, D_TOKEN), jnp.float32),
        mesh=mesh,
        compiler_params=pltpu.CompilerParams(use_tc_tiling_on_sc=False),
        scratch_types=[
            pltpu.VMEM((NG, G), jnp.int32),
            pltpu.VMEM((NG, G), jnp.int32),
            pltpu.VMEM((IDX_PER_CHUNK, D_TOKEN), jnp.float32),
            pltpu.SemaphoreType.DMA,
        ],
    )
    return f(xcat3d, off_tile, emb_table)


def _tc_assemble(st2, xr, wf, bn, bc):
    return pl.pallas_call(
        _tc_body,
        grid=(NBB,),
        in_specs=[
            pl.BlockSpec((BB, CAT_W), lambda i: (i, 0)),
            pl.BlockSpec((BB, NUM_W), lambda i: (i, 0)),
            pl.BlockSpec((1, NUM_W), lambda i: (0, 0)),
            pl.BlockSpec((1, NUM_W), lambda i: (0, 0)),
            pl.BlockSpec((1, CAT_W), lambda i: (0, 0)),
        ],
        out_specs=pl.BlockSpec((BB, OUT_W), lambda i: (i, 0)),
        out_shape=jax.ShapeDtypeStruct((B, OUT_W), jnp.float32),
    )(st2, xr, wf, bn, bc)


def kernel(x_num, x_cat, weight, bias, emb_table, category_offsets):
    xcat3d = x_cat.reshape(B // R, NG, G)
    off_tile = jnp.tile(category_offsets, R).reshape(NG, G)
    st = _sc_gather(xcat3d, off_tile, emb_table)
    st2 = st.reshape(B, CAT_W)
    xr = jnp.repeat(x_num, D_TOKEN, axis=1)
    wf = weight.reshape(1, NUM_W)
    bn = bias[:D_NUM].reshape(1, NUM_W)
    bc = bias[D_NUM:].reshape(1, CAT_W)
    return _tc_assemble(st2, xr, wf, bn, bc)

# --- scband reference (transcript-rebuilt; emitter-appended) ---
"""Pipeline reference for scband-tokenizer-26130581029106 (READ-ONLY COPY).

The authoritative reference and input builder live on the scoring server;
editing this copy changes nothing except your own understanding.
"""

import jax, jax.numpy as jnp
import numpy as np

BATCH = 16384
D_NUM = 13
N_CAT = 26
CARD = 40000
D_TOKEN = 16


def setup_inputs(seed: int = 0) -> dict:
    key = jax.random.key(seed)
    k1, k2, k3, k4, k5 = jax.random.split(key, 5)
    x_num = jax.random.normal(k1, (BATCH, D_NUM), dtype=jnp.float32)
    x_cat = jax.random.randint(k2, (BATCH, N_CAT), 0, CARD, dtype=jnp.int32)
    categories = [CARD] * N_CAT
    category_offsets = jnp.asarray(np.concatenate([[0], np.cumsum(categories[:-1])]), dtype=jnp.int32)
    total_vocab = sum(categories)
    bound = 1.0 / np.sqrt(D_TOKEN)
    emb_table = jax.random.uniform(k3, (total_vocab, D_TOKEN), dtype=jnp.float32, minval=-bound, maxval=bound)
    weight = jax.random.uniform(k4, (D_NUM, D_TOKEN), dtype=jnp.float32, minval=-bound, maxval=bound)
    bias = jax.random.uniform(k5, (D_NUM + N_CAT, D_TOKEN), dtype=jnp.float32, minval=-bound, maxval=bound)
    return {
        "x_num": x_num,
        "x_cat": x_cat,
        "weight": weight,
        "bias": bias,
        "emb_table": emb_table,
        "category_offsets": category_offsets,
    }


def reference(x_num, x_cat, weight, bias, emb_table, category_offsets):
    # numerical tokens: weight[None] * x_num[:, :, None]
    x = weight[None] * x_num[:, :, None]  # [B, d_num, d_token]
    # categorical tokens: embedding lookup with per-field offsets
    idx = x_cat + category_offsets[None]  # [B, n_cat]
    cat_tokens = jnp.take(emb_table, idx, axis=0)  # [B, n_cat, d_token]
    x = jnp.concatenate([x, cat_tokens], axis=1)  # [B, d_num + n_cat, d_token]
    x = x + bias[None]
    x = x.reshape(x.shape[0], -1)  # [B, (d_num + n_cat) * d_token]
    return x

if __name__ == "__main__":
    import jax
    _d = setup_inputs()
    print(jax.jit(kernel)(*tuple(_d.values())))

</pallas_src>

<mosaic_0001>
#map = affine_map<(d0, d1) -> (0, 0, 0)>
#map1 = affine_map<(d0, d1) -> (0, 0)>
module attributes {stable_mosaic.version = 14 : i64} {
  func.func @_sc_body(%arg0: i32, %arg1: i32, %arg2: memref<256x13x128xi32, #tpu.memory_space<hbm>>, %arg3: memref<13x128xi32, #tpu.memory_space<hbm>>, %arg4: memref<1040000x16xf32, #tpu.memory_space<hbm>>, %arg5: memref<425984x16xf32, #tpu.memory_space<hbm>>, %arg6: memref<13x128xi32, #tpu.memory_space<vmem>>, %arg7: memref<13x128xi32, #tpu.memory_space<vmem>>, %arg8: memref<1664x16xf32, #tpu.memory_space<vmem>>, %arg9: memref<!tpu.dma_semaphore, #tpu.memory_space<semaphore_mem>>) attributes {dimension_semantics = [#tpu.dimension_semantics<core_parallel>, #tpu.dimension_semantics<subcore_parallel>], iteration_bounds = array<i64: 2, 16>, scalar_prefetch = 0 : i64, scratch_operands = 4 : i64, tpu.core_type = #tpu.core_type<sc_vector_subcore>, window_params = [{transform_indices = #map}, {transform_indices = #map1}, {transform_indices = #map1}, {transform_indices = #map1}]} {
    %mul3A = arith.constant 2 : i32
    %mul3A_0 = arith.muli %arg1, %mul3A : i32
    %add3A = arith.addi %mul3A_0, %arg0 : i32
    %mul3A_1 = arith.constant 512 : i32
    %mul3A_2 = arith.muli %add3A, %mul3A_1 : i32
    "tpu.region"() ({
      %run_scoped3A = tpu.sem_alloc : memref<!tpu.dma_semaphore, #tpu.memory_space<semaphore_mem>>
      tpu.enqueue_dma source(%arg3 : memref<13x128xi32, #tpu.memory_space<hbm>>) target(%arg7 : memref<13x128xi32, #tpu.memory_space<vmem>>) target_semaphore(%run_scoped3A : memref<!tpu.dma_semaphore, #tpu.memory_space<semaphore_mem>>)
      tpu.wait_dma2 semaphore(%run_scoped3A : memref<!tpu.dma_semaphore, #tpu.memory_space<semaphore_mem>>) src(%arg3 : memref<13x128xi32, #tpu.memory_space<hbm>>) dst(%arg7 : memref<13x128xi32, #tpu.memory_space<vmem>>)
      tpu.yield
    }) : () -> ()
    %scan3A = arith.constant 0 : i32
    %scan3A_3 = arith.constant 0 : i32
    %scan3A_4 = arith.constant 8 : i32
    %scan3A_5 = arith.addi %scan3A_3, %scan3A_4 : i32
    %scan3A_6 = arith.constant 1 : i32
    scf.for %scan3A_8 = %scan3A_3 to %scan3A_5 step %scan3A_6  : i32 {
      %mul3A_9 = arith.constant 64 : i32
      %mul3A_10 = arith.muli %scan3A_8, %mul3A_9 : i32
      %add3A_11 = arith.addi %mul3A_2, %mul3A_10 : i32
      %jit3A = arith.constant 64 : i32
      %div3A = arith.divsi %mul3A_2, %jit3A : i32
      %sign3A = arith.constant 0 : i32
      %sign3A_12 = arith.cmpi sgt, %mul3A_2, %sign3A : i32
      %sign3A_13 = arith.extui %sign3A_12 : i1 to i32
      %sign3A_14 = arith.constant 0 : i32
      %sign3A_15 = arith.cmpi slt, %mul3A_2, %sign3A_14 : i32
      %sign3A_16 = arith.extui %sign3A_15 : i1 to i32
      %sign3A_17 = arith.subi %sign3A_13, %sign3A_16 : i32
      %sign3A_18 = arith.constant 0 : i32
      %sign3A_19 = arith.cmpi sgt, %jit3A, %sign3A_18 : i32
      %sign3A_20 = arith.extui %sign3A_19 : i1 to i32
      %sign3A_21 = arith.constant 0 : i32
      %sign3A_22 = arith.cmpi slt, %jit3A, %sign3A_21 : i32
      %sign3A_23 = arith.extui %sign3A_22 : i1 to i32
      %sign3A_24 = arith.subi %sign3A_20, %sign3A_23 : i32
      %ne3A = arith.cmpi ne, %sign3A_17, %sign3A_24 : i32
      %rem3A = arith.remsi %mul3A_2, %jit3A : i32
      %ne3A_25 = arith.constant 0 : i32
      %ne3A_26 = arith.cmpi ne, %rem3A, %ne3A_25 : i32
      %and3A = arith.andi %ne3A, %ne3A_26 : i1
      %sub3A = arith.constant 1 : i32
      %sub3A_27 = arith.subi %div3A, %sub3A : i32
      %select_n3A = arith.select %and3A, %sub3A_27, %div3A : i32
      %add3A_28 = arith.addi %select_n3A, %scan3A_8 : i32
      "tpu.region"() ({
        %run_scoped3A = tpu.sem_alloc : memref<!tpu.dma_semaphore, #tpu.memory_space<semaphore_mem>>
        %dma_start3A_2055 = arith.constant 0 : i32
        %dma_start3A_2056 = arith.constant 0 : i32
        %dma_start3A_2057 = tpu.memref_slice %arg2[%add3A_28, %dma_start3A_2055, %dma_start3A_2056] : memref<256x13x128xi32, #tpu.memory_space<hbm>> -> memref<1x13x128xi32, #tpu.memory_space<hbm>>
        %dma_start3A_2058 = tpu.memref_squeeze %dma_start3A_2057 : memref<1x13x128xi32, #tpu.memory_space<hbm>> -> memref<13x128xi32, #tpu.memory_space<hbm>>
        %dma_start3A_2059 = arith.constant 0 : i32
        %dma_start3A_2060 = arith.constant 0 : i32
        %dma_start3A_2061 = tpu.memref_slice %arg2[%add3A_28, %dma_start3A_2059, %dma_start3A_2060] : memref<256x13x128xi32, #tpu.memory_space<hbm>> -> memref<1x13x128xi32, #tpu.memory_space<hbm>>
        %dma_start3A_2062 = tpu.memref_squeeze %dma_start3A_2061 : memref<1x13x128xi32, #tpu.memory_space<hbm>> -> memref<13x128xi32, #tpu.memory_space<hbm>>
        tpu.enqueue_dma source(%dma_start3A_2062 : memref<13x128xi32, #tpu.memory_space<hbm>>) target(%arg6 : memref<13x128xi32, #tpu.memory_space<vmem>>) target_semaphore(%run_scoped3A : memref<!tpu.dma_semaphore, #tpu.memory_space<semaphore_mem>>)
        %dma_wait3A_2063 = arith.constant 0 : i32
        %dma_wait3A_2064 = arith.constant 0 : i32
        %dma_wait3A_2065 = tpu.memref_slice %arg2[%add3A_28, %dma_wait3A_2063, %dma_wait3A_2064] : memref<256x13x128xi32, #tpu.memory_space<hbm>> -> memref<1x13x128xi32, #tpu.memory_space<hbm>>
        %dma_wait3A_2066 = tpu.memref_squeeze %dma_wait3A_2065 : memref<1x13x128xi32, #tpu.memory_space<hbm>> -> memref<13x128xi32, #tpu.memory_space<hbm>>
        %dma_wait3A_2067 = arith.constant 0 : i32
        %dma_wait3A_2068 = arith.constant 0 : i32
        %dma_wait3A_2069 = tpu.memref_slice %arg2[%add3A_28, %dma_wait3A_2067, %dma_wait3A_2068] : memref<256x13x128xi32, #tpu.memory_space<hbm>> -> memref<1x13x128xi32, #tpu.memory_space<hbm>>
        %dma_wait3A_2070 = tpu.memref_squeeze %dma_wait3A_2069 : memref<1x13x128xi32, #tpu.memory_space<hbm>> -> memref<13x128xi32, #tpu.memory_space<hbm>>
        tpu.wait_dma2 semaphore(%run_scoped3A : memref<!tpu.dma_semaphore, #tpu.memory_space<semaphore_mem>>) src(%dma_wait3A_2070 : memref<13x128xi32, #tpu.memory_space<hbm>>) dst(%arg6 : memref<13x128xi32, #tpu.memory_space<vmem>>)
        tpu.yield
      }) : () -> ()
      %get3A = arith.constant 0 : i32
      %get3A_29 = arith.index_cast %get3A : i32 to index
      %get3A_30 = arith.constant 0 : index
      %get3A_31 = tpu.vector_load %arg6[%get3A_29, %get3A_30] {strides = array<i32>} : memref<13x128xi32, #tpu.memory_space<vmem>>, vector<1x16xi32>,
      %get3A_32 = vector.shape_cast %get3A_31 : vector<1x16xi32> to vector<16xi32>
      %get3A_33 = arith.constant 0 : i32
      %get3A_34 = arith.index_cast %get3A_33 : i32 to index
      %get3A_35 = arith.constant 0 : index
      %get3A_36 = tpu.vector_load %arg7[%get3A_34, %get3A_35] {strides = array<i32>} : memref<13x128xi32, #tpu.memory_space<vmem>>, vector<1x16xi32>,
      %get3A_37 = vector.shape_cast %get3A_36 : vector<1x16xi32> to vector<16xi32>
      %add3A_38 = arith.addi %get3A_32, %get3A_37 : vector<16xi32>
      %swap3A = arith.constant 0 : i32
      %swap3A_39 = arith.index_cast %swap3A : i32 to index
      %swap3A_40 = arith.constant 0 : index
      %swap3A_41 = tpu.vector_load %arg6[%swap3A_39, %swap3A_40] {strides = array<i32>} : memref<13x128xi32, #tpu.memory_space<vmem>>, vector<1x16xi32>,
      %swap3A_42 = vector.shape_cast %swap3A_41 : vector<1x16xi32> to vector<16xi32>
      %swap3A_43 = vector.shape_cast %add3A_38 : vector<16xi32> to vector<1x16xi32>
      tpu.vector_store %arg6[%swap3A_39, %swap3A_40], %swap3A_43 {strides = array<i32>} : memref<13x128xi32, #tpu.memory_space<vmem>>, vector<1x16xi32>,
      %get3A_44 = arith.constant 0 : i32
      %get3A_45 = arith.index_cast %get3A_44 : i32 to index
      %get3A_46 = arith.constant 16 : index
      %get3A_47 = tpu.vector_load %arg6[%get3A_45, %get3A_46] {strides = array<i32>} : memref<13x128xi32, #tpu.memory_space<vmem>>, vector<1x16xi32>,
      %get3A_48 = vector.shape_cast %get3A_47 : vector<1x16xi32> to vector<16xi32>
      %get3A_49 = arith.constant 0 : i32
      %get3A_50 = arith.index_cast %get3A_49 : i32 to index
      %get3A_51 = arith.constant 16 : index
      %get3A_52 = tpu.vector_load %arg7[%get3A_50, %get3A_51] {strides = array<i32>} : memref<13x128xi32, #tpu.memory_space<vmem>>, vector<1x16xi32>,
      %get3A_53 = vector.shape_cast %get3A_52 : vector<1x16xi32> to vector<16xi32>
      %add3A_54 = arith.addi %get3A_48, %get3A_53 : vector<16xi32>
      %swap3A_55 = arith.constant 0 : i32
      %swap3A_56 = arith.index_cast %swap3A_55 : i32 to index
      %swap3A_57 = arith.constant 16 : index
      %swap3A_58 = tpu.vector_load %arg6[%swap3A_56, %swap3A_57] {strides = array<i32>} : memref<13x128xi32, #tpu.memory_space<vmem>>, vector<1x16xi32>,
      %swap3A_59 = vector.shape_cast %swap3A_58 : vector<1x16xi32> to vector<16xi32>
      %swap3A_60 = vector.shape_cast %add3A_54 : vector<16xi32> to vector<1x16xi32>
      tpu.vector_store %arg6[%swap3A_56, %swap3A_57], %swap3A_60 {strides = array<i32>} : memref<13x128xi32, #tpu.memory_space<vmem>>, vector<1x16xi32>,
      %get3A_61 = arith.constant 0 : i32
      %get3A_62 = arith.index_cast %get3A_61 : i32 to index
      %get3A_63 = arith.constant 32 : index
      %get3A_64 = tpu.vector_load %arg6[%get3A_62, %get3A_63] {strides = array<i32>} : memref<13x128xi32, #tpu.memory_space<vmem>>, vector<1x16xi32>,
      %get3A_65 = vector.shape_cast %get3A_64 : vector<1x16xi32> to vector<16xi32>
      %get3A_66 = arith.constant 0 : i32
      %get3A_67 = arith.index_cast %get3A_66 : i32 to index
      %get3A_68 = arith.constant 32 : index
      %get3A_69 = tpu.vector_load %arg7[%get3A_67, %get3A_68] {strides = array<i32>} : memref<13x128xi32, #tpu.memory_space<vmem>>, vector<1x16xi32>,
      %get3A_70 = vector.shape_cast %get3A_69 : vector<1x16xi32> to vector<16xi32>
      %add3A_71 = arith.addi %get3A_65, %get3A_70 : vector<16xi32>
      %swap3A_72 = arith.constant 0 : i32
      %swap3A_73 = arith.index_cast %swap3A_72 : i32 to index
      %swap3A_74 = arith.constant 32 : index
      %swap3A_75 = tpu.vector_load %arg6[%swap3A_73, %swap3A_74] {strides = array<i32>} : memref<13x128xi32, #tpu.memory_space<vmem>>, vector<1x16xi32>,
      %swap3A_76 = vector.shape_cast %swap3A_75 : vector<1x16xi32> to vector<16xi32>
      %swap3A_77 = vector.shape_cast %add3A_71 : vector<16xi32> to vector<1x16xi32>
      tpu.vector_store %arg6[%swap3A_73, %swap3A_74], %swap3A_77 {strides = array<i32>} : memref<13x128xi32, #tpu.memory_space<vmem>>, vector<1x16xi32>,
      %get3A_78 = arith.constant 0 : i32
      %get3A_79 = arith.index_cast %get3A_78 : i32 to index
      %get3A_80 = arith.constant 48 : index
      %get3A_81 = tpu.vector_load %arg6[%get3A_79, %get3A_80] {strides = array<i32>} : memref<13x128xi32, #tpu.memory_space<vmem>>, vector<1x16xi32>,
      %get3A_82 = vector.shape_cast %get3A_81 : vector<1x16xi32> to vector<16xi32>
      %get3A_83 = arith.constant 0 : i32
      %get3A_84 = arith.index_cast %get3A_83 : i32 to index
      %get3A_85 = arith.constant 48 : index
      %get3A_86 = tpu.vector_load %arg7[%get3A_84, %get3A_85] {strides = array<i32>} : memref<13x128xi32, #tpu.memory_space<vmem>>, vector<1x16xi32>,
      %get3A_87 = vector.shape_cast %get3A_86 : vector<1x16xi32> to vector<16xi32>
      %add3A_88 = arith.addi %get3A_82, %get3A_87 : vector<16xi32>
      %swap3A_89 = arith.constant 0 : i32
      %swap3A_90 = arith.index_cast %swap3A_89 : i32 to index
      %swap3A_91 = arith.constant 48 : index
      %swap3A_92 = tpu.vector_load %arg6[%swap3A_90, %swap3A_91] {strides = array<i32>} : memref<13x128xi32, #tpu.memory_space<vmem>>, vector<1x16xi32>,
      %swap3A_93 = vector.shape_cast %swap3A_92 : vector<1x16xi32> to vector<16xi32>
      %swap3A_94 = vector.shape_cast %add3A_88 : vector<16xi32> to vector<1x16xi32>
      tpu.vector_store %arg6[%swap3A_90, %swap3A_91], %swap3A_94 {strides = array<i32>} : memref<13x128xi32, #tpu.memory_space<vmem>>, vector<1x16xi32>,
      %get3A_95 = arith.constant 0 : i32
      %get3A_96 = arith.index_cast %get3A_95 : i32 to index
      %get3A_97 = arith.constant 64 : index
      %get3A_98 = tpu.vector_load %arg6[%get3A_96, %get3A_97] {strides = array<i32>} : memref<13x128xi32, #tpu.memory_space<vmem>>, vector<1x16xi32>,
      %get3A_99 = vector.shape_cast %get3A_98 : vector<1x16xi32> to vector<16xi32>
      %get3A_100 = arith.constant 0 : i32
      %get3A_101 = arith.index_cast %get3A_100 : i32 to index
      %get3A_102 = arith.constant 64 : index
      %get3A_103 = tpu.vector_load %arg7[%get3A_101, %get3A_102] {strides = array<i32>} : memref<13x128xi32, #tpu.memory_space<vmem>>, vector<1x16xi32>,
      %get3A_104 = vector.shape_cast %get3A_103 : vector<1x16xi32> to vector<16xi32>
      %add3A_105 = arith.addi %get3A_99, %get3A_104 : vector<16xi32>
      %swap3A_106 = arith.constant 0 : i32
      %swap3A_107 = arith.index_cast %swap3A_106 : i32 to index
      %swap3A_108 = arith.constant 64 : index
      %swap3A_109 = tpu.vector_load %arg6[%swap3A_107, %swap3A_108] {strides = array<i32>} : memref<13x128xi32, #tpu.memory_space<vmem>>, vector<1x16xi32>,
      %swap3A_110 = vector.shape_cast %swap3A_109 : vector<1x16xi32> to vector<16xi32>
      %swap3A_111 = vector.shape_cast %add3A_105 : vector<16xi32> to vector<1x16xi32>
      tpu.vector_store %arg6[%swap3A_107, %swap3A_108], %swap3A_111 {strides = array<i32>} : memref<13x128xi32, #tpu.memory_space<vmem>>, vector<1x16xi32>,
      %get3A_112 = arith.constant 0 : i32
      %get3A_113 = arith.index_cast %get3A_112 : i32 to index
      %get3A_114 = arith.constant 80 : index
      %get3A_115 = tpu.vector_load %arg6[%get3A_113, %get3A_114] {strides = array<i32>} : memref<13x128xi32, #tpu.memory_space<vmem>>, vector<1x16xi32>,
      %get3A_116 = vector.shape_cast %get3A_115 : vector<1x16xi32> to vector<16xi32>
      %get3A_117 = arith.constant 0 : i32
      %get3A_118 = arith.index_cast %get3A_117 : i32 to index
      %get3A_119 = arith.constant 80 : index
      %get3A_120 = tpu.vector_load %arg7[%get3A_118, %get3A_119] {strides = array<i32>} : memref<13x128xi32, #tpu.memory_space<vmem>>, vector<1x16xi32>,
      %get3A_121 = vector.shape_cast %get3A_120 : vector<1x16xi32> to vector<16xi32>
      %add3A_122 = arith.addi %get3A_116, %get3A_121 : vector<16xi32>
      %swap3A_123 = arith.constant 0 : i32
      %swap3A_124 = arith.index_cast %swap3A_123 : i32 to index
      %swap3A_125 = arith.constant 80 : index
      %swap3A_126 = tpu.vector_load %arg6[%swap3A_124, %swap3A_125] {strides = array<i32>} : memref<13x128xi32, #tpu.memory_space<vmem>>, vector<1x16xi32>,
      %swap3A_127 = vector.shape_cast %swap3A_126 : vector<1x16xi32> to vector<16xi32>
      %swap3A_128 = vector.shape_cast %add3A_122 : vector<16xi32> to vector<1x16xi32>
      tpu.vector_store %arg6[%swap3A_124, %swap3A_125], %swap3A_128 {strides = array<i32>} : memref<13x128xi32, #tpu.memory_space<vmem>>, vector<1x16xi32>,
      %get3A_129 = arith.constant 0 : i32
      %get3A_130 = arith.index_cast %get3A_129 : i32 to index
      %get3A_131 = arith.constant 96 : index
      %get3A_132 = tpu.vector_load %arg6[%get3A_130, %get3A_131] {strides = array<i32>} : memref<13x128xi32, #tpu.memory_space<vmem>>, vector<1x16xi32>,
      %get3A_133 = vector.shape_cast %get3A_132 : vector<1x16xi32> to vector<16xi32>
      %get3A_134 = arith.constant 0 : i32
      %get3A_135 = arith.index_cast %get3A_134 : i32 to index
      %get3A_136 = arith.constant 96 : index
      %get3A_137 = tpu.vector_load %arg7[%get3A_135, %get3A_136] {strides = array<i32>} : memref<13x128xi32, #tpu.memory_space<vmem>>, vector<1x16xi32>,
      %get3A_138 = vector.shape_cast %get3A_137 : vector<1x16xi32> to vector<16xi32>
      %add3A_139 = arith.addi %get3A_133, %get3A_138 : vector<16xi32>
      %swap3A_140 = arith.constant 0 : i32
      %swap3A_141 = arith.index_cast %swap3A_140 : i32 to index
      %swap3A_142 = arith.constant 96 : index
      %swap3A_143 = tpu.vector_load %arg6[%swap3A_141, %swap3A_142] {strides = array<i32>} : memref<13x128xi32, #tpu.memory_space<vmem>>, vector<1x16xi32>,
      %swap3A_144 = vector.shape_cast %swap3A_143 : vector<1x16xi32> to vector<16xi32>
      %swap3A_145 = vector.shape_cast %add3A_139 : vector<16xi32> to vector<1x16xi32>
      tpu.vector_store %arg6[%swap3A_141, %swap3A_142], %swap3A_145 {strides = array<i32>} : memref<13x128xi32, #tpu.memory_space<vmem>>, vector<1x16xi32>,
      %get3A_146 = arith.constant 0 : i32
      %get3A_147 = arith.index_cast %get3A_146 : i32 to index
      %get3A_148 = arith.constant 112 : index
      %get3A_149 = tpu.vector_load %arg6[%get3A_147, %get3A_148] {strides = array<i32>} : memref<13x128xi32, #tpu.memory_space<vmem>>, vector<1x16xi32>,
      %get3A_150 = vector.shape_cast %get3A_149 : vector<1x16xi32> to vector<16xi32>
      %get3A_151 = arith.constant 0 : i32
      %get3A_152 = arith.index_cast %get3A_151 : i32 to index
      %get3A_153 = arith.constant 112 : index
      %get3A_154 = tpu.vector_load %arg7[%get3A_152, %get3A_153] {strides = array<i32>} : memref<13x128xi32, #tpu.memory_space<vmem>>, vector<1x16xi32>,
      %get3A_155 = vector.shape_cast %get3A_154 : vector<1x16xi32> to vector<16xi32>
      %add3A_156 = arith.addi %get3A_150, %get3A_155 : vector<16xi32>
      %swap3A_157 = arith.constant 0 : i32
      %swap3A_158 = arith.index_cast %swap3A_157 : i32 to index
      %swap3A_159 = arith.constant 112 : index
      %swap3A_160 = tpu.vector_load %arg6[%swap3A_158, %swap3A_159] {strides = array<i32>} : memref<13x128xi32, #tpu.memory_space<vmem>>, vector<1x16xi32>,
      %swap3A_161 = vector.shape_cast %swap3A_160 : vector<1x16xi32> to vector<16xi32>
      %swap3A_162 = vector.shape_cast %add3A_156 : vector<16xi32> to vector<1x16xi32>
      tpu.vector_store %arg6[%swap3A_158, %swap3A_159], %swap3A_162 {strides = array<i32>} : memref<13x128xi32, #tpu.memory_space<vmem>>, vector<1x16xi32>,
      %get3A_163 = arith.constant 1 : i32
      %get3A_164 = arith.index_cast %get3A_163 : i32 to index
      %get3A_165 = arith.constant 0 : index
      %get3A_166 = tpu.vector_load %arg6[%get3A_164, %get3A_165] {strides = array<i32>} : memref<13x128xi32, #tpu.memory_space<vmem>>, vector<1x16xi32>,
      %get3A_167 = vector.shape_cast %get3A_166 : vector<1x16xi32> to vector<16xi32>
      %get3A_168 = arith.constant 1 : i32
      %get3A_169 = arith.index_cast %get3A_168 : i32 to index
      %get3A_170 = arith.constant 0 : index
      %get3A_171 = tpu.vector_load %arg7[%get3A_169, %get3A_170] {strides = array<i32>} : memref<13x128xi32, #tpu.memory_space<vmem>>, vector<1x16xi32>,
      %get3A_172 = vector.shape_cast %get3A_171 : vector<1x16xi32> to vector<16xi32>
      %add3A_173 = arith.addi %get3A_167, %get3A_172 : vector<16xi32>
      %swap3A_174 = arith.constant 1 : i32
      %swap3A_175 = arith.index_cast %swap3A_174 : i32 to index
      %swap3A_176 = arith.constant 0 : index
      %swap3A_177 = tpu.vector_load %arg6[%swap3A_175, %swap3A_176] {strides = array<i32>} : memref<13x128xi32, #tpu.memory_space<vmem>>, vector<1x16xi32>,
      %swap3A_178 = vector.shape_cast %swap3A_177 : vector<1x16xi32> to vector<16xi32>
      %swap3A_179 = vector.shape_cast %add3A_173 : vector<16xi32> to vector<1x16xi32>
      tpu.vector_store %arg6[%swap3A_175, %swap3A_176], %swap3A_179 {strides = array<i32>} : memref<13x128xi32, #tpu.memory_space<vmem>>, vector<1x16xi32>,
      %get3A_180 = arith.constant 1 : i32
      %get3A_181 = arith.index_cast %get3A_180 : i32 to index
      %get3A_182 = arith.constant 16 : index
      %get3A_183 = tpu.vector_load %arg6[%get3A_181, %get3A_182] {strides = array<i32>} : memref<13x128xi32, #tpu.memory_space<vmem>>, vector<1x16xi32>,
      %get3A_184 = vector.shape_cast %get3A_183 : vector<1x16xi32> to vector<16xi32>
      %get3A_185 = arith.constant 1 : i32
      %get3A_186 = arith.index_cast %get3A_185 : i32 to index
      %get3A_187 = arith.constant 16 : index
      %get3A_188 = tpu.vector_load %arg7[%get3A_186, %get3A_187] {strides = array<i32>} : memref<13x128xi32, #tpu.memory_space<vmem>>, vector<1x16xi32>,
      %get3A_189 = vector.shape_cast %get3A_188 : vector<1x16xi32> to vector<16xi32>
      %add3A_190 = arith.addi %get3A_184, %get3A_189 : vector<16xi32>
      %swap3A_191 = arith.constant 1 : i32
      %swap3A_192 = arith.index_cast %swap3A_191 : i32 to index
      %swap3A_193 = arith.constant 16 : index
      %swap3A_194 = tpu.vector_load %arg6[%swap3A_192, %swap3A_193] {strides = array<i32>} : memref<13x128xi32, #tpu.memory_space<vmem>>, vector<1x16xi32>,
      %swap3A_195 = vector.shape_cast %swap3A_194 : vector<1x16xi32> to vector<16xi32>
      %swap3A_196 = vector.shape_cast %add3A_190 : vector<16xi32> to vector<1x16xi32>
      tpu.vector_store %arg6[%swap3A_192, %swap3A_193], %swap3A_196 {strides = array<i32>} : memref<13x128xi32, #tpu.memory_space<vmem>>, vector<1x16xi32>,
      %get3A_197 = arith.constant 1 : i32
      %get3A_198 = arith.index_cast %get3A_197 : i32 to index
      %get3A_199 = arith.constant 32 : index
      %get3A_200 = tpu.vector_load %arg6[%get3A_198, %get3A_199] {strides = array<i32>} : memref<13x128xi32, #tpu.memory_space<vmem>>, vector<1x16xi32>,
      %get3A_201 = vector.shape_cast %get3A_200 : vector<1x16xi32> to vector<16xi32>
      %get3A_202 = arith.constant 1 : i32
      %get3A_203 = arith.index_cast %get3A_202 : i32 to index
      %get3A_204 = arith.constant 32 : index
      %get3A_205 = tpu.vector_load %arg7[%get3A_203, %get3A_204] {strides = array<i32>} : memref<13x128xi32, #tpu.memory_space<vmem>>, vector<1x16xi32>,
      %get3A_206 = vector.shape_cast %get3A_205 : vector<1x16xi32> to vector<16xi32>
      %add3A_207 = arith.addi %get3A_201, %get3A_206 : vector<16xi32>
      %swap3A_208 = arith.constant 1 : i32
      %swap3A_209 = arith.index_cast %swap3A_208 : i32 to index
      %swap3A_210 = arith.constant 32 : index
      %swap3A_211 = tpu.vector_load %arg6[%swap3A_209, %swap3A_210] {strides = array<i32>} : memref<13x128xi32, #tpu.memory_space<vmem>>, vector<1x16xi32>,
      %swap3A_212 = vector.shape_cast %swap3A_211 : vector<1x16xi32> to vector<16xi32>
      %swap3A_213 = vector.shape_cast %add3A_207 : vector<16xi32> to vector<1x16xi32>
      tpu.vector_store %arg6[%swap3A_209, %swap3A_210], %swap3A_213 {strides = array<i32>} : memref<13x128xi32, #tpu.memory_space<vmem>>, vector<1x16xi32>,
      %get3A_214 = arith.constant 1 : i32
      %get3A_215 = arith.index_cast %get3A_214 : i32 to index
      %get3A_216 = arith.constant 48 : index
      %get3A_217 = tpu.vector_load %arg6[%get3A_215, %get3A_216] {strides = array<i32>} : memref<13x128xi32, #tpu.memory_space<vmem>>, vector<1x16xi32>,
      %get3A_218 = vector.shape_cast %get3A_217 : vector<1x16xi32> to vector<16xi32>
      %get3A_219 = arith.constant 1 : i32
      %get3A_220 = arith.index_cast %get3A_219 : i32 to index
      %get3A_221 = arith.constant 48 : index
      %get3A_222 = tpu.vector_load %arg7[%get3A_220, %get3A_221] {strides = array<i32>} : memref<13x128xi32, #tpu.memory_space<vmem>>, vector<1x16xi32>,
      %get3A_223 = vector.shape_cast %get3A_222 : vector<1x16xi32> to vector<16xi32>
      %add3A_224 = arith.addi %get3A_218, %get3A_223 : vector<16xi32>
      %swap3A_225 = arith.constant 1 : i32
      %swap3A_226 = arith.index_cast %swap3A_225 : i32 to index
      %swap3A_227 = arith.constant 48 : index
      %swap3A_228 = tpu.vector_load %arg6[%swap3A_226, %swap3A_227] {strides = array<i32>} : memref<13x128xi32, #tpu.memory_space<vmem>>, vector<1x16xi32>,
      %swap3A_229 = vector.shape_cast %swap3A_228 : vector<1x16xi32> to vector<16xi32>
      %swap3A_230 = vector.shape_cast %add3A_224 : vector<16xi32> to vector<1x16xi32>
      tpu.vector_store %arg6[%swap3A_226, %swap3A_227], %swap3A_230 {strides = array<i32>} : memref<13x128xi32, #tpu.memory_space<vmem>>, vector<1x16xi32>,
      %get3A_231 = arith.constant 1 : i32
      %get3A_232 = arith.index_cast %get3A_231 : i32 to index
      %get3A_233 = arith.constant 64 : index
      %get3A_234 = tpu.vector_load %arg6[%get3A_232, %get3A_233] {strides = array<i32>} : memref<13x128xi32, #tpu.memory_space<vmem>>, vector<1x16xi32>,
      %get3A_235 = vector.shape_cast %get3A_234 : vector<1x16xi32> to vector<16xi32>
      %get3A_236 = arith.constant 1 : i32
      %get3A_237 = arith.index_cast %get3A_236 : i32 to index
      %get3A_238 = arith.constant 64 : index
      %get3A_239 = tpu.vector_load %arg7[%get3A_237, %get3A_238] {strides = array<i32>} : memref<13x128xi32, #tpu.memory_space<vmem>>, vector<1x16xi32>,
      %get3A_240 = vector.shape_cast %get3A_239 : vector<1x16xi32> to vector<16xi32>
      %add3A_241 = arith.addi %get3A_235, %get3A_240 : vector<16xi32>
      %swap3A_242 = arith.constant 1 : i32
      %swap3A_243 = arith.index_cast %swap3A_242 : i32 to index
      %swap3A_244 = arith.constant 64 : index
      %swap3A_245 = tpu.vector_load %arg6[%swap3A_243, %swap3A_244] {strides = array<i32>} : memref<13x128xi32, #tpu.memory_space<vmem>>, vector<1x16xi32>,
      %swap3A_246 = vector.shape_cast %swap3A_245 : vector<1x16xi32> to vector<16xi32>
      %swap3A_247 = vector.shape_cast %add3A_241 : vector<16xi32> to vector<1x16xi32>
      tpu.vector_store %arg6[%swap3A_243, %swap3A_244], %swap3A_247 {strides = array<i32>} : memref<13x128xi32, #tpu.memory_space<vmem>>, vector<1x16xi32>,
      %get3A_248 = arith.constant 1 : i32
      %get3A_249 = arith.index_cast %get3A_248 : i32 to index
      %get3A_250 = arith.constant 80 : index
      %get3A_251 = tpu.vector_load %arg6[%get3A_249, %get3A_250] {strides = array<i32>} : memref<13x128xi32, #tpu.memory_space<vmem>>, vector<1x16xi32>,
      %get3A_252 = vector.shape_cast %get3A_251 : vector<1x16xi32> to vector<16xi32>
      %get3A_253 = arith.constant 1 : i32
      %get3A_254 = arith.index_cast %get3A_253 : i32 to index
      %get3A_255 = arith.constant 80 : index
      %get3A_256 = tpu.vector_load %arg7[%get3A_254, %get3A_255] {strides = array<i32>} : memref<13x128xi32, #tpu.memory_space<vmem>>, vector<1x16xi32>,
      %get3A_257 = vector.shape_cast %get3A_256 : vector<1x16xi32> to vector<16xi32>
      %add3A_258 = arith.addi %get3A_252, %get3A_257 : vector<16xi32>
      %swap3A_259 = arith.constant 1 : i32
      %swap3A_260 = arith.index_cast %swap3A_259 : i32 to index
      %swap3A_261 = arith.constant 80 : index
      %swap3A_262 = tpu.vector_load %arg6[%swap3A_260, %swap3A_261] {strides = array<i32>} : memref<13x128xi32, #tpu.memory_space<vmem>>, vector<1x16xi32>,
      %swap3A_263 = vector.shape_cast %swap3A_262 : vector<1x16xi32> to vector<16xi32>
      %swap3A_264 = vector.shape_cast %add3A_258 : vector<16xi32> to vector<1x16xi32>
      tpu.vector_store %arg6[%swap3A_260, %swap3A_261], %swap3A_264 {strides = array<i32>} : memref<13x128xi32, #tpu.memory_space<vmem>>, vector<1x16xi32>,
      %get3A_265 = arith.constant 1 : i32
      %get3A_266 = arith.index_cast %get3A_265 : i32 to index
      %get3A_267 = arith.constant 96 : index
      %get3A_268 = tpu.vector_load %arg6[%get3A_266, %get3A_267] {strides = array<i32>} : memref<13x128xi32, #tpu.memory_space<vmem>>, vector<1x16xi32>,
      %get3A_269 = vector.shape_cast %get3A_268 : vector<1x16xi32> to vector<16xi32>
      %get3A_270 = arith.constant 1 : i32
      %get3A_271 = arith.index_cast %get3A_270 : i32 to index
      %get3A_272 = arith.constant 96 : index
      %get3A_273 = tpu.vector_load %arg7[%get3A_271, %get3A_272] {strides = array<i32>} : memref<13x128xi32, #tpu.memory_space<vmem>>, vector<1x16xi32>,
      %get3A_274 = vector.shape_cast %get3A_273 : vector<1x16xi32> to vector<16xi32>
      %add3A_275 = arith.addi %get3A_269, %get3A_274 : vector<16xi32>
      %swap3A_276 = arith.constant 1 : i32
      %swap3A_277 = arith.index_cast %swap3A_276 : i32 to index
      %swap3A_278 = arith.constant 96 : index
      %swap3A_279 = tpu.vector_load %arg6[%swap3A_277, %swap3A_278] {strides = array<i32>} : memref<13x128xi32, #tpu.memory_space<vmem>>, vector<1x16xi32>,
      %swap3A_280 = vector.shape_cast %swap3A_279 : vector<1x16xi32> to vector<16xi32>
      %swap3A_281 = vector.shape_cast %add3A_275 : vector<16xi32> to vector<1x16xi32>
      tpu.vector_store %arg6[%swap3A_277, %swap3A_278], %swap3A_281 {strides = array<i32>} : memref<13x128xi32, #tpu.memory_space<vmem>>, vector<1x16xi32>,
      %get3A_282 = arith.constant 1 : i32
      %get3A_283 = arith.index_cast %get3A_282 : i32 to index
      %get3A_284 = arith.constant 112 : index
      %get3A_285 = tpu.vector_load %arg6[%get3A_283, %get3A_284] {strides = array<i32>} : memref<13x128xi32, #tpu.memory_space<vmem>>, vector<1x16xi32>,
      %get3A_286 = vector.shape_cast %get3A_285 : vector<1x16xi32> to vector<16xi32>
      %get3A_287 = arith.constant 1 : i32
      %get3A_288 = arith.index_cast %get3A_287 : i32 to index
      %get3A_289 = arith.constant 112 : index
      %get3A_290 = tpu.vector_load %arg7[%get3A_288, %get3A_289] {strides = array<i32>} : memref<13x128xi32, #tpu.memory_space<vmem>>, vector<1x16xi32>,
      %get3A_291 = vector.shape_cast %get3A_290 : vector<1x16xi32> to vector<16xi32>
      %add3A_292 = arith.addi %get3A_286, %get3A_291 : vector<16xi32>
      %swap3A_293 = arith.constant 1 : i32
      %swap3A_294 = arith.index_cast %swap3A_293 : i32 to index
      %swap3A_295 = arith.constant 112 : index
      %swap3A_296 = tpu.vector_load %arg6[%swap3A_294, %swap3A_295] {strides = array<i32>} : memref<13x128xi32, #tpu.memory_space<vmem>>, vector<1x16xi32>,
      %swap3A_297 = vector.shape_cast %swap3A_296 : vector<1x16xi32> to vector<16xi32>
      %swap3A_298 = vector.shape_cast %add3A_292 : vector<16xi32> to vector<1x16xi32>
      tpu.vector_store %arg6[%swap3A_294, %swap3A_295], %swap3A_298 {strides = array<i32>} : memref<13x128xi32, #tpu.memory_space<vmem>>, vector<1x16xi32>,
      %get3A_299 = arith.constant 2 : i32
      %get3A_300 = arith.index_cast %get3A_299 : i32 to index
      %get3A_301 = arith.constant 0 : index
      %get3A_302 = tpu.vector_load %arg6[%get3A_300, %get3A_301] {strides = array<i32>} : memref<13x128xi32, #tpu.memory_space<vmem>>, vector<1x16xi32>,
      %get3A_303 = vector.shape_cast %get3A_302 : vector<1x16xi32> to vector<16xi32>
      %get3A_304 = arith.constant 2 : i32
      %get3A_305 = arith.index_cast %get3A_304 : i32 to index
      %get3A_306 = arith.constant 0 : index
      %get3A_307 = tpu.vector_load %arg7[%get3A_305, %get3A_306] {strides = array<i32>} : memref<13x128xi32, #tpu.memory_space<vmem>>, vector<1x16xi32>,
      %get3A_308 = vector.shape_cast %get3A_307 : vector<1x16xi32> to vector<16xi32>
      %add3A_309 = arith.addi %get3A_303, %get3A_308 : vector<16xi32>
      %swap3A_310 = arith.constant 2 : i32
      %swap3A_311 = arith.index_cast %swap3A_310 : i32 to index
      %swap3A_312 = arith.constant 0 : index
      %swap3A_313 = tpu.vector_load %arg6[%swap3A_311, %swap3A_312] {strides = array<i32>} : memref<13x128xi32, #tpu.memory_space<vmem>>, vector<1x16xi32>,
      %swap3A_314 = vector.shape_cast %swap3A_313 : vector<1x16xi32> to vector<16xi32>
      %swap3A_315 = vector.shape_cast %add3A_309 : vector<16xi32> to vector<1x16xi32>
      tpu.vector_store %arg6[%swap3A_311, %swap3A_312], %swap3A_315 {strides = array<i32>} : memref<13x128xi32, #tpu.memory_space<vmem>>, vector<1x16xi32>,
      %get3A_316 = arith.constant 2 : i32
      %get3A_317 = arith.index_cast %get3A_316 : i32 to index
      %get3A_318 = arith.constant 16 : index
      %get3A_319 = tpu.vector_load %arg6[%get3A_317, %get3A_318] {strides = array<i32>} : memref<13x128xi32, #tpu.memory_space<vmem>>, vector<1x16xi32>,
      %get3A_320 = vector.shape_cast %get3A_319 : vector<1x16xi32> to vector<16xi32>
      %get3A_321 = arith.constant 2 : i32
      %get3A_322 = arith.index_cast %get3A_321 : i32 to index
      %get3A_323 = arith.constant 16 : index
      %get3A_324 = tpu.vector_load %arg7[%get3A_322, %get3A_323] {strides = array<i32>} : memref<13x128xi32, #tpu.memory_space<vmem>>, vector<1x16xi32>,
      %get3A_325 = vector.shape_cast %get3A_324 : vector<1x16xi32> to vector<16xi32>
      %add3A_326 = arith.addi %get3A_320, %get3A_325 : vector<16xi32>
      %swap3A_327 = arith.constant 2 : i32
      %swap3A_328 = arith.index_cast %swap3A_327 : i32 to index
      %swap3A_329 = arith.constant 16 : index
      %swap3A_330 = tpu.vector_load %arg6[%swap3A_328, %swap3A_329] {strides = array<i32>} : memref<13x128xi32, #tpu.memory_space<vmem>>, vector<1x16xi32>,
      %swap3A_331 = vector.shape_cast %swap3A_330 : vector<1x16xi32> to vector<16xi32>
      %swap3A_332 = vector.shape_cast %add3A_326 : vector<16xi32> to vector<1x16xi32>
      tpu.vector_store %arg6[%swap3A_328, %swap3A_329], %swap3A_332 {strides = array<i32>} : memref<13x128xi32, #tpu.memory_space<vmem>>, vector<1x16xi32>,
      %get3A_333 = arith.constant 2 : i32
      %get3A_334 = arith.index_cast %get3A_333 : i32 to index
      %get3A_335 = arith.constant 32 : index
      %get3A_336 = tpu.vector_load %arg6[%get3A_334, %get3A_335] {strides = array<i32>} : memref<13x128xi32, #tpu.memory_space<vmem>>, vector<1x16xi32>,
      %get3A_337 = vector.shape_cast %get3A_336 : vector<1x16xi32> to vector<16xi32>
      %get3A_338 = arith.constant 2 : i32
      %get3A_339 = arith.index_cast %get3A_338 : i32 to index
      %get3A_340 = arith.constant 32 : index
      %get3A_341 = tpu.vector_load %arg7[%get3A_339, %get3A_340] {strides = array<i32>} : memref<13x128xi32, #tpu.memory_space<vmem>>, vector<1x16xi32>,
      %get3A_342 = vector.shape_cast %get3A_341 : vector<1x16xi32> to vector<16xi32>
      %add3A_343 = arith.addi %get3A_337, %get3A_342 : vector<16xi32>
      %swap3A_344 = arith.constant 2 : i32
      %swap3A_345 = arith.index_cast %swap3A_344 : i32 to index
      %swap3A_346 = arith.constant 32 : index
      %swap3A_347 = tpu.vector_load %arg6[%swap3A_345, %swap3A_346] {strides = array<i32>} : memref<13x128xi32, #tpu.memory_space<vmem>>, vector<1x16xi32>,
      %swap3A_348 = vector.shape_cast %swap3A_347 : vector<1x16xi32> to vector<16xi32>
      %swap3A_349 = vector.shape_cast %add3A_343 : vector<16xi32> to vector<1x16xi32>
      tpu.vector_store %arg6[%swap3A_345, %swap3A_346], %swap3A_349 {strides = array<i32>} : memref<13x128xi32, #tpu.memory_space<vmem>>, vector<1x16xi32>,
      %get3A_350 = arith.constant 2 : i32
      %get3A_351 = arith.index_cast %get3A_350 : i32 to index
      %get3A_352 = arith.constant 48 : index
      %get3A_353 = tpu.vector_load %arg6[%get3A_351, %get3A_352] {strides = array<i32>} : memref<13x128xi32, #tpu.memory_space<vmem>>, vector<1x16xi32>,
      %get3A_354 = vector.shape_cast %get3A_353 : vector<1x16xi32> to vector<16xi32>
      %get3A_355 = arith.constant 2 : i32
      %get3A_356 = arith.index_cast %get3A_355 : i32 to index
      %get3A_357 = arith.constant 48 : index
      %get3A_358 = tpu.vector_load %arg7[%get3A_356, %get3A_357] {strides = array<i32>} : memref<13x128xi32, #tpu.memory_space<vmem>>, vector<1x16xi32>,
      %get3A_359 = vector.shape_cast %get3A_358 : vector<1x16xi32> to vector<16xi32>
      %add3A_360 = arith.addi %get3A_354, %get3A_359 : vector<16xi32>
      %swap3A_361 = arith.constant 2 : i32
      %swap3A_362 = arith.index_cast %swap3A_361 : i32 to index
      %swap3A_363 = arith.constant 48 : index
      %swap3A_364 = tpu.vector_load %arg6[%swap3A_362, %swap3A_363] {strides = array<i32>} : memref<13x128xi32, #tpu.memory_space<vmem>>, vector<1x16xi32>,
      %swap3A_365 = vector.shape_cast %swap3A_364 : vector<1x16xi32> to vector<16xi32>
      %swap3A_366 = vector.shape_cast %add3A_360 : vector<16xi32> to vector<1x16xi32>
      tpu.vector_store %arg6[%swap3A_362, %swap3A_363], %swap3A_366 {strides = array<i32>} : memref<13x128xi32, #tpu.memory_space<vmem>>, vector<1x16xi32>,
      %get3A_367 = arith.constant 2 : i32
      %get3A_368 = arith.index_cast %get3A_367 : i32 to index
      %get3A_369 = arith.constant 64 : index
      %get3A_370 = tpu.vector_load %arg6[%get3A_368, %get3A_369] {strides = array<i32>} : memref<13x128xi32, #tpu.memory_space<vmem>>, vector<1x16xi32>,
      %get3A_371 = vector.shape_cast %get3A_370 : vector<1x16xi32> to vector<16xi32>
      %get3A_372 = arith.constant 2 : i32
      %get3A_373 = arith.index_cast %get3A_372 : i32 to index
      %get3A_374 = arith.constant 64 : index
      %get3A_375 = tpu.vector_load %arg7[%get3A_373, %get3A_374] {strides = array<i32>} : memref<13x128xi32, #tpu.memory_space<vmem>>, vector<1x16xi32>,
      %get3A_376 = vector.shape_cast %get3A_375 : vector<1x16xi32> to vector<16xi32>
      %add3A_377 = arith.addi %get3A_371, %get3A_376 : vector<16xi32>
      %swap3A_378 = arith.constant 2 : i32
      %swap3A_379 = arith.index_cast %swap3A_378 : i32 to index
      %swap3A_380 = arith.constant 64 : index
      %swap3A_381 = tpu.vector_load %arg6[%swap3A_379, %swap3A_380] {strides = array<i32>} : memref<13x128xi32, #tpu.memory_space<vmem>>, vector<1x16xi32>,
      %swap3A_382 = vector.shape_cast %swap3A_381 : vector<1x16xi32> to vector<16xi32>
      %swap3A_383 = vector.shape_cast %add3A_377 : vector<16xi32> to vector<1x16xi32>
      tpu.vector_store %arg6[%swap3A_379, %swap3A_380], %swap3A_383 {strides = array<i32>} : memref<13x128xi32, #tpu.memory_space<vmem>>, vector<1x16xi32>,
      %get3A_384 = arith.constant 2 : i32
      %get3A_385 = arith.index_cast %get3A_384 : i32 to index
      %get3A_386 = arith.constant 80 : index
      %get3A_387 = tpu.vector_load %arg6[%get3A_385, %get3A_386] {strides = array<i32>} : memref<13x128xi32, #tpu.memory_space<vmem>>, vector<1x16xi32>,
      %get3A_388 = vector.shape_cast %get3A_387 : vector<1x16xi32> to vector<16xi32>
      %get3A_389 = arith.constant 2 : i32
      %get3A_390 = arith.index_cast %get3A_389 : i32 to index
      %get3A_391 = arith.constant 80 : index
      %get3A_392 = tpu.vector_load %arg7[%get3A_390, %get3A_391] {strides = array<i32>} : memref<13x128xi32, #tpu.memory_space<vmem>>, vector<1x16xi32>,
      %get3A_393 = vector.shape_cast %get3A_392 : vector<1x16xi32> to vector<16xi32>
      %add3A_394 = arith.addi %get3A_388, %get3A_393 : vector<16xi32>
      %swap3A_395 = arith.constant 2 : i32
      %swap3A_396 = arith.index_cast %swap3A_395 : i32 to index
      %swap3A_397 = arith.constant 80 : index
      %swap3A_398 = tpu.vector_load %arg6[%swap3A_396, %swap3A_397] {strides = array<i32>} : memref<13x128xi32, #tpu.memory_space<vmem>>, vector<1x16xi32>,
      %swap3A_399 = vector.shape_cast %swap3A_398 : vector<1x16xi32> to vector<16xi32>
      %swap3A_400 = vector.shape_cast %add3A_394 : vector<16xi32> to vector<1x16xi32>
      tpu.vector_store %arg6[%swap3A_396, %swap3A_397], %swap3A_400 {strides = array<i32>} : memref<13x128xi32, #tpu.memory_space<vmem>>, vector<1x16xi32>,
      %get3A_401 = arith.constant 2 : i32
      %get3A_402 = arith.index_cast %get3A_401 : i32 to index
      %get3A_403 = arith.constant 96 : index
      %get3A_404 = tpu.vector_load %arg6[%get3A_402, %get3A_403] {strides = array<i32>} : memref<13x128xi32, #tpu.memory_space<vmem>>, vector<1x16xi32>,
      %get3A_405 = vector.shape_cast %get3A_404 : vector<1x16xi32> to vector<16xi32>
      %get3A_406 = arith.constant 2 : i32
      %get3A_407 = arith.index_cast %get3A_406 : i32 to index
      %get3A_408 = arith.constant 96 : index
      %get3A_409 = tpu.vector_load %arg7[%get3A_407, %get3A_408] {strides = array<i32>} : memref<13x128xi32, #tpu.memory_space<vmem>>, vector<1x16xi32>,
      %get3A_410 = vector.shape_cast %get3A_409 : vector<1x16xi32> to vector<16xi32>
      %add3A_411 = arith.addi %get3A_405, %get3A_410 : vector<16xi32>
      %swap3A_412 = arith.constant 2 : i32
      %swap3A_413 = arith.index_cast %swap3A_412 : i32 to index
      %swap3A_414 = arith.constant 96 : index
      %swap3A_415 = tpu.vector_load %arg6[%swap3A_413, %swap3A_414] {strides = array<i32>} : memref<13x128xi32, #tpu.memory_space<vmem>>, vector<1x16xi32>,
      %swap3A_416 = vector.shape_cast %swap3A_415 : vector<1x16xi32> to vector<16xi32>
      %swap3A_417 = vector.shape_cast %add3A_411 : vector<16xi32> to vector<1x16xi32>
      tpu.vector_store %arg6[%swap3A_413, %swap3A_414], %swap3A_417 {strides = array<i32>} : memref<13x128xi32, #tpu.memory_space<vmem>>, vector<1x16xi32>,
      %get3A_418 = arith.constant 2 : i32
      %get3A_419 = arith.index_cast %get3A_418 : i32 to index
      %get3A_420 = arith.constant 112 : index
      %get3A_421 = tpu.vector_load %arg6[%get3A_419, %get3A_420] {strides = array<i32>} : memref<13x128xi32, #tpu.memory_space<vmem>>, vector<1x16xi32>,
      %get3A_422 = vector.shape_cast %get3A_421 : vector<1x16xi32> to vector<16xi32>
      %get3A_423 = arith.constant 2 : i32
      %get3A_424 = arith.index_cast %get3A_423 : i32 to index
      %get3A_425 = arith.constant 112 : index
      %get3A_426 = tpu.vector_load %arg7[%get3A_424, %get3A_425] {strides = array<i32>} : memref<13x128xi32, #tpu.memory_space<vmem>>, vector<1x16xi32>,
      %get3A_427 = vector.shape_cast %get3A_426 : vector<1x16xi32> to vector<16xi32>
      %add3A_428 = arith.addi %get3A_422, %get3A_427 : vector<16xi32>
      %swap3A_429 = arith.constant 2 : i32
      %swap3A_430 = arith.index_cast %swap3A_429 : i32 to index
      %swap3A_431 = arith.constant 112 : index
      %swap3A_432 = tpu.vector_load %arg6[%swap3A_430, %swap3A_431] {strides = array<i32>} : memref<13x128xi32, #tpu.memory_space<vmem>>, vector<1x16xi32>,
      %swap3A_433 = vector.shape_cast %swap3A_432 : vector<1x16xi32> to vector<16xi32>
      %swap3A_434 = vector.shape_cast %add3A_428 : vector<16xi32> to vector<1x16xi32>
      tpu.vector_store %arg6[%swap3A_430, %swap3A_431], %swap3A_434 {strides = array<i32>} : memref<13x128xi32, #tpu.memory_space<vmem>>, vector<1x16xi32>,
      %get3A_435 = arith.constant 3 : i32
      %get3A_436 = arith.index_cast %get3A_435 : i32 to index
      %get3A_437 = arith.constant 0 : index
      %get3A_438 = tpu.vector_load %arg6[%get3A_436, %get3A_437] {strides = array<i32>} : memref<13x128xi32, #tpu.memory_space<vmem>>, vector<1x16xi32>,
      %get3A_439 = vector.shape_cast %get3A_438 : vector<1x16xi32> to vector<16xi32>
      %get3A_440 = arith.constant 3 : i32
      %get3A_441 = arith.index_cast %get3A_440 : i32 to index
      %get3A_442 = arith.constant 0 : index
      %get3A_443 = tpu.vector_load %arg7[%get3A_441, %get3A_442] {strides = array<i32>} : memref<13x128xi32, #tpu.memory_space<vmem>>, vector<1x16xi32>,
      %get3A_444 = vector.shape_cast %get3A_443 : vector<1x16xi32> to vector<16xi32>
      %add3A_445 = arith.addi %get3A_439, %get3A_444 : vector<16xi32>
      %swap3A_446 = arith.constant 3 : i32
      %swap3A_447 = arith.index_cast %swap3A_446 : i32 to index
      %swap3A_448 = arith.constant 0 : index
      %swap3A_449 = tpu.vector_load %arg6[%swap3A_447, %swap3A_448] {strides = array<i32>} : memref<13x128xi32, #tpu.memory_space<vmem>>, vector<1x16xi32>,
      %swap3A_450 = vector.shape_cast %swap3A_449 : vector<1x16xi32> to vector<16xi32>
      %swap3A_451 = vector.shape_cast %add3A_445 : vector<16xi32> to vector<1x16xi32>
      tpu.vector_store %arg6[%swap3A_447, %swap3A_448], %swap3A_451 {strides = array<i32>} : memref<13x128xi32, #tpu.memory_space<vmem>>, vector<1x16xi32>,
      %get3A_452 = arith.constant 3 : i32
      %get3A_453 = arith.index_cast %get3A_452 : i32 to index
      %get3A_454 = arith.constant 16 : index
      %get3A_455 = tpu.vector_load %arg6[%get3A_453, %get3A_454] {strides = array<i32>} : memref<13x128xi32, #tpu.memory_space<vmem>>, vector<1x16xi32>,
      %get3A_456 = vector.shape_cast %get3A_455 : vector<1x16xi32> to vector<16xi32>
      %get3A_457 = arith.constant 3 : i32
      %get3A_458 = arith.index_cast %get3A_457 : i32 to index
      %get3A_459 = arith.constant 16 : index
      %get3A_460 = tpu.vector_load %arg7[%get3A_458, %get3A_459] {strides = array<i32>} : memref<13x128xi32, #tpu.memory_space<vmem>>, vector<1x16xi32>,
      %get3A_461 = vector.shape_cast %get3A_460 : vector<1x16xi32> to vector<16xi32>
      %add3A_462 = arith.addi %get3A_456, %get3A_461 : vector<16xi32>
      %swap3A_463 = arith.constant 3 : i32
      %swap3A_464 = arith.index_cast %swap3A_463 : i32 to index
      %swap3A_465 = arith.constant 16 : index
      %swap3A_466 = tpu.vector_load %arg6[%swap3A_464, %swap3A_465] {strides = array<i32>} : memref<13x128xi32, #tpu.memory_space<vmem>>, vector<1x16xi32>,
      %swap3A_467 = vector.shape_cast %swap3A_466 : vector<1x16xi32> to vector<16xi32>
      %swap3A_468 = vector.shape_cast %add3A_462 : vector<16xi32> to vector<1x16xi32>
      tpu.vector_store %arg6[%swap3A_464, %swap3A_465], %swap3A_468 {strides = array<i32>} : memref<13x128xi32, #tpu.memory_space<vmem>>, vector<1x16xi32>,
      %get3A_469 = arith.constant 3 : i32
      %get3A_470 = arith.index_cast %get3A_469 : i32 to index
      %get3A_471 = arith.constant 32 : index
      %get3A_472 = tpu.vector_load %arg6[%get3A_470, %get3A_471] {strides = array<i32>} : memref<13x128xi32, #tpu.memory_space<vmem>>, vector<1x16xi32>,
      %get3A_473 = vector.shape_cast %get3A_472 : vector<1x16xi32> to vector<16xi32>
      %get3A_474 = arith.constant 3 : i32
      %get3A_475 = arith.index_cast %get3A_474 : i32 to index
      %get3A_476 = arith.constant 32 : index
      %get3A_477 = tpu.vector_load %arg7[%get3A_475, %get3A_476] {strides = array<i32>} : memref<13x128xi32, #tpu.memory_space<vmem>>, vector<1x16xi32>,
      %get3A_478 = vector.shape_cast %get3A_477 : vector<1x16xi32> to vector<16xi32>
      %add3A_479 = arith.addi %get3A_473, %get3A_478 : vector<16xi32>
      %swap3A_480 = arith.constant 3 : i32
      %swap3A_481 = arith.index_cast %swap3A_480 : i32 to index
      %swap3A_482 = arith.constant 32 : index
      %swap3A_483 = tpu.vector_load %arg6[%swap3A_481, %swap3A_482] {strides = array<i32>} : memref<13x128xi32, #tpu.memory_space<vmem>>, vector<1x16xi32>,
      %swap3A_484 = vector.shape_cast %swap3A_483 : vector<1x16xi32> to vector<16xi32>
      %swap3A_485 = vector.shape_cast %add3A_479 : vector<16xi32> to vector<1x16xi32>
      tpu.vector_store %arg6[%swap3A_481, %swap3A_482], %swap3A_485 {strides = array<i32>} : memref<13x128xi32, #tpu.memory_space<vmem>>, vector<1x16xi32>,
      %get3A_486 = arith.constant 3 : i32
      %get3A_487 = arith.index_cast %get3A_486 : i32 to index
      %get3A_488 = arith.constant 48 : index
      %get3A_489 = tpu.vector_load %arg6[%get3A_487, %get3A_488] {strides = array<i32>} : memref<13x128xi32, #tpu.memory_space<vmem>>, vector<1x16xi32>,
      %get3A_490 = vector.shape_cast %get3A_489 : vector<1x16xi32> to vector<16xi32>
      %get3A_491 = arith.constant 3 : i32
      %get3A_492 = arith.index_cast %get3A_491 : i32 to index
      %get3A_493 = arith.constant 48 : index
      %get3A_494 = tpu.vector_load %arg7[%get3A_492, %get3A_493] {strides = array<i32>} : memref<13x128xi32, #tpu.memory_space<vmem>>, vector<1x16xi32>,
      %get3A_495 = vector.shape_cast %get3A_494 : vector<1x16xi32> to vector<16xi32>
      %add3A_496 = arith.addi %get3A_490, %get3A_495 : vector<16xi32>
      %swap3A_497 = arith.constant 3 : i32
      %swap3A_498 = arith.index_cast %swap3A_497 : i32 to index
      %swap3A_499 = arith.constant 48 : index
      %swap3A_500 = tpu.vector_load %arg6[%swap3A_498, %swap3A_499] {strides = array<i32>} : memref<13x128xi32, #tpu.memory_space<vmem>>, vector<1x16xi32>,
      %swap3A_501 = vector.shape_cast %swap3A_500 : vector<1x16xi32> to vector<16xi32>
      %swap3A_502 = vector.shape_cast %add3A_496 : vector<16xi32> to vector<1x16xi32>
      tpu.vector_store %arg6[%swap3A_498, %swap3A_499], %swap3A_502 {strides = array<i32>} : memref<13x128xi32, #tpu.memory_space<vmem>>, vector<1x16xi32>,
      %get3A_503 = arith.constant 3 : i32
      %get3A_504 = arith.index_cast %get3A_503 : i32 to index
      %get3A_505 = arith.constant 64 : index
      %get3A_506 = tpu.vector_load %arg6[%get3A_504, %get3A_505] {strides = array<i32>} : memref<13x128xi32, #tpu.memory_space<vmem>>, vector<1x16xi32>,
      %get3A_507 = vector.shape_cast %get3A_506 : vector<1x16xi32> to vector<16xi32>
      %get3A_508 = arith.constant 3 : i32
      %get3A_509 = arith.index_cast %get3A_508 : i32 to index
      %get3A_510 = arith.constant 64 : index
      %get3A_511 = tpu.vector_load %arg7[%get3A_509, %get3A_510] {strides = array<i32>} : memref<13x128xi32, #tpu.memory_space<vmem>>, vector<1x16xi32>,
      %get3A_512 = vector.shape_cast %get3A_511 : vector<1x16xi32> to vector<16xi32>
      %add3A_513 = arith.addi %get3A_507, %get3A_512 : vector<16xi32>
      %swap3A_514 = arith.constant 3 : i32
      %swap3A_515 = arith.index_cast %swap3A_514 : i32 to index
      %swap3A_516 = arith.constant 64 : index
      %swap3A_517 = tpu.vector_load %arg6[%swap3A_515, %swap3A_516] {strides = array<i32>} : memref<13x128xi32, #tpu.memory_space<vmem>>, vector<1x16xi32>,
      %swap3A_518 = vector.shape_cast %swap3A_517 : vector<1x16xi32> to vector<16xi32>
      %swap3A_519 = vector.shape_cast %add3A_513 : vector<16xi32> to vector<1x16xi32>
      tpu.vector_store %arg6[%swap3A_515, %swap3A_516], %swap3A_519 {strides = array<i32>} : memref<13x128xi32, #tpu.memory_space<vmem>>, vector<1x16xi32>,
      %get3A_520 = arith.constant 3 : i32
      %get3A_521 = arith.index_cast %get3A_520 : i32 to index
      %get3A_522 = arith.constant 80 : index
      %get3A_523 = tpu.vector_load %arg6[%get3A_521, %get3A_522] {strides = array<i32>} : memref<13x128xi32, #tpu.memory_space<vmem>>, vector<1x16xi32>,
      %get3A_524 = vector.shape_cast %get3A_523 : vector<1x16xi32> to vector<16xi32>
      %get3A_525 = arith.constant 3 : i32
      %get3A_526 = arith.index_cast %get3A_525 : i32 to index
      %get3A_527 = arith.constant 80 : index
      %get3A_528 = tpu.vector_load %arg7[%get3A_526, %get3A_527] {strides = array<i32>} : memref<13x128xi32, #tpu.memory_space<vmem>>, vector<1x16xi32>,
      %get3A_529 = vector.shape_cast %get3A_528 : vector<1x16xi32> to vector<16xi32>
      %add3A_530 = arith.addi %get3A_524, %get3A_529 : vector<16xi32>
      %swap3A_531 = arith.constant 3 : i32
      %swap3A_532 = arith.index_cast %swap3A_531 : i32 to index
      %swap3A_533 = arith.constant 80 : index
      %swap3A_534 = tpu.vector_load %arg6[%swap3A_532, %swap3A_533] {strides = array<i32>} : memref<13x128xi32, #tpu.memory_space<vmem>>, vector<1x16xi32>,
      %swap3A_535 = vector.shape_cast %swap3A_534 : vector<1x16xi32> to vector<16xi32>
      %swap3A_536 = vector.shape_cast %add3A_530 : vector<16xi32> to vector<1x16xi32>
      tpu.vector_store %arg6[%swap3A_532, %swap3A_533], %swap3A_536 {strides = array<i32>} : memref<13x128xi32, #tpu.memory_space<vmem>>, vector<1x16xi32>,
      %get3A_537 = arith.constant 3 : i32
      %get3A_538 = arith.index_cast %get3A_537 : i32 to index
      %get3A_539 = arith.constant 96 : index
      %get3A_540 = tpu.vector_load %arg6[%get3A_538, %get3A_539] {strides = array<i32>} : memref<13x128xi32, #tpu.memory_space<vmem>>, vector<1x16xi32>,
      %get3A_541 = vector.shape_cast %get3A_540 : vector<1x16xi32> to vector<16xi32>
      %get3A_542 = arith.constant 3 : i32
      %get3A_543 = arith.index_cast %get3A_542 : i32 to index
      %get3A_544 = arith.constant 96 : index
      %get3A_545 = tpu.vector_load %arg7[%get3A_543, %get3A_544] {strides = array<i32>} : memref<13x128xi32, #tpu.memory_space<vmem>>, vector<1x16xi32>,
      %get3A_546 = vector.shape_cast %get3A_545 : vector<1x16xi32> to vector<16xi32>
      %add3A_547 = arith.addi %get3A_541, %get3A_546 : vector<16xi32>
      %swap3A_548 = arith.constant 3 : i32
      %swap3A_549 = arith.index_cast %swap3A_548 : i32 to index
      %swap3A_550 = arith.constant 96 : index
      %swap3A_551 = tpu.vector_load %arg6[%swap3A_549, %swap3A_550] {strides = array<i32>} : memref<13x128xi32, #tpu.memory_space<vmem>>, vector<1x16xi32>,
      %swap3A_552 = vector.shape_cast %swap3A_551 : vector<1x16xi32> to vector<16xi32>
      %swap3A_553 = vector.shape_cast %add3A_547 : vector<16xi32> to vector<1x16xi32>
      tpu.vector_store %arg6[%swap3A_549, %swap3A_550], %swap3A_553 {strides = array<i32>} : memref<13x128xi32, #tpu.memory_space<vmem>>, vector<1x16xi32>,
      %get3A_554 = arith.constant 3 : i32
      %get3A_555 = arith.index_cast %get3A_554 : i32 to index
      %get3A_556 = arith.constant 112 : index
      %get3A_557 = tpu.vector_load %arg6[%get3A_555, %get3A_556] {strides = array<i32>} : memref<13x128xi32, #tpu.memory_space<vmem>>, vector<1x16xi32>,
      %get3A_558 = vector.shape_cast %get3A_557 : vector<1x16xi32> to vector<16xi32>
      %get3A_559 = arith.constant 3 : i32
      %get3A_560 = arith.index_cast %get3A_559 : i32 to index
      %get3A_561 = arith.constant 112 : index
      %get3A_562 = tpu.vector_load %arg7[%get3A_560, %get3A_561] {strides = array<i32>} : memref<13x128xi32, #tpu.memory_space<vmem>>, vector<1x16xi32>,
      %get3A_563 = vector.shape_cast %get3A_562 : vector<1x16xi32> to vector<16xi32>
      %add3A_564 = arith.addi %get3A_558, %get3A_563 : vector<16xi32>
      %swap3A_565 = arith.constant 3 : i32
      %swap3A_566 = arith.index_cast %swap3A_565 : i32 to index
      %swap3A_567 = arith.constant 112 : index
      %swap3A_568 = tpu.vector_load %arg6[%swap3A_566, %swap3A_567] {strides = array<i32>} : memref<13x128xi32, #tpu.memory_space<vmem>>, vector<1x16xi32>,
      %swap3A_569 = vector.shape_cast %swap3A_568 : vector<1x16xi32> to vector<16xi32>
      %swap3A_570 = vector.shape_cast %add3A_564 : vector<16xi32> to vector<1x16xi32>
      tpu.vector_store %arg6[%swap3A_566, %swap3A_567], %swap3A_570 {strides = array<i32>} : memref<13x128xi32, #tpu.memory_space<vmem>>, vector<1x16xi32>,
      %get3A_571 = arith.constant 4 : i32
      %get3A_572 = arith.index_cast %get3A_571 : i32 to index
      %get3A_573 = arith.constant 0 : index
      %get3A_574 = tpu.vector_load %arg6[%get3A_572, %get3A_573] {strides = array<i32>} : memref<13x128xi32, #tpu.memory_space<vmem>>, vector<1x16xi32>,
      %get3A_575 = vector.shape_cast %get3A_574 : vector<1x16xi32> to vector<16xi32>
      %get3A_576 = arith.constant 4 : i32
      %get3A_577 = arith.index_cast %get3A_576 : i32 to index
      %get3A_578 = arith.constant 0 : index
      %get3A_579 = tpu.vector_load %arg7[%get3A_577, %get3A_578] {strides = array<i32>} : memref<13x128xi32, #tpu.memory_space<vmem>>, vector<1x16xi32>,
      %get3A_580 = vector.shape_cast %get3A_579 : vector<1x16xi32> to vector<16xi32>
      %add3A_581 = arith.addi %get3A_575, %get3A_580 : vector<16xi32>
      %swap3A_582 = arith.constant 4 : i32
      %swap3A_583 = arith.index_cast %swap3A_582 : i32 to index
      %swap3A_584 = arith.constant 0 : index
      %swap3A_585 = tpu.vector_load %arg6[%swap3A_583, %swap3A_584] {strides = array<i32>} : memref<13x128xi32, #tpu.memory_space<vmem>>, vector<1x16xi32>,
      %swap3A_586 = vector.shape_cast %swap3A_585 : vector<1x16xi32> to vector<16xi32>
      %swap3A_587 = vector.shape_cast %add3A_581 : vector<16xi32> to vector<1x16xi32>
      tpu.vector_store %arg6[%swap3A_583, %swap3A_584], %swap3A_587 {strides = array<i32>} : memref<13x128xi32, #tpu.memory_space<vmem>>, vector<1x16xi32>,
      %get3A_588 = arith.constant 4 : i32
      %get3A_589 = arith.index_cast %get3A_588 : i32 to index
      %get3A_590 = arith.constant 16 : index
      %get3A_591 = tpu.vector_load %arg6[%get3A_589, %get3A_590] {strides = array<i32>} : memref<13x128xi32, #tpu.memory_space<vmem>>, vector<1x16xi32>,
      %get3A_592 = vector.shape_cast %get3A_591 : vector<1x16xi32> to vector<16xi32>
      %get3A_593 = arith.constant 4 : i32
      %get3A_594 = arith.index_cast %get3A_593 : i32 to index
      %get3A_595 = arith.constant 16 : index
      %get3A_596 = tpu.vector_load %arg7[%get3A_594, %get3A_595] {strides = array<i32>} : memref<13x128xi32, #tpu.memory_space<vmem>>, vector<1x16xi32>,
      %get3A_597 = vector.shape_cast %get3A_596 : vector<1x16xi32> to vector<16xi32>
      %add3A_598 = arith.addi %get3A_592, %get3A_597 : vector<16xi32>
      %swap3A_599 = arith.constant 4 : i32
      %swap3A_600 = arith.index_cast %swap3A_599 : i32 to index
      %swap3A_601 = arith.constant 16 : index
      %swap3A_602 = tpu.vector_load %arg6[%swap3A_600, %swap3A_601] {strides = array<i32>} : memref<13x128xi32, #tpu.memory_space<vmem>>, vector<1x16xi32>,
      %swap3A_603 = vector.shape_cast %swap3A_602 : vector<1x16xi32> to vector<16xi32>
      %swap3A_604 = vector.shape_cast %add3A_598 : vector<16xi32> to vector<1x16xi32>
      tpu.vector_store %arg6[%swap3A_600, %swap3A_601], %swap3A_604 {strides = array<i32>} : memref<13x128xi32, #tpu.memory_space<vmem>>, vector<1x16xi32>,
      %get3A_605 = arith.constant 4 : i32
      %get3A_606 = arith.index_cast %get3A_605 : i32 to index
      %get3A_607 = arith.constant 32 : index
      %get3A_608 = tpu.vector_load %arg6[%get3A_606, %get3A_607] {strides = array<i32>} : memref<13x128xi32, #tpu.memory_space<vmem>>, vector<1x16xi32>,
      %get3A_609 = vector.shape_cast %get3A_608 : vector<1x16xi32> to vector<16xi32>
      %get3A_610 = arith.constant 4 : i32
      %get3A_611 = arith.index_cast %get3A_610 : i32 to index
      %get3A_612 = arith.constant 32 : index
      %get3A_613 = tpu.vector_load %arg7[%get3A_611, %get3A_612] {strides = array<i32>} : memref<13x128xi32, #tpu.memory_space<vmem>>, vector<1x16xi32>,
      %get3A_614 = vector.shape_cast %get3A_613 : vector<1x16xi32> to vector<16xi32>
      %add3A_615 = arith.addi %get3A_609, %get3A_614 : vector<16xi32>
      %swap3A_616 = arith.constant 4 : i32
      %swap3A_617 = arith.index_cast %swap3A_616 : i32 to index
      %swap3A_618 = arith.constant 32 : index
      %swap3A_619 = tpu.vector_load %arg6[%swap3A_617, %swap3A_618] {strides = array<i32>} : memref<13x128xi32, #tpu.memory_space<vmem>>, vector<1x16xi32>,
      %swap3A_620 = vector.shape_cast %swap3A_619 : vector<1x16xi32> to vector<16xi32>
      %swap3A_621 = vector.shape_cast %add3A_615 : vector<16xi32> to vector<1x16xi32>
      tpu.vector_store %arg6[%swap3A_617, %swap3A_618], %swap3A_621 {strides = array<i32>} : memref<13x128xi32, #tpu.memory_space<vmem>>, vector<1x16xi32>,
      %get3A_622 = arith.constant 4 : i32
      %get3A_623 = arith.index_cast %get3A_622 : i32 to index
      %get3A_624 = arith.constant 48 : index
      %get3A_625 = tpu.vector_load %arg6[%get3A_623, %get3A_624] {strides = array<i32>} : memref<13x128xi32, #tpu.memory_space<vmem>>, vector<1x16xi32>,
      %get3A_626 = vector.shape_cast %get3A_625 : vector<1x16xi32> to vector<16xi32>
      %get3A_627 = arith.constant 4 : i32
      %get3A_628 = arith.index_cast %get3A_627 : i32 to index
      %get3A_629 = arith.constant 48 : index
      %get3A_630 = tpu.vector_load %arg7[%get3A_628, %get3A_629] {strides = array<i32>} : memref<13x128xi32, #tpu.memory_space<vmem>>, vector<1x16xi32>,
      %get3A_631 = vector.shape_cast %get3A_630 : vector<1x16xi32> to vector<16xi32>
      %add3A_632 = arith.addi %get3A_626, %get3A_631 : vector<16xi32>
      %swap3A_633 = arith.constant 4 : i32
      %swap3A_634 = arith.index_cast %swap3A_633 : i32 to index
      %swap3A_635 = arith.constant 48 : index
      %swap3A_636 = tpu.vector_load %arg6[%swap3A_634, %swap3A_635] {strides = array<i32>} : memref<13x128xi32, #tpu.memory_space<vmem>>, vector<1x16xi32>,
      %swap3A_637 = vector.shape_cast %swap3A_636 : vector<1x16xi32> to vector<16xi32>
      %swap3A_638 = vector.shape_cast %add3A_632 : vector<16xi32> to vector<1x16xi32>
      tpu.vector_store %arg6[%swap3A_634, %swap3A_635], %swap3A_638 {strides = array<i32>} : memref<13x128xi32, #tpu.memory_space<vmem>>, vector<1x16xi32>,
      %get3A_639 = arith.constant 4 : i32
      %get3A_640 = arith.index_cast %get3A_639 : i32 to index
      %get3A_641 = arith.constant 64 : index
      %get3A_642 = tpu.vector_load %arg6[%get3A_640, %get3A_641] {strides = array<i32>} : memref<13x128xi32, #tpu.memory_space<vmem>>, vector<1x16xi32>,
      %get3A_643 = vector.shape_cast %get3A_642 : vector<1x16xi32> to vector<16xi32>
      %get3A_644 = arith.constant 4 : i32
      %get3A_645 = arith.index_cast %get3A_644 : i32 to index
      %get3A_646 = arith.constant 64 : index
      %get3A_647 = tpu.vector_load %arg7[%get3A_645, %get3A_646] {strides = array<i32>} : memref<13x128xi32, #tpu.memory_space<vmem>>, vector<1x16xi32>,
      %get3A_648 = vector.shape_cast %get3A_647 : vector<1x16xi32> to vector<16xi32>
      %add3A_649 = arith.addi %get3A_643, %get3A_648 : vector<16xi32>
      %swap3A_650 = arith.constant 4 : i32
      %swap3A_651 = arith.index_cast %swap3A_650 : i32 to index
      %swap3A_652 = arith.constant 64 : index
      %swap3A_653 = tpu.vector_load %arg6[%swap3A_651, %swap3A_652] {strides = array<i32>} : memref<13x128xi32, #tpu.memory_space<vmem>>, vector<1x16xi32>,
      %swap3A_654 = vector.shape_cast %swap3A_653 : vector<1x16xi32> to vector<16xi32>
      %swap3A_655 = vector.shape_cast %add3A_649 : vector<16xi32> to vector<1x16xi32>
      tpu.vector_store %arg6[%swap3A_651, %swap3A_652], %swap3A_655 {strides = array<i32>} : memref<13x128xi32, #tpu.memory_space<vmem>>, vector<1x16xi32>,
      %get3A_656 = arith.constant 4 : i32
      %get3A_657 = arith.index_cast %get3A_656 : i32 to index
      %get3A_658 = arith.constant 80 : index
      %get3A_659 = tpu.vector_load %arg6[%get3A_657, %get3A_658] {strides = array<i32>} : memref<13x128xi32, #tpu.memory_space<vmem>>, vector<1x16xi32>,
      %get3A_660 = vector.shape_cast %get3A_659 : vector<1x16xi32> to vector<16xi32>
      %get3A_661 = arith.constant 4 : i32
      %get3A_662 = arith.index_cast %get3A_661 : i32 to index
      %get3A_663 = arith.constant 80 : index
      %get3A_664 = tpu.vector_load %arg7[%get3A_662, %get3A_663] {strides = array<i32>} : memref<13x128xi32, #tpu.memory_space<vmem>>, vector<1x16xi32>,
      %get3A_665 = vector.shape_cast %get3A_664 : vector<1x16xi32> to vector<16xi32>
      %add3A_666 = arith.addi %get3A_660, %get3A_665 : vector<16xi32>
      %swap3A_667 = arith.constant 4 : i32
      %swap3A_668 = arith.index_cast %swap3A_667 : i32 to index
      %swap3A_669 = arith.constant 80 : index
      %swap3A_670 = tpu.vector_load %arg6[%swap3A_668, %swap3A_669] {strides = array<i32>} : memref<13x128xi32, #tpu.memory_space<vmem>>, vector<1x16xi32>,
      %swap3A_671 = vector.shape_cast %swap3A_670 : vector<1x16xi32> to vector<16xi32>
      %swap3A_672 = vector.shape_cast %add3A_666 : vector<16xi32> to vector<1x16xi32>
      tpu.vector_store %arg6[%swap3A_668, %swap3A_669], %swap3A_672 {strides = array<i32>} : memref<13x128xi32, #tpu.memory_space<vmem>>, vector<1x16xi32>,
      %get3A_673 = arith.constant 4 : i32
      %get3A_674 = arith.index_cast %get3A_673 : i32 to index
      %get3A_675 = arith.constant 96 : index
      %get3A_676 = tpu.vector_load %arg6[%get3A_674, %get3A_675] {strides = array<i32>} : memref<13x128xi32, #tpu.memory_space<vmem>>, vector<1x16xi32>,
      %get3A_677 = vector.shape_cast %get3A_676 : vector<1x16xi32> to vector<16xi32>
      %get3A_678 = arith.constant 4 : i32
      %get3A_679 = arith.index_cast %get3A_678 : i32 to index
      %get3A_680 = arith.constant 96 : index
      %get3A_681 = tpu.vector_load %arg7[%get3A_679, %get3A_680] {strides = array<i32>} : memref<13x128xi32, #tpu.memory_space<vmem>>, vector<1x16xi32>,
      %get3A_682 = vector.shape_cast %get3A_681 : vector<1x16xi32> to vector<16xi32>
      %add3A_683 = arith.addi %get3A_677, %get3A_682 : vector<16xi32>
      %swap3A_684 = arith.constant 4 : i32
      %swap3A_685 = arith.index_cast %swap3A_684 : i32 to index
      %swap3A_686 = arith.constant 96 : index
      %swap3A_687 = tpu.vector_load %arg6[%swap3A_685, %swap3A_686] {strides = array<i32>} : memref<13x128xi32, #tpu.memory_space<vmem>>, vector<1x16xi32>,
      %swap3A_688 = vector.shape_cast %swap3A_687 : vector<1x16xi32> to vector<16xi32>
      %swap3A_689 = vector.shape_cast %add3A_683 : vector<16xi32> to vector<1x16xi32>
      tpu.vector_store %arg6[%swap3A_685, %swap3A_686], %swap3A_689 {strides = array<i32>} : memref<13x128xi32, #tpu.memory_space<vmem>>, vector<1x16xi32>,
      %get3A_690 = arith.constant 4 : i32
      %get3A_691 = arith.index_cast %get3A_690 : i32 to index
      %get3A_692 = arith.constant 112 : index
      %get3A_693 = tpu.vector_load %arg6[%get3A_691, %get3A_692] {strides = array<i32>} : memref<13x128xi32, #tpu.memory_space<vmem>>, vector<1x16xi32>,
      %get3A_694 = vector.shape_cast %get3A_693 : vector<1x16xi32> to vector<16xi32>
      %get3A_695 = arith.constant 4 : i32
      %get3A_696 = arith.index_cast %get3A_695 : i32 to index
      %get3A_697 = arith.constant 112 : index
      %get3A_698 = tpu.vector_load %arg7[%get3A_696, %get3A_697] {strides = array<i32>} : memref<13x128xi32, #tpu.memory_space<vmem>>, vector<1x16xi32>,
      %get3A_699 = vector.shape_cast %get3A_698 : vector<1x16xi32> to vector<16xi32>
      %add3A_700 = arith.addi %get3A_694, %get3A_699 : vector<16xi32>
      %swap3A_701 = arith.constant 4 : i32
      %swap3A_702 = arith.index_cast %swap3A_701 : i32 to index
      %swap3A_703 = arith.constant 112 : index
      %swap3A_704 = tpu.vector_load %arg6[%swap3A_702, %swap3A_703] {strides = array<i32>} : memref<13x128xi32, #tpu.memory_space<vmem>>, vector<1x16xi32>,
      %swap3A_705 = vector.shape_cast %swap3A_704 : vector<1x16xi32> to vector<16xi32>
      %swap3A_706 = vector.shape_cast %add3A_700 : vector<16xi32> to vector<1x16xi32>
      tpu.vector_store %arg6[%swap3A_702, %swap3A_703], %swap3A_706 {strides = array<i32>} : memref<13x128xi32, #tpu.memory_space<vmem>>, vector<1x16xi32>,
      %get3A_707 = arith.constant 5 : i32
      %get3A_708 = arith.index_cast %get3A_707 : i32 to index
      %get3A_709 = arith.constant 0 : index
      %get3A_710 = tpu.vector_load %arg6[%get3A_708, %get3A_709] {strides = array<i32>} : memref<13x128xi32, #tpu.memory_space<vmem>>, vector<1x16xi32>,
      %get3A_711 = vector.shape_cast %get3A_710 : vector<1x16xi32> to vector<16xi32>
      %get3A_712 = arith.constant 5 : i32
      %get3A_713 = arith.index_cast %get3A_712 : i32 to index
      %get3A_714 = arith.constant 0 : index
      %get3A_715 = tpu.vector_load %arg7[%get3A_713, %get3A_714] {strides = array<i32>} : memref<13x128xi32, #tpu.memory_space<vmem>>, vector<1x16xi32>,
      %get3A_716 = vector.shape_cast %get3A_715 : vector<1x16xi32> to vector<16xi32>
      %add3A_717 = arith.addi %get3A_711, %get3A_716 : vector<16xi32>
      %swap3A_718 = arith.constant 5 : i32
      %swap3A_719 = arith.index_cast %swap3A_718 : i32 to index
      %swap3A_720 = arith.constant 0 : index
      %swap3A_721 = tpu.vector_load %arg6[%swap3A_719, %swap3A_720] {strides = array<i32>} : memref<13x128xi32, #tpu.memory_space<vmem>>, vector<1x16xi32>,
      %swap3A_722 = vector.shape_cast %swap3A_721 : vector<1x16xi32> to vector<16xi32>
      %swap3A_723 = vector.shape_cast %add3A_717 : vector<16xi32> to vector<1x16xi32>
      tpu.vector_store %arg6[%swap3A_719, %swap3A_720], %swap3A_723 {strides = array<i32>} : memref<13x128xi32, #tpu.memory_space<vmem>>, vector<1x16xi32>,
      %get3A_724 = arith.constant 5 : i32
      %get3A_725 = arith.index_cast %get3A_724 : i32 to index
      %get3A_726 = arith.constant 16 : index
      %get3A_727 = tpu.vector_load %arg6[%get3A_725, %get3A_726] {strides = array<i32>} : memref<13x128xi32, #tpu.memory_space<vmem>>, vector<1x16xi32>,
      %get3A_728 = vector.shape_cast %get3A_727 : vector<1x16xi32> to vector<16xi32>
      %get3A_729 = arith.constant 5 : i32
      %get3A_730 = arith.index_cast %get3A_729 : i32 to index
      %get3A_731 = arith.constant 16 : index
      %get3A_732 = tpu.vector_load %arg7[%get3A_730, %get3A_731] {strides = array<i32>} : memref<13x128xi32, #tpu.memory_space<vmem>>, vector<1x16xi32>,
      %get3A_733 = vector.shape_cast %get3A_732 : vector<1x16xi32> to vector<16xi32>
      %add3A_734 = arith.addi %get3A_728, %get3A_733 : vector<16xi32>
      %swap3A_735 = arith.constant 5 : i32
      %swap3A_736 = arith.index_cast %swap3A_735 : i32 to index
      %swap3A_737 = arith.constant 16 : index
      %swap3A_738 = tpu.vector_load %arg6[%swap3A_736, %swap3A_737] {strides = array<i32>} : memref<13x128xi32, #tpu.memory_space<vmem>>, vector<1x16xi32>,
      %swap3A_739 = vector.shape_cast %swap3A_738 : vector<1x16xi32> to vector<16xi32>
      %swap3A_740 = vector.shape_cast %add3A_734 : vector<16xi32> to vector<1x16xi32>
      tpu.vector_store %arg6[%swap3A_736, %swap3A_737], %swap3A_740 {strides = array<i32>} : memref<13x128xi32, #tpu.memory_space<vmem>>, vector<1x16xi32>,
      %get3A_741 = arith.constant 5 : i32
      %get3A_742 = arith.index_cast %get3A_741 : i32 to index
      %get3A_743 = arith.constant 32 : index
      %get3A_744 = tpu.vector_load %arg6[%get3A_742, %get3A_743] {strides = array<i32>} : memref<13x128xi32, #tpu.memory_space<vmem>>, vector<1x16xi32>,
      %get3A_745 = vector.shape_cast %get3A_744 : vector<1x16xi32> to vector<16xi32>
      %get3A_746 = arith.constant 5 : i32
      %get3A_747 = arith.index_cast %get3A_746 : i32 to index
      %get3A_748 = arith.constant 32 : index
      %get3A_749 = tpu.vector_load %arg7[%get3A_747, %get3A_748] {strides = array<i32>} : memref<13x128xi32, #tpu.memory_space<vmem>>, vector<1x16xi32>,
      %get3A_750 = vector.shape_cast %get3A_749 : vector<1x16xi32> to vector<16xi32>
      %add3A_751 = arith.addi %get3A_745, %get3A_750 : vector<16xi32>
      %swap3A_752 = arith.constant 5 : i32
      %swap3A_753 = arith.index_cast %swap3A_752 : i32 to index
      %swap3A_754 = arith.constant 32 : index
      %swap3A_755 = tpu.vector_load %arg6[%swap3A_753, %swap3A_754] {strides = array<i32>} : memref<13x128xi32, #tpu.memory_space<vmem>>, vector<1x16xi32>,
      %swap3A_756 = vector.shape_cast %swap3A_755 : vector<1x16xi32> to vector<16xi32>
      %swap3A_757 = vector.shape_cast %add3A_751 : vector<16xi32> to vector<1x16xi32>
      tpu.vector_store %arg6[%swap3A_753, %swap3A_754], %swap3A_757 {strides = array<i32>} : memref<13x128xi32, #tpu.memory_space<vmem>>, vector<1x16xi32>,
      %get3A_758 = arith.constant 5 : i32
      %get3A_759 = arith.index_cast %get3A_758 : i32 to index
      %get3A_760 = arith.constant 48 : index
      %get3A_761 = tpu.vector_load %arg6[%get3A_759, %get3A_760] {strides = array<i32>} : memref<13x128xi32, #tpu.memory_space<vmem>>, vector<1x16xi32>,
      %get3A_762 = vector.shape_cast %get3A_761 : vector<1x16xi32> to vector<16xi32>
      %get3A_763 = arith.constant 5 : i32
      %get3A_764 = arith.index_cast %get3A_763 : i32 to index
      %get3A_765 = arith.constant 48 : index
      %get3A_766 = tpu.vector_load %arg7[%get3A_764, %get3A_765] {strides = array<i32>} : memref<13x128xi32, #tpu.memory_space<vmem>>, vector<1x16xi32>,
      %get3A_767 = vector.shape_cast %get3A_766 : vector<1x16xi32> to vector<16xi32>
      %add3A_768 = arith.addi %get3A_762, %get3A_767 : vector<16xi32>
      %swap3A_769 = arith.constant 5 : i32
      %swap3A_770 = arith.index_cast %swap3A_769 : i32 to index
      %swap3A_771 = arith.constant 48 : index
      %swap3A_772 = tpu.vector_load %arg6[%swap3A_770, %swap3A_771] {strides = array<i32>} : memref<13x128xi32, #tpu.memory_space<vmem>>, vector<1x16xi32>,
      %swap3A_773 = vector.shape_cast %swap3A_772 : vector<1x16xi32> to vector<16xi32>
      %swap3A_774 = vector.shape_cast %add3A_768 : vector<16xi32> to vector<1x16xi32>
      tpu.vector_store %arg6[%swap3A_770, %swap3A_771], %swap3A_774 {strides = array<i32>} : memref<13x128xi32, #tpu.memory_space<vmem>>, vector<1x16xi32>,
      %get3A_775 = arith.constant 5 : i32
      %get3A_776 = arith.index_cast %get3A_775 : i32 to index
      %get3A_777 = arith.constant 64 : index
      %get3A_778 = tpu.vector_load %arg6[%get3A_776, %get3A_777] {strides = array<i32>} : memref<13x128xi32, #tpu.memory_space<vmem>>, vector<1x16xi32>,
      %get3A_779 = vector.shape_cast %get3A_778 : vector<1x16xi32> to vector<16xi32>
      %get3A_780 = arith.constant 5 : i32
      %get3A_781 = arith.index_cast %get3A_780 : i32 to index
      %get3A_782 = arith.constant 64 : index
      %get3A_783 = tpu.vector_load %arg7[%get3A_781, %get3A_782] {strides = array<i32>} : memref<13x128xi32, #tpu.memory_space<vmem>>, vector<1x16xi32>,
      %get3A_784 = vector.shape_cast %get3A_783 : vector<1x16xi32> to vector<16xi32>
      %add3A_785 = arith.addi %get3A_779, %get3A_784 : vector<16xi32>
      %swap3A_786 = arith.constant 5 : i32
      %swap3A_787 = arith.index_cast %swap3A_786 : i32 to index
      %swap3A_788 = arith.constant 64 : index
      %swap3A_789 = tpu.vector_load %arg6[%swap3A_787, %swap3A_788] {strides = array<i32>} : memref<13x128xi32, #tpu.memory_space<vmem>>, vector<1x16xi32>,
      %swap3A_790 = vector.shape_cast %swap3A_789 : vector<1x16xi32> to vector<16xi32>
      %swap3A_791 = vector.shape_cast %add3A_785 : vector<16xi32> to vector<1x16xi32>
      tpu.vector_store %arg6[%swap3A_787, %swap3A_788], %swap3A_791 {strides = array<i32>} : memref<13x128xi32, #tpu.memory_space<vmem>>, vector<1x16xi32>,
      %get3A_792 = arith.constant 5 : i32
      %get3A_793 = arith.index_cast %get3A_792 : i32 to index
      %get3A_794 = arith.constant 80 : index
      %get3A_795 = tpu.vector_load %arg6[%get3A_793, %get3A_794] {strides = array<i32>} : memref<13x128xi32, #tpu.memory_space<vmem>>, vector<1x16xi32>,
      %get3A_796 = vector.shape_cast %get3A_795 : vector<1x16xi32> to vector<16xi32>
      %get3A_797 = arith.constant 5 : i32
      %get3A_798 = arith.index_cast %get3A_797 : i32 to index
      %get3A_799 = arith.constant 80 : index
      %get3A_800 = tpu.vector_load %arg7[%get3A_798, %get3A_799] {strides = array<i32>} : memref<13x128xi32, #tpu.memory_space<vmem>>, vector<1x16xi32>,
      %get3A_801 = vector.shape_cast %get3A_800 : vector<1x16xi32> to vector<16xi32>
      %add3A_802 = arith.addi %get3A_796, %get3A_801 : vector<16xi32>
      %swap3A_803 = arith.constant 5 : i32
      %swap3A_804 = arith.index_cast %swap3A_803 : i32 to index
      %swap3A_805 = arith.constant 80 : index
      %swap3A_806 = tpu.vector_load %arg6[%swap3A_804, %swap3A_805] {strides = array<i32>} : memref<13x128xi32, #tpu.memory_space<vmem>>, vector<1x16xi32>,
      %swap3A_807 = vector.shape_cast %swap3A_806 : vector<1x16xi32> to vector<16xi32>
      %swap3A_808 = vector.shape_cast %add3A_802 : vector<16xi32> to vector<1x16xi32>
      tpu.vector_store %arg6[%swap3A_804, %swap3A_805], %swap3A_808 {strides = array<i32>} : memref<13x128xi32, #tpu.memory_space<vmem>>, vector<1x16xi32>,
      %get3A_809 = arith.constant 5 : i32
      %get3A_810 = arith.index_cast %get3A_809 : i32 to index
      %get3A_811 = arith.constant 96 : index
      %get3A_812 = tpu.vector_load %arg6[%get3A_810, %get3A_811] {strides = array<i32>} : memref<13x128xi32, #tpu.memory_space<vmem>>, vector<1x16xi32>,
      %get3A_813 = vector.shape_cast %get3A_812 : vector<1x16xi32> to vector<16xi32>
      %get3A_814 = arith.constant 5 : i32
      %get3A_815 = arith.index_cast %get3A_814 : i32 to index
      %get3A_816 = arith.constant 96 : index
      %get3A_817 = tpu.vector_load %arg7[%get3A_815, %get3A_816] {strides = array<i32>} : memref<13x128xi32, #tpu.memory_space<vmem>>, vector<1x16xi32>,
      %get3A_818 = vector.shape_cast %get3A_817 : vector<1x16xi32> to vector<16xi32>
      %add3A_819 = arith.addi %get3A_813, %get3A_818 : vector<16xi32>
      %swap3A_820 = arith.constant 5 : i32
      %swap3A_821 = arith.index_cast %swap3A_820 : i32 to index
      %swap3A_822 = arith.constant 96 : index
      %swap3A_823 = tpu.vector_load %arg6[%swap3A_821, %swap3A_822] {strides = array<i32>} : memref<13x128xi32, #tpu.memory_space<vmem>>, vector<1x16xi32>,
      %swap3A_824 = vector.shape_cast %swap3A_823 : vector<1x16xi32> to vector<16xi32>
      %swap3A_825 = vector.shape_cast %add3A_819 : vector<16xi32> to vector<1x16xi32>
      tpu.vector_store %arg6[%swap3A_821, %swap3A_822], %swap3A_825 {strides = array<i32>} : memref<13x128xi32, #tpu.memory_space<vmem>>, vector<1x16xi32>,
      %get3A_826 = arith.constant 5 : i32
      %get3A_827 = arith.index_cast %get3A_826 : i32 to index
      %get3A_828 = arith.constant 112 : index
      %get3A_829 = tpu.vector_load %arg6[%get3A_827, %get3A_828] {strides = array<i32>} : memref<13x128xi32, #tpu.memory_space<vmem>>, vector<1x16xi32>,
      %get3A_830 = vector.shape_cast %get3A_829 : vector<1x16xi32> to vector<16xi32>
      %get3A_831 = arith.constant 5 : i32
      %get3A_832 = arith.index_cast %get3A_831 : i32 to index
      %get3A_833 = arith.constant 112 : index
      %get3A_834 = tpu.vector_load %arg7[%get3A_832, %get3A_833] {strides = array<i32>} : memref<13x128xi32, #tpu.memory_space<vmem>>, vector<1x16xi32>,
      %get3A_835 = vector.shape_cast %get3A_834 : vector<1x16xi32> to vector<16xi32>
      %add3A_836 = arith.addi %get3A_830, %get3A_835 : vector<16xi32>
      %swap3A_837 = arith.constant 5 : i32
      %swap3A_838 = arith.index_cast %swap3A_837 : i32 to index
      %swap3A_839 = arith.constant 112 : index
      %swap3A_840 = tpu.vector_load %arg6[%swap3A_838, %swap3A_839] {strides = array<i32>} : memref<13x128xi32, #tpu.memory_space<vmem>>, vector<1x16xi32>,
      %swap3A_841 = vector.shape_cast %swap3A_840 : vector<1x16xi32> to vector<16xi32>
      %swap3A_842 = vector.shape_cast %add3A_836 : vector<16xi32> to vector<1x16xi32>
      tpu.vector_store %arg6[%swap3A_838, %swap3A_839], %swap3A_842 {strides = array<i32>} : memref<13x128xi32, #tpu.memory_space<vmem>>, vector<1x16xi32>,
      %get3A_843 = arith.constant 6 : i32
      %get3A_844 = arith.index_cast %get3A_843 : i32 to index
      %get3A_845 = arith.constant 0 : index
      %get3A_846 = tpu.vector_load %arg6[%get3A_844, %get3A_845] {strides = array<i32>} : memref<13x128xi32, #tpu.memory_space<vmem>>, vector<1x16xi32>,
      %get3A_847 = vector.shape_cast %get3A_846 : vector<1x16xi32> to vector<16xi32>
      %get3A_848 = arith.constant 6 : i32
      %get3A_849 = arith.index_cast %get3A_848 : i32 to index
      %get3A_850 = arith.constant 0 : index
      %get3A_851 = tpu.vector_load %arg7[%get3A_849, %get3A_850] {strides = array<i32>} : memref<13x128xi32, #tpu.memory_space<vmem>>, vector<1x16xi32>,
      %get3A_852 = vector.shape_cast %get3A_851 : vector<1x16xi32> to vector<16xi32>
      %add3A_853 = arith.addi %get3A_847, %get3A_852 : vector<16xi32>
      %swap3A_854 = arith.constant 6 : i32
      %swap3A_855 = arith.index_cast %swap3A_854 : i32 to index
      %swap3A_856 = arith.constant 0 : index
      %swap3A_857 = tpu.vector_load %arg6[%swap3A_855, %swap3A_856] {strides = array<i32>} : memref<13x128xi32, #tpu.memory_space<vmem>>, vector<1x16xi32>,
      %swap3A_858 = vector.shape_cast %swap3A_857 : vector<1x16xi32> to vector<16xi32>
      %swap3A_859 = vector.shape_cast %add3A_853 : vector<16xi32> to vector<1x16xi32>
      tpu.vector_store %arg6[%swap3A_855, %swap3A_856], %swap3A_859 {strides = array<i32>} : memref<13x128xi32, #tpu.memory_space<vmem>>, vector<1x16xi32>,
      %get3A_860 = arith.constant 6 : i32
      %get3A_861 = arith.index_cast %get3A_860 : i32 to index
      %get3A_862 = arith.constant 16 : index
      %get3A_863 = tpu.vector_load %arg6[%get3A_861, %get3A_862] {strides = array<i32>} : memref<13x128xi32, #tpu.memory_space<vmem>>, vector<1x16xi32>,
      %get3A_864 = vector.shape_cast %get3A_863 : vector<1x16xi32> to vector<16xi32>
      %get3A_865 = arith.constant 6 : i32
      %get3A_866 = arith.index_cast %get3A_865 : i32 to index
      %get3A_867 = arith.constant 16 : index
      %get3A_868 = tpu.vector_load %arg7[%get3A_866, %get3A_867] {strides = array<i32>} : memref<13x128xi32, #tpu.memory_space<vmem>>, vector<1x16xi32>,
      %get3A_869 = vector.shape_cast %get3A_868 : vector<1x16xi32> to vector<16xi32>
      %add3A_870 = arith.addi %get3A_864, %get3A_869 : vector<16xi32>
      %swap3A_871 = arith.constant 6 : i32
      %swap3A_872 = arith.index_cast %swap3A_871 : i32 to index
      %swap3A_873 = arith.constant 16 : index
      %swap3A_874 = tpu.vector_load %arg6[%swap3A_872, %swap3A_873] {strides = array<i32>} : memref<13x128xi32, #tpu.memory_space<vmem>>, vector<1x16xi32>,
      %swap3A_875 = vector.shape_cast %swap3A_874 : vector<1x16xi32> to vector<16xi32>
      %swap3A_876 = vector.shape_cast %add3A_870 : vector<16xi32> to vector<1x16xi32>
      tpu.vector_store %arg6[%swap3A_872, %swap3A_873], %swap3A_876 {strides = array<i32>} : memref<13x128xi32, #tpu.memory_space<vmem>>, vector<1x16xi32>,
      %get3A_877 = arith.constant 6 : i32
      %get3A_878 = arith.index_cast %get3A_877 : i32 to index
      %get3A_879 = arith.constant 32 : index
      %get3A_880 = tpu.vector_load %arg6[%get3A_878, %get3A_879] {strides = array<i32>} : memref<13x128xi32, #tpu.memory_space<vmem>>, vector<1x16xi32>,
      %get3A_881 = vector.shape_cast %get3A_880 : vector<1x16xi32> to vector<16xi32>
      %get3A_882 = arith.constant 6 : i32
      %get3A_883 = arith.index_cast %get3A_882 : i32 to index
      %get3A_884 = arith.constant 32 : index
      %get3A_885 = tpu.vector_load %arg7[%get3A_883, %get3A_884] {strides = array<i32>} : memref<13x128xi32, #tpu.memory_space<vmem>>, vector<1x16xi32>,
      %get3A_886 = vector.shape_cast %get3A_885 : vector<1x16xi32> to vector<16xi32>
      %add3A_887 = arith.addi %get3A_881, %get3A_886 : vector<16xi32>
      %swap3A_888 = arith.constant 6 : i32
      %swap3A_889 = arith.index_cast %swap3A_888 : i32 to index
      %swap3A_890 = arith.constant 32 : index
      %swap3A_891 = tpu.vector_load %arg6[%swap3A_889, %swap3A_890] {strides = array<i32>} : memref<13x128xi32, #tpu.memory_space<vmem>>, vector<1x16xi32>,
      %swap3A_892 = vector.shape_cast %swap3A_891 : vector<1x16xi32> to vector<16xi32>
      %swap3A_893 = vector.shape_cast %add3A_887 : vector<16xi32> to vector<1x16xi32>
      tpu.vector_store %arg6[%swap3A_889, %swap3A_890], %swap3A_893 {strides = array<i32>} : memref<13x128xi32, #tpu.memory_space<vmem>>, vector<1x16xi32>,
      %get3A_894 = arith.constant 6 : i32
      %get3A_895 = arith.index_cast %get3A_894 : i32 to index
      %get3A_896 = arith.constant 48 : index
      %get3A_897 = tpu.vector_load %arg6[%get3A_895, %get3A_896] {strides = array<i32>} : memref<13x128xi32, #tpu.memory_space<vmem>>, vector<1x16xi32>,
      %get3A_898 = vector.shape_cast %get3A_897 : vector<1x16xi32> to vector<16xi32>
      %get3A_899 = arith.constant 6 : i32
      %get3A_900 = arith.index_cast %get3A_899 : i32 to index
      %get3A_901 = arith.constant 48 : index
      %get3A_902 = tpu.vector_load %arg7[%get3A_900, %get3A_901] {strides = array<i32>} : memref<13x128xi32, #tpu.memory_space<vmem>>, vector<1x16xi32>,
      %get3A_903 = vector.shape_cast %get3A_902 : vector<1x16xi32> to vector<16xi32>
      %add3A_904 = arith.addi %get3A_898, %get3A_903 : vector<16xi32>
      %swap3A_905 = arith.constant 6 : i32
      %swap3A_906 = arith.index_cast %swap3A_905 : i32 to index
      %swap3A_907 = arith.constant 48 : index
      %swap3A_908 = tpu.vector_load %arg6[%swap3A_906, %swap3A_907] {strides = array<i32>} : memref<13x128xi32, #tpu.memory_space<vmem>>, vector<1x16xi32>,
      %swap3A_909 = vector.shape_cast %swap3A_908 : vector<1x16xi32> to vector<16xi32>
      %swap3A_910 = vector.shape_cast %add3A_904 : vector<16xi32> to vector<1x16xi32>
      tpu.vector_store %arg6[%swap3A_906, %swap3A_907], %swap3A_910 {strides = array<i32>} : memref<13x128xi32, #tpu.memory_space<vmem>>, vector<1x16xi32>,
      %get3A_911 = arith.constant 6 : i32
      %get3A_912 = arith.index_cast %get3A_911 : i32 to index
      %get3A_913 = arith.constant 64 : index
      %get3A_914 = tpu.vector_load %arg6[%get3A_912, %get3A_913] {strides = array<i32>} : memref<13x128xi32, #tpu.memory_space<vmem>>, vector<1x16xi32>,
      %get3A_915 = vector.shape_cast %get3A_914 : vector<1x16xi32> to vector<16xi32>
      %get3A_916 = arith.constant 6 : i32
      %get3A_917 = arith.index_cast %get3A_916 : i32 to index
      %get3A_918 = arith.constant 64 : index
      %get3A_919 = tpu.vector_load %arg7[%get3A_917, %get3A_918] {strides = array<i32>} : memref<13x128xi32, #tpu.memory_space<vmem>>, vector<1x16xi32>,
      %get3A_920 = vector.shape_cast %get3A_919 : vector<1x16xi32> to vector<16xi32>
      %add3A_921 = arith.addi %get3A_915, %get3A_920 : vector<16xi32>
      %swap3A_922 = arith.constant 6 : i32
      %swap3A_923 = arith.index_cast %swap3A_922 : i32 to index
      %swap3A_924 = arith.constant 64 : index
      %swap3A_925 = tpu.vector_load %arg6[%swap3A_923, %swap3A_924] {strides = array<i32>} : memref<13x128xi32, #tpu.memory_space<vmem>>, vector<1x16xi32>,
      %swap3A_926 = vector.shape_cast %swap3A_925 : vector<1x16xi32> to vector<16xi32>
      %swap3A_927 = vector.shape_cast %add3A_921 : vector<16xi32> to vector<1x16xi32>
      tpu.vector_store %arg6[%swap3A_923, %swap3A_924], %swap3A_927 {strides = array<i32>} : memref<13x128xi32, #tpu.memory_space<vmem>>, vector<1x16xi32>,
      %get3A_928 = arith.constant 6 : i32
      %get3A_929 = arith.index_cast %get3A_928 : i32 to index
      %get3A_930 = arith.constant 80 : index
      %get3A_931 = tpu.vector_load %arg6[%get3A_929, %get3A_930] {strides = array<i32>} : memref<13x128xi32, #tpu.memory_space<vmem>>, vector<1x16xi32>,
      %get3A_932 = vector.shape_cast %get3A_931 : vector<1x16xi32> to vector<16xi32>
      %get3A_933 = arith.constant 6 : i32
      %get3A_934 = arith.index_cast %get3A_933 : i32 to index
      %get3A_935 = arith.constant 80 : index
      %get3A_936 = tpu.vector_load %arg7[%get3A_934, %get3A_935] {strides = array<i32>} : memref<13x128xi32, #tpu.memory_space<vmem>>, vector<1x16xi32>,
      %get3A_937 = vector.shape_cast %get3A_936 : vector<1x16xi32> to vector<16xi32>
      %add3A_938 = arith.addi %get3A_932, %get3A_937 : vector<16xi32>
      %swap3A_939 = arith.constant 6 : i32
      %swap3A_940 = arith.index_cast %swap3A_939 : i32 to index
      %swap3A_941 = arith.constant 80 : index
      %swap3A_942 = tpu.vector_load %arg6[%swap3A_940, %swap3A_941] {strides = array<i32>} : memref<13x128xi32, #tpu.memory_space<vmem>>, vector<1x16xi32>,
      %swap3A_943 = vector.shape_cast %swap3A_942 : vector<1x16xi32> to vector<16xi32>
      %swap3A_944 = vector.shape_cast %add3A_938 : vector<16xi32> to vector<1x16xi32>
      tpu.vector_store %arg6[%swap3A_940, %swap3A_941], %swap3A_944 {strides = array<i32>} : memref<13x128xi32, #tpu.memory_space<vmem>>, vector<1x16xi32>,
      %get3A_945 = arith.constant 6 : i32
      %get3A_946 = arith.index_cast %get3A_945 : i32 to index
      %get3A_947 = arith.constant 96 : index
      %get3A_948 = tpu.vector_load %arg6[%get3A_946, %get3A_947] {strides = array<i32>} : memref<13x128xi32, #tpu.memory_space<vmem>>, vector<1x16xi32>,
      %get3A_949 = vector.shape_cast %get3A_948 : vector<1x16xi32> to vector<16xi32>
      %get3A_950 = arith.constant 6 : i32
      %get3A_951 = arith.index_cast %get3A_950 : i32 to index
      %get3A_952 = arith.constant 96 : index
      %get3A_953 = tpu.vector_load %arg7[%get3A_951, %get3A_952] {strides = array<i32>} : memref<13x128xi32, #tpu.memory_space<vmem>>, vector<1x16xi32>,
      %get3A_954 = vector.shape_cast %get3A_953 : vector<1x16xi32> to vector<16xi32>
      %add3A_955 = arith.addi %get3A_949, %get3A_954 : vector<16xi32>
      %swap3A_956 = arith.constant 6 : i32
      %swap3A_957 = arith.index_cast %swap3A_956 : i32 to index
      %swap3A_958 = arith.constant 96 : index
      %swap3A_959 = tpu.vector_load %arg6[%swap3A_957, %swap3A_958] {strides = array<i32>} : memref<13x128xi32, #tpu.memory_space<vmem>>, vector<1x16xi32>,
      %swap3A_960 = vector.shape_cast %swap3A_959 : vector<1x16xi32> to vector<16xi32>
      %swap3A_961 = vector.shape_cast %add3A_955 : vector<16xi32> to vector<1x16xi32>
      tpu.vector_store %arg6[%swap3A_957, %swap3A_958], %swap3A_961 {strides = array<i32>} : memref<13x128xi32, #tpu.memory_space<vmem>>, vector<1x16xi32>,
      %get3A_962 = arith.constant 6 : i32
      %get3A_963 = arith.index_cast %get3A_962 : i32 to index
      %get3A_964 = arith.constant 112 : index
      %get3A_965 = tpu.vector_load %arg6[%get3A_963, %get3A_964] {strides = array<i32>} : memref<13x128xi32, #tpu.memory_space<vmem>>, vector<1x16xi32>,
      %get3A_966 = vector.shape_cast %get3A_965 : vector<1x16xi32> to vector<16xi32>
      %get3A_967 = arith.constant 6 : i32
      %get3A_968 = arith.index_cast %get3A_967 : i32 to index
      %get3A_969 = arith.constant 112 : index
      %get3A_970 = tpu.vector_load %arg7[%get3A_968, %get3A_969] {strides = array<i32>} : memref<13x128xi32, #tpu.memory_space<vmem>>, vector<1x16xi32>,
      %get3A_971 = vector.shape_cast %get3A_970 : vector<1x16xi32> to vector<16xi32>
      %add3A_972 = arith.addi %get3A_966, %get3A_971 : vector<16xi32>
      %swap3A_973 = arith.constant 6 : i32
      %swap3A_974 = arith.index_cast %swap3A_973 : i32 to index
      %swap3A_975 = arith.constant 112 : index
      %swap3A_976 = tpu.vector_load %arg6[%swap3A_974, %swap3A_975] {strides = array<i32>} : memref<13x128xi32, #tpu.memory_space<vmem>>, vector<1x16xi32>,
      %swap3A_977 = vector.shape_cast %swap3A_976 : vector<1x16xi32> to vector<16xi32>
      %swap3A_978 = vector.shape_cast %add3A_972 : vector<16xi32> to vector<1x16xi32>
      tpu.vector_store %arg6[%swap3A_974, %swap3A_975], %swap3A_978 {strides = array<i32>} : memref<13x128xi32, #tpu.memory_space<vmem>>, vector<1x16xi32>,
      %get3A_979 = arith.constant 7 : i32
      %get3A_980 = arith.index_cast %get3A_979 : i32 to index
      %get3A_981 = arith.constant 0 : index
      %get3A_982 = tpu.vector_load %arg6[%get3A_980, %get3A_981] {strides = array<i32>} : memref<13x128xi32, #tpu.memory_space<vmem>>, vector<1x16xi32>,
      %get3A_983 = vector.shape_cast %get3A_982 : vector<1x16xi32> to vector<16xi32>
      %get3A_984 = arith.constant 7 : i32
      %get3A_985 = arith.index_cast %get3A_984 : i32 to index
      %get3A_986 = arith.constant 0 : index
      %get3A_987 = tpu.vector_load %arg7[%get3A_985, %get3A_986] {strides = array<i32>} : memref<13x128xi32, #tpu.memory_space<vmem>>, vector<1x16xi32>,
      %get3A_988 = vector.shape_cast %get3A_987 : vector<1x16xi32> to vector<16xi32>
      %add3A_989 = arith.addi %get3A_983, %get3A_988 : vector<16xi32>
      %swap3A_990 = arith.constant 7 : i32
      %swap3A_991 = arith.index_cast %swap3A_990 : i32 to index
      %swap3A_992 = arith.constant 0 : index
      %swap3A_993 = tpu.vector_load %arg6[%swap3A_991, %swap3A_992] {strides = array<i32>} : memref<13x128xi32, #tpu.memory_space<vmem>>, vector<1x16xi32>,
      %swap3A_994 = vector.shape_cast %swap3A_993 : vector<1x16xi32> to vector<16xi32>
      %swap3A_995 = vector.shape_cast %add3A_989 : vector<16xi32> to vector<1x16xi32>
      tpu.vector_store %arg6[%swap3A_991, %swap3A_992], %swap3A_995 {strides = array<i32>} : memref<13x128xi32, #tpu.memory_space<vmem>>, vector<1x16xi32>,
      %get3A_996 = arith.constant 7 : i32
      %get3A_997 = arith.index_cast %get3A_996 : i32 to index
      %get3A_998 = arith.constant 16 : index
      %get3A_999 = tpu.vector_load %arg6[%get3A_997, %get3A_998] {strides = array<i32>} : memref<13x128xi32, #tpu.memory_space<vmem>>, vector<1x16xi32>,
      %get3A_1000 = vector.shape_cast %get3A_999 : vector<1x16xi32> to vector<16xi32>
      %get3A_1001 = arith.constant 7 : i32
      %get3A_1002 = arith.index_cast %get3A_1001 : i32 to index
      %get3A_1003 = arith.constant 16 : index
      %get3A_1004 = tpu.vector_load %arg7[%get3A_1002, %get3A_1003] {strides = array<i32>} : memref<13x128xi32, #tpu.memory_space<vmem>>, vector<1x16xi32>,
      %get3A_1005 = vector.shape_cast %get3A_1004 : vector<1x16xi32> to vector<16xi32>
      %add3A_1006 = arith.addi %get3A_1000, %get3A_1005 : vector<16xi32>
      %swap3A_1007 = arith.constant 7 : i32
      %swap3A_1008 = arith.index_cast %swap3A_1007 : i32 to index
      %swap3A_1009 = arith.constant 16 : index
      %swap3A_1010 = tpu.vector_load %arg6[%swap3A_1008, %swap3A_1009] {strides = array<i32>} : memref<13x128xi32, #tpu.memory_space<vmem>>, vector<1x16xi32>,
      %swap3A_1011 = vector.shape_cast %swap3A_1010 : vector<1x16xi32> to vector<16xi32>
      %swap3A_1012 = vector.shape_cast %add3A_1006 : vector<16xi32> to vector<1x16xi32>
      tpu.vector_store %arg6[%swap3A_1008, %swap3A_1009], %swap3A_1012 {strides = array<i32>} : memref<13x128xi32, #tpu.memory_space<vmem>>, vector<1x16xi32>,
      %get3A_1013 = arith.constant 7 : i32
      %get3A_1014 = arith.index_cast %get3A_1013 : i32 to index
      %get3A_1015 = arith.constant 32 : index
      %get3A_1016 = tpu.vector_load %arg6[%get3A_1014, %get3A_1015] {strides = array<i32>} : memref<13x128xi32, #tpu.memory_space<vmem>>, vector<1x16xi32>,
      %get3A_1017 = vector.shape_cast %get3A_1016 : vector<1x16xi32> to vector<16xi32>
      %get3A_1018 = arith.constant 7 : i32
      %get3A_1019 = arith.index_cast %get3A_1018 : i32 to index
      %get3A_1020 = arith.constant 32 : index
      %get3A_1021 = tpu.vector_load %arg7[%get3A_1019, %get3A_1020] {strides = array<i32>} : memref<13x128xi32, #tpu.memory_space<vmem>>, vector<1x16xi32>,
      %get3A_1022 = vector.shape_cast %get3A_1021 : vector<1x16xi32> to vector<16xi32>
      %add3A_1023 = arith.addi %get3A_1017, %get3A_1022 : vector<16xi32>
      %swap3A_1024 = arith.constant 7 : i32
      %swap3A_1025 = arith.index_cast %swap3A_1024 : i32 to index
      %swap3A_1026 = arith.constant 32 : index
      %swap3A_1027 = tpu.vector_load %arg6[%swap3A_1025, %swap3A_1026] {strides = array<i32>} : memref<13x128xi32, #tpu.memory_space<vmem>>, vector<1x16xi32>,
      %swap3A_1028 = vector.shape_cast %swap3A_1027 : vector<1x16xi32> to vector<16xi32>
      %swap3A_1029 = vector.shape_cast %add3A_1023 : vector<16xi32> to vector<1x16xi32>
      tpu.vector_store %arg6[%swap3A_1025, %swap3A_1026], %swap3A_1029 {strides = array<i32>} : memref<13x128xi32, #tpu.memory_space<vmem>>, vector<1x16xi32>,
      %get3A_1030 = arith.constant 7 : i32
      %get3A_1031 = arith.index_cast %get3A_1030 : i32 to index
      %get3A_1032 = arith.constant 48 : index
      %get3A_1033 = tpu.vector_load %arg6[%get3A_1031, %get3A_1032] {strides = array<i32>} : memref<13x128xi32, #tpu.memory_space<vmem>>, vector<1x16xi32>,
      %get3A_1034 = vector.shape_cast %get3A_1033 : vector<1x16xi32> to vector<16xi32>
      %get3A_1035 = arith.constant 7 : i32
      %get3A_1036 = arith.index_cast %get3A_1035 : i32 to index
      %get3A_1037 = arith.constant 48 : index
      %get3A_1038 = tpu.vector_load %arg7[%get3A_1036, %get3A_1037] {strides = array<i32>} : memref<13x128xi32, #tpu.memory_space<vmem>>, vector<1x16xi32>,
      %get3A_1039 = vector.shape_cast %get3A_1038 : vector<1x16xi32> to vector<16xi32>
      %add3A_1040 = arith.addi %get3A_1034, %get3A_1039 : vector<16xi32>
      %swap3A_1041 = arith.constant 7 : i32
      %swap3A_1042 = arith.index_cast %swap3A_1041 : i32 to index
      %swap3A_1043 = arith.constant 48 : index
      %swap3A_1044 = tpu.vector_load %arg6[%swap3A_1042, %swap3A_1043] {strides = array<i32>} : memref<13x128xi32, #tpu.memory_space<vmem>>, vector<1x16xi32>,
      %swap3A_1045 = vector.shape_cast %swap3A_1044 : vector<1x16xi32> to vector<16xi32>
      %swap3A_1046 = vector.shape_cast %add3A_1040 : vector<16xi32> to vector<1x16xi32>
      tpu.vector_store %arg6[%swap3A_1042, %swap3A_1043], %swap3A_1046 {strides = array<i32>} : memref<13x128xi32, #tpu.memory_space<vmem>>, vector<1x16xi32>,
      %get3A_1047 = arith.constant 7 : i32
      %get3A_1048 = arith.index_cast %get3A_1047 : i32 to index
      %get3A_1049 = arith.constant 64 : index
      %get3A_1050 = tpu.vector_load %arg6[%get3A_1048, %get3A_1049] {strides = array<i32>} : memref<13x128xi32, #tpu.memory_space<vmem>>, vector<1x16xi32>,
      %get3A_1051 = vector.shape_cast %get3A_1050 : vector<1x16xi32> to vector<16xi32>
      %get3A_1052 = arith.constant 7 : i32
      %get3A_1053 = arith.index_cast %get3A_1052 : i32 to index
      %get3A_1054 = arith.constant 64 : index
      %get3A_1055 = tpu.vector_load %arg7[%get3A_1053, %get3A_1054] {strides = array<i32>} : memref<13x128xi32, #tpu.memory_space<vmem>>, vector<1x16xi32>,
      %get3A_1056 = vector.shape_cast %get3A_1055 : vector<1x16xi32> to vector<16xi32>
      %add3A_1057 = arith.addi %get3A_1051, %get3A_1056 : vector<16xi32>
      %swap3A_1058 = arith.constant 7 : i32
      %swap3A_1059 = arith.index_cast %swap3A_1058 : i32 to index
      %swap3A_1060 = arith.constant 64 : index
      %swap3A_1061 = tpu.vector_load %arg6[%swap3A_1059, %swap3A_1060] {strides = array<i32>} : memref<13x128xi32, #tpu.memory_space<vmem>>, vector<1x16xi32>,
      %swap3A_1062 = vector.shape_cast %swap3A_1061 : vector<1x16xi32> to vector<16xi32>
      %swap3A_1063 = vector.shape_cast %add3A_1057 : vector<16xi32> to vector<1x16xi32>
      tpu.vector_store %arg6[%swap3A_1059, %swap3A_1060], %swap3A_1063 {strides = array<i32>} : memref<13x128xi32, #tpu.memory_space<vmem>>, vector<1x16xi32>,
      %get3A_1064 = arith.constant 7 : i32
      %get3A_1065 = arith.index_cast %get3A_1064 : i32 to index
      %get3A_1066 = arith.constant 80 : index
      %get3A_1067 = tpu.vector_load %arg6[%get3A_1065, %get3A_1066] {strides = array<i32>} : memref<13x128xi32, #tpu.memory_space<vmem>>, vector<1x16xi32>,
      %get3A_1068 = vector.shape_cast %get3A_1067 : vector<1x16xi32> to vector<16xi32>
      %get3A_1069 = arith.constant 7 : i32
      %get3A_1070 = arith.index_cast %get3A_1069 : i32 to index
      %get3A_1071 = arith.constant 80 : index
      %get3A_1072 = tpu.vector_load %arg7[%get3A_1070, %get3A_1071] {strides = array<i32>} : memref<13x128xi32, #tpu.memory_space<vmem>>, vector<1x16xi32>,
      %get3A_1073 = vector.shape_cast %get3A_1072 : vector<1x16xi32> to vector<16xi32>
      %add3A_1074 = arith.addi %get3A_1068, %get3A_1073 : vector<16xi32>
      %swap3A_1075 = arith.constant 7 : i32
      %swap3A_1076 = arith.index_cast %swap3A_1075 : i32 to index
      %swap3A_1077 = arith.constant 80 : index
      %swap3A_1078 = tpu.vector_load %arg6[%swap3A_1076, %swap3A_1077] {strides = array<i32>} : memref<13x128xi32, #tpu.memory_space<vmem>>, vector<1x16xi32>,
      %swap3A_1079 = vector.shape_cast %swap3A_1078 : vector<1x16xi32> to vector<16xi32>
      %swap3A_1080 = vector.shape_cast %add3A_1074 : vector<16xi32> to vector<1x16xi32>
      tpu.vector_store %arg6[%swap3A_1076, %swap3A_1077], %swap3A_1080 {strides = array<i32>} : memref<13x128xi32, #tpu.memory_space<vmem>>, vector<1x16xi32>,
      %get3A_1081 = arith.constant 7 : i32
      %get3A_1082 = arith.index_cast %get3A_1081 : i32 to index
      %get3A_1083 = arith.constant 96 : index
      %get3A_1084 = tpu.vector_load %arg6[%get3A_1082, %get3A_1083] {strides = array<i32>} : memref<13x128xi32, #tpu.memory_space<vmem>>, vector<1x16xi32>,
      %get3A_1085 = vector.shape_cast %get3A_1084 : vector<1x16xi32> to vector<16xi32>
      %get3A_1086 = arith.constant 7 : i32
      %get3A_1087 = arith.index_cast %get3A_1086 : i32 to index
      %get3A_1088 = arith.constant 96 : index
      %get3A_1089 = tpu.vector_load %arg7[%get3A_1087, %get3A_1088] {strides = array<i32>} : memref<13x128xi32, #tpu.memory_space<vmem>>, vector<1x16xi32>,
      %get3A_1090 = vector.shape_cast %get3A_1089 : vector<1x16xi32> to vector<16xi32>
      %add3A_1091 = arith.addi %get3A_1085, %get3A_1090 : vector<16xi32>
      %swap3A_1092 = arith.constant 7 : i32
      %swap3A_1093 = arith.index_cast %swap3A_1092 : i32 to index
      %swap3A_1094 = arith.constant 96 : index
      %swap3A_1095 = tpu.vector_load %arg6[%swap3A_1093, %swap3A_1094] {strides = array<i32>} : memref<13x128xi32, #tpu.memory_space<vmem>>, vector<1x16xi32>,
      %swap3A_1096 = vector.shape_cast %swap3A_1095 : vector<1x16xi32> to vector<16xi32>
      %swap3A_1097 = vector.shape_cast %add3A_1091 : vector<16xi32> to vector<1x16xi32>
      tpu.vector_store %arg6[%swap3A_1093, %swap3A_1094], %swap3A_1097 {strides = array<i32>} : memref<13x128xi32, #tpu.memory_space<vmem>>, vector<1x16xi32>,
      %get3A_1098 = arith.constant 7 : i32
      %get3A_1099 = arith.index_cast %get3A_1098 : i32 to index
      %get3A_1100 = arith.constant 112 : index
      %get3A_1101 = tpu.vector_load %arg6[%get3A_1099, %get3A_1100] {strides = array<i32>} : memref<13x128xi32, #tpu.memory_space<vmem>>, vector<1x16xi32>,
      %get3A_1102 = vector.shape_cast %get3A_1101 : vector<1x16xi32> to vector<16xi32>
      %get3A_1103 = arith.constant 7 : i32
      %get3A_1104 = arith.index_cast %get3A_1103 : i32 to index
      %get3A_1105 = arith.constant 112 : index
      %get3A_1106 = tpu.vector_load %arg7[%get3A_1104, %get3A_1105] {strides = array<i32>} : memref<13x128xi32, #tpu.memory_space<vmem>>, vector<1x16xi32>,
      %get3A_1107 = vector.shape_cast %get3A_1106 : vector<1x16xi32> to vector<16xi32>
      %add3A_1108 = arith.addi %get3A_1102, %get3A_1107 : vector<16xi32>
      %swap3A_1109 = arith.constant 7 : i32
      %swap3A_1110 = arith.index_cast %swap3A_1109 : i32 to index
      %swap3A_1111 = arith.constant 112 : index
      %swap3A_1112 = tpu.vector_load %arg6[%swap3A_1110, %swap3A_1111] {strides = array<i32>} : memref<13x128xi32, #tpu.memory_space<vmem>>, vector<1x16xi32>,
      %swap3A_1113 = vector.shape_cast %swap3A_1112 : vector<1x16xi32> to vector<16xi32>
      %swap3A_1114 = vector.shape_cast %add3A_1108 : vector<16xi32> to vector<1x16xi32>
      tpu.vector_store %arg6[%swap3A_1110, %swap3A_1111], %swap3A_1114 {strides = array<i32>} : memref<13x128xi32, #tpu.memory_space<vmem>>, vector<1x16xi32>,
      %get3A_1115 = arith.constant 8 : i32
      %get3A_1116 = arith.index_cast %get3A_1115 : i32 to index
      %get3A_1117 = arith.constant 0 : index
      %get3A_1118 = tpu.vector_load %arg6[%get3A_1116, %get3A_1117] {strides = array<i32>} : memref<13x128xi32, #tpu.memory_space<vmem>>, vector<1x16xi32>,
      %get3A_1119 = vector.shape_cast %get3A_1118 : vector<1x16xi32> to vector<16xi32>
      %get3A_1120 = arith.constant 8 : i32
      %get3A_1121 = arith.index_cast %get3A_1120 : i32 to index
      %get3A_1122 = arith.constant 0 : index
      %get3A_1123 = tpu.vector_load %arg7[%get3A_1121, %get3A_1122] {strides = array<i32>} : memref<13x128xi32, #tpu.memory_space<vmem>>, vector<1x16xi32>,
      %get3A_1124 = vector.shape_cast %get3A_1123 : vector<1x16xi32> to vector<16xi32>
      %add3A_1125 = arith.addi %get3A_1119, %get3A_1124 : vector<16xi32>
      %swap3A_1126 = arith.constant 8 : i32
      %swap3A_1127 = arith.index_cast %swap3A_1126 : i32 to index
      %swap3A_1128 = arith.constant 0 : index
      %swap3A_1129 = tpu.vector_load %arg6[%swap3A_1127, %swap3A_1128] {strides = array<i32>} : memref<13x128xi32, #tpu.memory_space<vmem>>, vector<1x16xi32>,
      %swap3A_1130 = vector.shape_cast %swap3A_1129 : vector<1x16xi32> to vector<16xi32>
      %swap3A_1131 = vector.shape_cast %add3A_1125 : vector<16xi32> to vector<1x16xi32>
      tpu.vector_store %arg6[%swap3A_1127, %swap3A_1128], %swap3A_1131 {strides = array<i32>} : memref<13x128xi32, #tpu.memory_space<vmem>>, vector<1x16xi32>,
      %get3A_1132 = arith.constant 8 : i32
      %get3A_1133 = arith.index_cast %get3A_1132 : i32 to index
      %get3A_1134 = arith.constant 16 : index
      %get3A_1135 = tpu.vector_load %arg6[%get3A_1133, %get3A_1134] {strides = array<i32>} : memref<13x128xi32, #tpu.memory_space<vmem>>, vector<1x16xi32>,
      %get3A_1136 = vector.shape_cast %get3A_1135 : vector<1x16xi32> to vector<16xi32>
      %get3A_1137 = arith.constant 8 : i32
      %get3A_1138 = arith.index_cast %get3A_1137 : i32 to index
      %get3A_1139 = arith.constant 16 : index
      %get3A_1140 = tpu.vector_load %arg7[%get3A_1138, %get3A_1139] {strides = array<i32>} : memref<13x128xi32, #tpu.memory_space<vmem>>, vector<1x16xi32>,
      %get3A_1141 = vector.shape_cast %get3A_1140 : vector<1x16xi32> to vector<16xi32>
      %add3A_1142 = arith.addi %get3A_1136, %get3A_1141 : vector<16xi32>
      %swap3A_1143 = arith.constant 8 : i32
      %swap3A_1144 = arith.index_cast %swap3A_1143 : i32 to index
      %swap3A_1145 = arith.constant 16 : index
      %swap3A_1146 = tpu.vector_load %arg6[%swap3A_1144, %swap3A_1145] {strides = array<i32>} : memref<13x128xi32, #tpu.memory_space<vmem>>, vector<1x16xi32>,
      %swap3A_1147 = vector.shape_cast %swap3A_1146 : vector<1x16xi32> to vector<16xi32>
      %swap3A_1148 = vector.shape_cast %add3A_1142 : vector<16xi32> to vector<1x16xi32>
      tpu.vector_store %arg6[%swap3A_1144, %swap3A_1145], %swap3A_1148 {strides = array<i32>} : memref<13x128xi32, #tpu.memory_space<vmem>>, vector<1x16xi32>,
      %get3A_1149 = arith.constant 8 : i32
      %get3A_1150 = arith.index_cast %get3A_1149 : i32 to index
      %get3A_1151 = arith.constant 32 : index
      %get3A_1152 = tpu.vector_load %arg6[%get3A_1150, %get3A_1151] {strides = array<i32>} : memref<13x128xi32, #tpu.memory_space<vmem>>, vector<1x16xi32>,
      %get3A_1153 = vector.shape_cast %get3A_1152 : vector<1x16xi32> to vector<16xi32>
      %get3A_1154 = arith.constant 8 : i32
      %get3A_1155 = arith.index_cast %get3A_1154 : i32 to index
      %get3A_1156 = arith.constant 32 : index
      %get3A_1157 = tpu.vector_load %arg7[%get3A_1155, %get3A_1156] {strides = array<i32>} : memref<13x128xi32, #tpu.memory_space<vmem>>, vector<1x16xi32>,
      %get3A_1158 = vector.shape_cast %get3A_1157 : vector<1x16xi32> to vector<16xi32>
      %add3A_1159 = arith.addi %get3A_1153, %get3A_1158 : vector<16xi32>
      %swap3A_1160 = arith.constant 8 : i32
      %swap3A_1161 = arith.index_cast %swap3A_1160 : i32 to index
      %swap3A_1162 = arith.constant 32 : index
      %swap3A_1163 = tpu.vector_load %arg6[%swap3A_1161, %swap3A_1162] {strides = array<i32>} : memref<13x128xi32, #tpu.memory_space<vmem>>, vector<1x16xi32>,
      %swap3A_1164 = vector.shape_cast %swap3A_1163 : vector<1x16xi32> to vector<16xi32>
      %swap3A_1165 = vector.shape_cast %add3A_1159 : vector<16xi32> to vector<1x16xi32>
      tpu.vector_store %arg6[%swap3A_1161, %swap3A_1162], %swap3A_1165 {strides = array<i32>} : memref<13x128xi32, #tpu.memory_space<vmem>>, vector<1x16xi32>,
      %get3A_1166 = arith.constant 8 : i32
      %get3A_1167 = arith.index_cast %get3A_1166 : i32 to index
      %get3A_1168 = arith.constant 48 : index
      %get3A_1169 = tpu.vector_load %arg6[%get3A_1167, %get3A_1168] {strides = array<i32>} : memref<13x128xi32, #tpu.memory_space<vmem>>, vector<1x16xi32>,
      %get3A_1170 = vector.shape_cast %get3A_1169 : vector<1x16xi32> to vector<16xi32>
      %get3A_1171 = arith.constant 8 : i32
      %get3A_1172 = arith.index_cast %get3A_1171 : i32 to index
      %get3A_1173 = arith.constant 48 : index
      %get3A_1174 = tpu.vector_load %arg7[%get3A_1172, %get3A_1173] {strides = array<i32>} : memref<13x128xi32, #tpu.memory_space<vmem>>, vector<1x16xi32>,
      %get3A_1175 = vector.shape_cast %get3A_1174 : vector<1x16xi32> to vector<16xi32>
      %add3A_1176 = arith.addi %get3A_1170, %get3A_1175 : vector<16xi32>
      %swap3A_1177 = arith.constant 8 : i32
      %swap3A_1178 = arith.index_cast %swap3A_1177 : i32 to index
      %swap3A_1179 = arith.constant 48 : index
      %swap3A_1180 = tpu.vector_load %arg6[%swap3A_1178, %swap3A_1179] {strides = array<i32>} : memref<13x128xi32, #tpu.memory_space<vmem>>, vector<1x16xi32>,
      %swap3A_1181 = vector.shape_cast %swap3A_1180 : vector<1x16xi32> to vector<16xi32>
      %swap3A_1182 = vector.shape_cast %add3A_1176 : vector<16xi32> to vector<1x16xi32>
      tpu.vector_store %arg6[%swap3A_1178, %swap3A_1179], %swap3A_1182 {strides = array<i32>} : memref<13x128xi32, #tpu.memory_space<vmem>>, vector<1x16xi32>,
      %get3A_1183 = arith.constant 8 : i32
      %get3A_1184 = arith.index_cast %get3A_1183 : i32 to index
      %get3A_1185 = arith.constant 64 : index
      %get3A_1186 = tpu.vector_load %arg6[%get3A_1184, %get3A_1185] {strides = array<i32>} : memref<13x128xi32, #tpu.memory_space<vmem>>, vector<1x16xi32>,
      %get3A_1187 = vector.shape_cast %get3A_1186 : vector<1x16xi32> to vector<16xi32>
      %get3A_1188 = arith.constant 8 : i32
      %get3A_1189 = arith.index_cast %get3A_1188 : i32 to index
      %get3A_1190 = arith.constant 64 : index
      %get3A_1191 = tpu.vector_load %arg7[%get3A_1189, %get3A_1190] {strides = array<i32>} : memref<13x128xi32, #tpu.memory_space<vmem>>, vector<1x16xi32>,
      %get3A_1192 = vector.shape_cast %get3A_1191 : vector<1x16xi32> to vector<16xi32>
      %add3A_1193 = arith.addi %get3A_1187, %get3A_1192 : vector<16xi32>
      %swap3A_1194 = arith.constant 8 : i32
      %swap3A_1195 = arith.index_cast %swap3A_1194 : i32 to index
      %swap3A_1196 = arith.constant 64 : index
      %swap3A_1197 = tpu.vector_load %arg6[%swap3A_1195, %swap3A_1196] {strides = array<i32>} : memref<13x128xi32, #tpu.memory_space<vmem>>, vector<1x16xi32>,
      %swap3A_1198 = vector.shape_cast %swap3A_1197 : vector<1x16xi32> to vector<16xi32>
      %swap3A_1199 = vector.shape_cast %add3A_1193 : vector<16xi32> to vector<1x16xi32>
      tpu.vector_store %arg6[%swap3A_1195, %swap3A_1196], %swap3A_1199 {strides = array<i32>} : memref<13x128xi32, #tpu.memory_space<vmem>>, vector<1x16xi32>,
      %get3A_1200 = arith.constant 8 : i32
      %get3A_1201 = arith.index_cast %get3A_1200 : i32 to index
      %get3A_1202 = arith.constant 80 : index
      %get3A_1203 = tpu.vector_load %arg6[%get3A_1201, %get3A_1202] {strides = array<i32>} : memref<13x128xi32, #tpu.memory_space<vmem>>, vector<1x16xi32>,
      %get3A_1204 = vector.shape_cast %get3A_1203 : vector<1x16xi32> to vector<16xi32>
      %get3A_1205 = arith.constant 8 : i32
      %get3A_1206 = arith.index_cast %get3A_1205 : i32 to index
      %get3A_1207 = arith.constant 80 : index
      %get3A_1208 = tpu.vector_load %arg7[%get3A_1206, %get3A_1207] {strides = array<i32>} : memref<13x128xi32, #tpu.memory_space<vmem>>, vector<1x16xi32>,
      %get3A_1209 = vector.shape_cast %get3A_1208 : vector<1x16xi32> to vector<16xi32>
      %add3A_1210 = arith.addi %get3A_1204, %get3A_1209 : vector<16xi32>
      %swap3A_1211 = arith.constant 8 : i32
      %swap3A_1212 = arith.index_cast %swap3A_1211 : i32 to index
      %swap3A_1213 = arith.constant 80 : index
      %swap3A_1214 = tpu.vector_load %arg6[%swap3A_1212, %swap3A_1213] {strides = array<i32>} : memref<13x128xi32, #tpu.memory_space<vmem>>, vector<1x16xi32>,
      %swap3A_1215 = vector.shape_cast %swap3A_1214 : vector<1x16xi32> to vector<16xi32>
      %swap3A_1216 = vector.shape_cast %add3A_1210 : vector<16xi32> to vector<1x16xi32>
      tpu.vector_store %arg6[%swap3A_1212, %swap3A_1213], %swap3A_1216 {strides = array<i32>} : memref<13x128xi32, #tpu.memory_space<vmem>>, vector<1x16xi32>,
      %get3A_1217 = arith.constant 8 : i32
      %get3A_1218 = arith.index_cast %get3A_1217 : i32 to index
      %get3A_1219 = arith.constant 96 : index
      %get3A_1220 = tpu.vector_load %arg6[%get3A_1218, %get3A_1219] {strides = array<i32>} : memref<13x128xi32, #tpu.memory_space<vmem>>, vector<1x16xi32>,
      %get3A_1221 = vector.shape_cast %get3A_1220 : vector<1x16xi32> to vector<16xi32>
      %get3A_1222 = arith.constant 8 : i32
      %get3A_1223 = arith.index_cast %get3A_1222 : i32 to index
      %get3A_1224 = arith.constant 96 : index
      %get3A_1225 = tpu.vector_load %arg7[%get3A_1223, %get3A_1224] {strides = array<i32>} : memref<13x128xi32, #tpu.memory_space<vmem>>, vector<1x16xi32>,
      %get3A_1226 = vector.shape_cast %get3A_1225 : vector<1x16xi32> to vector<16xi32>
      %add3A_1227 = arith.addi %get3A_1221, %get3A_1226 : vector<16xi32>
      %swap3A_1228 = arith.constant 8 : i32
      %swap3A_1229 = arith.index_cast %swap3A_1228 : i32 to index
      %swap3A_1230 = arith.constant 96 : index
      %swap3A_1231 = tpu.vector_load %arg6[%swap3A_1229, %swap3A_1230] {strides = array<i32>} : memref<13x128xi32, #tpu.memory_space<vmem>>, vector<1x16xi32>,
      %swap3A_1232 = vector.shape_cast %swap3A_1231 : vector<1x16xi32> to vector<16xi32>
      %swap3A_1233 = vector.shape_cast %add3A_1227 : vector<16xi32> to vector<1x16xi32>
      tpu.vector_store %arg6[%swap3A_1229, %swap3A_1230], %swap3A_1233 {strides = array<i32>} : memref<13x128xi32, #tpu.memory_space<vmem>>, vector<1x16xi32>,
      %get3A_1234 = arith.constant 8 : i32
      %get3A_1235 = arith.index_cast %get3A_1234 : i32 to index
      %get3A_1236 = arith.constant 112 : index
      %get3A_1237 = tpu.vector_load %arg6[%get3A_1235, %get3A_1236] {strides = array<i32>} : memref<13x128xi32, #tpu.memory_space<vmem>>, vector<1x16xi32>,
      %get3A_1238 = vector.shape_cast %get3A_1237 : vector<1x16xi32> to vector<16xi32>
      %get3A_1239 = arith.constant 8 : i32
      %get3A_1240 = arith.index_cast %get3A_1239 : i32 to index
      %get3A_1241 = arith.constant 112 : index
      %get3A_1242 = tpu.vector_load %arg7[%get3A_1240, %get3A_1241] {strides = array<i32>} : memref<13x128xi32, #tpu.memory_space<vmem>>, vector<1x16xi32>,
      %get3A_1243 = vector.shape_cast %get3A_1242 : vector<1x16xi32> to vector<16xi32>
      %add3A_1244 = arith.addi %get3A_1238, %get3A_1243 : vector<16xi32>
      %swap3A_1245 = arith.constant 8 : i32
      %swap3A_1246 = arith.index_cast %swap3A_1245 : i32 to index
      %swap3A_1247 = arith.constant 112 : index
      %swap3A_1248 = tpu.vector_load %arg6[%swap3A_1246, %swap3A_1247] {strides = array<i32>} : memref<13x128xi32, #tpu.memory_space<vmem>>, vector<1x16xi32>,
      %swap3A_1249 = vector.shape_cast %swap3A_1248 : vector<1x16xi32> to vector<16xi32>
      %swap3A_1250 = vector.shape_cast %add3A_1244 : vector<16xi32> to vector<1x16xi32>
      tpu.vector_store %arg6[%swap3A_1246, %swap3A_1247], %swap3A_1250 {strides = array<i32>} : memref<13x128xi32, #tpu.memory_space<vmem>>, vector<1x16xi32>,
      %get3A_1251 = arith.constant 9 : i32
      %get3A_1252 = arith.index_cast %get3A_1251 : i32 to index
      %get3A_1253 = arith.constant 0 : index
      %get3A_1254 = tpu.vector_load %arg6[%get3A_1252, %get3A_1253] {strides = array<i32>} : memref<13x128xi32, #tpu.memory_space<vmem>>, vector<1x16xi32>,
      %get3A_1255 = vector.shape_cast %get3A_1254 : vector<1x16xi32> to vector<16xi32>
      %get3A_1256 = arith.constant 9 : i32
      %get3A_1257 = arith.index_cast %get3A_1256 : i32 to index
      %get3A_1258 = arith.constant 0 : index
      %get3A_1259 = tpu.vector_load %arg7[%get3A_1257, %get3A_1258] {strides = array<i32>} : memref<13x128xi32, #tpu.memory_space<vmem>>, vector<1x16xi32>,
      %get3A_1260 = vector.shape_cast %get3A_1259 : vector<1x16xi32> to vector<16xi32>
      %add3A_1261 = arith.addi %get3A_1255, %get3A_1260 : vector<16xi32>
      %swap3A_1262 = arith.constant 9 : i32
      %swap3A_1263 = arith.index_cast %swap3A_1262 : i32 to index
      %swap3A_1264 = arith.constant 0 : index
      %swap3A_1265 = tpu.vector_load %arg6[%swap3A_1263, %swap3A_1264] {strides = array<i32>} : memref<13x128xi32, #tpu.memory_space<vmem>>, vector<1x16xi32>,
      %swap3A_1266 = vector.shape_cast %swap3A_1265 : vector<1x16xi32> to vector<16xi32>
      %swap3A_1267 = vector.shape_cast %add3A_1261 : vector<16xi32> to vector<1x16xi32>
      tpu.vector_store %arg6[%swap3A_1263, %swap3A_1264], %swap3A_1267 {strides = array<i32>} : memref<13x128xi32, #tpu.memory_space<vmem>>, vector<1x16xi32>,
      %get3A_1268 = arith.constant 9 : i32
      %get3A_1269 = arith.index_cast %get3A_1268 : i32 to index
      %get3A_1270 = arith.constant 16 : index
      %get3A_1271 = tpu.vector_load %arg6[%get3A_1269, %get3A_1270] {strides = array<i32>} : memref<13x128xi32, #tpu.memory_space<vmem>>, vector<1x16xi32>,
      %get3A_1272 = vector.shape_cast %get3A_1271 : vector<1x16xi32> to vector<16xi32>
      %get3A_1273 = arith.constant 9 : i32
      %get3A_1274 = arith.index_cast %get3A_1273 : i32 to index
      %get3A_1275 = arith.constant 16 : index
      %get3A_1276 = tpu.vector_load %arg7[%get3A_1274, %get3A_1275] {strides = array<i32>} : memref<13x128xi32, #tpu.memory_space<vmem>>, vector<1x16xi32>,
      %get3A_1277 = vector.shape_cast %get3A_1276 : vector<1x16xi32> to vector<16xi32>
      %add3A_1278 = arith.addi %get3A_1272, %get3A_1277 : vector<16xi32>
      %swap3A_1279 = arith.constant 9 : i32
      %swap3A_1280 = arith.index_cast %swap3A_1279 : i32 to index
      %swap3A_1281 = arith.constant 16 : index
      %swap3A_1282 = tpu.vector_load %arg6[%swap3A_1280, %swap3A_1281] {strides = array<i32>} : memref<13x128xi32, #tpu.memory_space<vmem>>, vector<1x16xi32>,
      %swap3A_1283 = vector.shape_cast %swap3A_1282 : vector<1x16xi32> to vector<16xi32>
      %swap3A_1284 = vector.shape_cast %add3A_1278 : vector<16xi32> to vector<1x16xi32>
      tpu.vector_store %arg6[%swap3A_1280, %swap3A_1281], %swap3A_1284 {strides = array<i32>} : memref<13x128xi32, #tpu.memory_space<vmem>>, vector<1x16xi32>,
      %get3A_1285 = arith.constant 9 : i32
      %get3A_1286 = arith.index_cast %get3A_1285 : i32 to index
      %get3A_1287 = arith.constant 32 : index
      %get3A_1288 = tpu.vector_load %arg6[%get3A_1286, %get3A_1287] {strides = array<i32>} : memref<13x128xi32, #tpu.memory_space<vmem>>, vector<1x16xi32>,
      %get3A_1289 = vector.shape_cast %get3A_1288 : vector<1x16xi32> to vector<16xi32>
      %get3A_1290 = arith.constant 9 : i32
      %get3A_1291 = arith.index_cast %get3A_1290 : i32 to index
      %get3A_1292 = arith.constant 32 : index
      %get3A_1293 = tpu.vector_load %arg7[%get3A_1291, %get3A_1292] {strides = array<i32>} : memref<13x128xi32, #tpu.memory_space<vmem>>, vector<1x16xi32>,
      %get3A_1294 = vector.shape_cast %get3A_1293 : vector<1x16xi32> to vector<16xi32>
      %add3A_1295 = arith.addi %get3A_1289, %get3A_1294 : vector<16xi32>
      %swap3A_1296 = arith.constant 9 : i32
      %swap3A_1297 = arith.index_cast %swap3A_1296 : i32 to index
      %swap3A_1298 = arith.constant 32 : index
      %swap3A_1299 = tpu.vector_load %arg6[%swap3A_1297, %swap3A_1298] {strides = array<i32>} : memref<13x128xi32, #tpu.memory_space<vmem>>, vector<1x16xi32>,
      %swap3A_1300 = vector.shape_cast %swap3A_1299 : vector<1x16xi32> to vector<16xi32>
      %swap3A_1301 = vector.shape_cast %add3A_1295 : vector<16xi32> to vector<1x16xi32>
      tpu.vector_store %arg6[%swap3A_1297, %swap3A_1298], %swap3A_1301 {strides = array<i32>} : memref<13x128xi32, #tpu.memory_space<vmem>>, vector<1x16xi32>,
      %get3A_1302 = arith.constant 9 : i32
      %get3A_1303 = arith.index_cast %get3A_1302 : i32 to index
      %get3A_1304 = arith.constant 48 : index
      %get3A_1305 = tpu.vector_load %arg6[%get3A_1303, %get3A_1304] {strides = array<i32>} : memref<13x128xi32, #tpu.memory_space<vmem>>, vector<1x16xi32>,
      %get3A_1306 = vector.shape_cast %get3A_1305 : vector<1x16xi32> to vector<16xi32>
      %get3A_1307 = arith.constant 9 : i32
      %get3A_1308 = arith.index_cast %get3A_1307 : i32 to index
      %get3A_1309 = arith.constant 48 : index
      %get3A_1310 = tpu.vector_load %arg7[%get3A_1308, %get3A_1309] {strides = array<i32>} : memref<13x128xi32, #tpu.memory_space<vmem>>, vector<1x16xi32>,
      %get3A_1311 = vector.shape_cast %get3A_1310 : vector<1x16xi32> to vector<16xi32>
      %add3A_1312 = arith.addi %get3A_1306, %get3A_1311 : vector<16xi32>
      %swap3A_1313 = arith.constant 9 : i32
      %swap3A_1314 = arith.index_cast %swap3A_1313 : i32 to index
      %swap3A_1315 = arith.constant 48 : index
      %swap3A_1316 = tpu.vector_load %arg6[%swap3A_1314, %swap3A_1315] {strides = array<i32>} : memref<13x128xi32, #tpu.memory_space<vmem>>, vector<1x16xi32>,
      %swap3A_1317 = vector.shape_cast %swap3A_1316 : vector<1x16xi32> to vector<16xi32>
      %swap3A_1318 = vector.shape_cast %add3A_1312 : vector<16xi32> to vector<1x16xi32>
      tpu.vector_store %arg6[%swap3A_1314, %swap3A_1315], %swap3A_1318 {strides = array<i32>} : memref<13x128xi32, #tpu.memory_space<vmem>>, vector<1x16xi32>,
      %get3A_1319 = arith.constant 9 : i32
      %get3A_1320 = arith.index_cast %get3A_1319 : i32 to index
      %get3A_1321 = arith.constant 64 : index
      %get3A_1322 = tpu.vector_load %arg6[%get3A_1320, %get3A_1321] {strides = array<i32>} : memref<13x128xi32, #tpu.memory_space<vmem>>, vector<1x16xi32>,
      %get3A_1323 = vector.shape_cast %get3A_1322 : vector<1x16xi32> to vector<16xi32>
      %get3A_1324 = arith.constant 9 : i32
      %get3A_1325 = arith.index_cast %get3A_1324 : i32 to index
      %get3A_1326 = arith.constant 64 : index
      %get3A_1327 = tpu.vector_load %arg7[%get3A_1325, %get3A_1326] {strides = array<i32>} : memref<13x128xi32, #tpu.memory_space<vmem>>, vector<1x16xi32>,
      %get3A_1328 = vector.shape_cast %get3A_1327 : vector<1x16xi32> to vector<16xi32>
      %add3A_1329 = arith.addi %get3A_1323, %get3A_1328 : vector<16xi32>
      %swap3A_1330 = arith.constant 9 : i32
      %swap3A_1331 = arith.index_cast %swap3A_1330 : i32 to index
      %swap3A_1332 = arith.constant 64 : index
      %swap3A_1333 = tpu.vector_load %arg6[%swap3A_1331, %swap3A_1332] {strides = array<i32>} : memref<13x128xi32, #tpu.memory_space<vmem>>, vector<1x16xi32>,
      %swap3A_1334 = vector.shape_cast %swap3A_1333 : vector<1x16xi32> to vector<16xi32>
      %swap3A_1335 = vector.shape_cast %add3A_1329 : vector<16xi32> to vector<1x16xi32>
      tpu.vector_store %arg6[%swap3A_1331, %swap3A_1332], %swap3A_1335 {strides = array<i32>} : memref<13x128xi32, #tpu.memory_space<vmem>>, vector<1x16xi32>,
      %get3A_1336 = arith.constant 9 : i32
      %get3A_1337 = arith.index_cast %get3A_1336 : i32 to index
      %get3A_1338 = arith.constant 80 : index
      %get3A_1339 = tpu.vector_load %arg6[%get3A_1337, %get3A_1338] {strides = array<i32>} : memref<13x128xi32, #tpu.memory_space<vmem>>, vector<1x16xi32>,
      %get3A_1340 = vector.shape_cast %get3A_1339 : vector<1x16xi32> to vector<16xi32>
      %get3A_1341 = arith.constant 9 : i32
      %get3A_1342 = arith.index_cast %get3A_1341 : i32 to index
      %get3A_1343 = arith.constant 80 : index
      %get3A_1344 = tpu.vector_load %arg7[%get3A_1342, %get3A_1343] {strides = array<i32>} : memref<13x128xi32, #tpu.memory_space<vmem>>, vector<1x16xi32>,
      %get3A_1345 = vector.shape_cast %get3A_1344 : vector<1x16xi32> to vector<16xi32>
      %add3A_1346 = arith.addi %get3A_1340, %get3A_1345 : vector<16xi32>
      %swap3A_1347 = arith.constant 9 : i32
      %swap3A_1348 = arith.index_cast %swap3A_1347 : i32 to index
      %swap3A_1349 = arith.constant 80 : index
      %swap3A_1350 = tpu.vector_load %arg6[%swap3A_1348, %swap3A_1349] {strides = array<i32>} : memref<13x128xi32, #tpu.memory_space<vmem>>, vector<1x16xi32>,
      %swap3A_1351 = vector.shape_cast %swap3A_1350 : vector<1x16xi32> to vector<16xi32>
      %swap3A_1352 = vector.shape_cast %add3A_1346 : vector<16xi32> to vector<1x16xi32>
      tpu.vector_store %arg6[%swap3A_1348, %swap3A_1349], %swap3A_1352 {strides = array<i32>} : memref<13x128xi32, #tpu.memory_space<vmem>>, vector<1x16xi32>,
      %get3A_1353 = arith.constant 9 : i32
      %get3A_1354 = arith.index_cast %get3A_1353 : i32 to index
      %get3A_1355 = arith.constant 96 : index
      %get3A_1356 = tpu.vector_load %arg6[%get3A_1354, %get3A_1355] {strides = array<i32>} : memref<13x128xi32, #tpu.memory_space<vmem>>, vector<1x16xi32>,
      %get3A_1357 = vector.shape_cast %get3A_1356 : vector<1x16xi32> to vector<16xi32>
      %get3A_1358 = arith.constant 9 : i32
      %get3A_1359 = arith.index_cast %get3A_1358 : i32 to index
      %get3A_1360 = arith.constant 96 : index
      %get3A_1361 = tpu.vector_load %arg7[%get3A_1359, %get3A_1360] {strides = array<i32>} : memref<13x128xi32, #tpu.memory_space<vmem>>, vector<1x16xi32>,
      %get3A_1362 = vector.shape_cast %get3A_1361 : vector<1x16xi32> to vector<16xi32>
      %add3A_1363 = arith.addi %get3A_1357, %get3A_1362 : vector<16xi32>
      %swap3A_1364 = arith.constant 9 : i32
      %swap3A_1365 = arith.index_cast %swap3A_1364 : i32 to index
      %swap3A_1366 = arith.constant 96 : index
      %swap3A_1367 = tpu.vector_load %arg6[%swap3A_1365, %swap3A_1366] {strides = array<i32>} : memref<13x128xi32, #tpu.memory_space<vmem>>, vector<1x16xi32>,
      %swap3A_1368 = vector.shape_cast %swap3A_1367 : vector<1x16xi32> to vector<16xi32>
      %swap3A_1369 = vector.shape_cast %add3A_1363 : vector<16xi32> to vector<1x16xi32>
      tpu.vector_store %arg6[%swap3A_1365, %swap3A_1366], %swap3A_1369 {strides = array<i32>} : memref<13x128xi32, #tpu.memory_space<vmem>>, vector<1x16xi32>,
      %get3A_1370 = arith.constant 9 : i32
      %get3A_1371 = arith.index_cast %get3A_1370 : i32 to index
      %get3A_1372 = arith.constant 112 : index
      %get3A_1373 = tpu.vector_load %arg6[%get3A_1371, %get3A_1372] {strides = array<i32>} : memref<13x128xi32, #tpu.memory_space<vmem>>, vector<1x16xi32>,
      %get3A_1374 = vector.shape_cast %get3A_1373 : vector<1x16xi32> to vector<16xi32>
      %get3A_1375 = arith.constant 9 : i32
      %get3A_1376 = arith.index_cast %get3A_1375 : i32 to index
      %get3A_1377 = arith.constant 112 : index
      %get3A_1378 = tpu.vector_load %arg7[%get3A_1376, %get3A_1377] {strides = array<i32>} : memref<13x128xi32, #tpu.memory_space<vmem>>, vector<1x16xi32>,
      %get3A_1379 = vector.shape_cast %get3A_1378 : vector<1x16xi32> to vector<16xi32>
      %add3A_1380 = arith.addi %get3A_1374, %get3A_1379 : vector<16xi32>
      %swap3A_1381 = arith.constant 9 : i32
      %swap3A_1382 = arith.index_cast %swap3A_1381 : i32 to index
      %swap3A_1383 = arith.constant 112 : index
      %swap3A_1384 = tpu.vector_load %arg6[%swap3A_1382, %swap3A_1383] {strides = array<i32>} : memref<13x128xi32, #tpu.memory_space<vmem>>, vector<1x16xi32>,
      %swap3A_1385 = vector.shape_cast %swap3A_1384 : vector<1x16xi32> to vector<16xi32>
      %swap3A_1386 = vector.shape_cast %add3A_1380 : vector<16xi32> to vector<1x16xi32>
      tpu.vector_store %arg6[%swap3A_1382, %swap3A_1383], %swap3A_1386 {strides = array<i32>} : memref<13x128xi32, #tpu.memory_space<vmem>>, vector<1x16xi32>,
      %get3A_1387 = arith.constant 10 : i32
      %get3A_1388 = arith.index_cast %get3A_1387 : i32 to index
      %get3A_1389 = arith.constant 0 : index
      %get3A_1390 = tpu.vector_load %arg6[%get3A_1388, %get3A_1389] {strides = array<i32>} : memref<13x128xi32, #tpu.memory_space<vmem>>, vector<1x16xi32>,
      %get3A_1391 = vector.shape_cast %get3A_1390 : vector<1x16xi32> to vector<16xi32>
      %get3A_1392 = arith.constant 10 : i32
      %get3A_1393 = arith.index_cast %get3A_1392 : i32 to index
      %get3A_1394 = arith.constant 0 : index
      %get3A_1395 = tpu.vector_load %arg7[%get3A_1393, %get3A_1394] {strides = array<i32>} : memref<13x128xi32, #tpu.memory_space<vmem>>, vector<1x16xi32>,
      %get3A_1396 = vector.shape_cast %get3A_1395 : vector<1x16xi32> to vector<16xi32>
      %add3A_1397 = arith.addi %get3A_1391, %get3A_1396 : vector<16xi32>
      %swap3A_1398 = arith.constant 10 : i32
      %swap3A_1399 = arith.index_cast %swap3A_1398 : i32 to index
      %swap3A_1400 = arith.constant 0 : index
      %swap3A_1401 = tpu.vector_load %arg6[%swap3A_1399, %swap3A_1400] {strides = array<i32>} : memref<13x128xi32, #tpu.memory_space<vmem>>, vector<1x16xi32>,
      %swap3A_1402 = vector.shape_cast %swap3A_1401 : vector<1x16xi32> to vector<16xi32>
      %swap3A_1403 = vector.shape_cast %add3A_1397 : vector<16xi32> to vector<1x16xi32>
      tpu.vector_store %arg6[%swap3A_1399, %swap3A_1400], %swap3A_1403 {strides = array<i32>} : memref<13x128xi32, #tpu.memory_space<vmem>>, vector<1x16xi32>,
      %get3A_1404 = arith.constant 10 : i32
      %get3A_1405 = arith.index_cast %get3A_1404 : i32 to index
      %get3A_1406 = arith.constant 16 : index
      %get3A_1407 = tpu.vector_load %arg6[%get3A_1405, %get3A_1406] {strides = array<i32>} : memref<13x128xi32, #tpu.memory_space<vmem>>, vector<1x16xi32>,
      %get3A_1408 = vector.shape_cast %get3A_1407 : vector<1x16xi32> to vector<16xi32>
      %get3A_1409 = arith.constant 10 : i32
      %get3A_1410 = arith.index_cast %get3A_1409 : i32 to index
      %get3A_1411 = arith.constant 16 : index
      %get3A_1412 = tpu.vector_load %arg7[%get3A_1410, %get3A_1411] {strides = array<i32>} : memref<13x128xi32, #tpu.memory_space<vmem>>, vector<1x16xi32>,
      %get3A_1413 = vector.shape_cast %get3A_1412 : vector<1x16xi32> to vector<16xi32>
      %add3A_1414 = arith.addi %get3A_1408, %get3A_1413 : vector<16xi32>
      %swap3A_1415 = arith.constant 10 : i32
      %swap3A_1416 = arith.index_cast %swap3A_1415 : i32 to index
      %swap3A_1417 = arith.constant 16 : index
      %swap3A_1418 = tpu.vector_load %arg6[%swap3A_1416, %swap3A_1417] {strides = array<i32>} : memref<13x128xi32, #tpu.memory_space<vmem>>, vector<1x16xi32>,
      %swap3A_1419 = vector.shape_cast %swap3A_1418 : vector<1x16xi32> to vector<16xi32>
      %swap3A_1420 = vector.shape_cast %add3A_1414 : vector<16xi32> to vector<1x16xi32>
      tpu.vector_store %arg6[%swap3A_1416, %swap3A_1417], %swap3A_1420 {strides = array<i32>} : memref<13x128xi32, #tpu.memory_space<vmem>>, vector<1x16xi32>,
      %get3A_1421 = arith.constant 10 : i32
      %get3A_1422 = arith.index_cast %get3A_1421 : i32 to index
      %get3A_1423 = arith.constant 32 : index
      %get3A_1424 = tpu.vector_load %arg6[%get3A_1422, %get3A_1423] {strides = array<i32>} : memref<13x128xi32, #tpu.memory_space<vmem>>, vector<1x16xi32>,
      %get3A_1425 = vector.shape_cast %get3A_1424 : vector<1x16xi32> to vector<16xi32>
      %get3A_1426 = arith.constant 10 : i32
      %get3A_1427 = arith.index_cast %get3A_1426 : i32 to index
      %get3A_1428 = arith.constant 32 : index
      %get3A_1429 = tpu.vector_load %arg7[%get3A_1427, %get3A_1428] {strides = array<i32>} : memref<13x128xi32, #tpu.memory_space<vmem>>, vector<1x16xi32>,
      %get3A_1430 = vector.shape_cast %get3A_1429 : vector<1x16xi32> to vector<16xi32>
      %add3A_1431 = arith.addi %get3A_1425, %get3A_1430 : vector<16xi32>
      %swap3A_1432 = arith.constant 10 : i32
      %swap3A_1433 = arith.index_cast %swap3A_1432 : i32 to index
      %swap3A_1434 = arith.constant 32 : index
      %swap3A_1435 = tpu.vector_load %arg6[%swap3A_1433, %swap3A_1434] {strides = array<i32>} : memref<13x128xi32, #tpu.memory_space<vmem>>, vector<1x16xi32>,
      %swap3A_1436 = vector.shape_cast %swap3A_1435 : vector<1x16xi32> to vector<16xi32>
      %swap3A_1437 = vector.shape_cast %add3A_1431 : vector<16xi32> to vector<1x16xi32>
      tpu.vector_store %arg6[%swap3A_1433, %swap3A_1434], %swap3A_1437 {strides = array<i32>} : memref<13x128xi32, #tpu.memory_space<vmem>>, vector<1x16xi32>,
      %get3A_1438 = arith.constant 10 : i32
      %get3A_1439 = arith.index_cast %get3A_1438 : i32 to index
      %get3A_1440 = arith.constant 48 : index
      %get3A_1441 = tpu.vector_load %arg6[%get3A_1439, %get3A_1440] {strides = array<i32>} : memref<13x128xi32, #tpu.memory_space<vmem>>, vector<1x16xi32>,
      %get3A_1442 = vector.shape_cast %get3A_1441 : vector<1x16xi32> to vector<16xi32>
      %get3A_1443 = arith.constant 10 : i32
      %get3A_1444 = arith.index_cast %get3A_1443 : i32 to index
      %get3A_1445 = arith.constant 48 : index
      %get3A_1446 = tpu.vector_load %arg7[%get3A_1444, %get3A_1445] {strides = array<i32>} : memref<13x128xi32, #tpu.memory_space<vmem>>, vector<1x16xi32>,
      %get3A_1447 = vector.shape_cast %get3A_1446 : vector<1x16xi32> to vector<16xi32>
      %add3A_1448 = arith.addi %get3A_1442, %get3A_1447 : vector<16xi32>
      %swap3A_1449 = arith.constant 10 : i32
      %swap3A_1450 = arith.index_cast %swap3A_1449 : i32 to index
      %swap3A_1451 = arith.constant 48 : index
      %swap3A_1452 = tpu.vector_load %arg6[%swap3A_1450, %swap3A_1451] {strides = array<i32>} : memref<13x128xi32, #tpu.memory_space<vmem>>, vector<1x16xi32>,
      %swap3A_1453 = vector.shape_cast %swap3A_1452 : vector<1x16xi32> to vector<16xi32>
      %swap3A_1454 = vector.shape_cast %add3A_1448 : vector<16xi32> to vector<1x16xi32>
      tpu.vector_store %arg6[%swap3A_1450, %swap3A_1451], %swap3A_1454 {strides = array<i32>} : memref<13x128xi32, #tpu.memory_space<vmem>>, vector<1x16xi32>,
      %get3A_1455 = arith.constant 10 : i32
      %get3A_1456 = arith.index_cast %get3A_1455 : i32 to index
      %get3A_1457 = arith.constant 64 : index
      %get3A_1458 = tpu.vector_load %arg6[%get3A_1456, %get3A_1457] {strides = array<i32>} : memref<13x128xi32, #tpu.memory_space<vmem>>, vector<1x16xi32>,
      %get3A_1459 = vector.shape_cast %get3A_1458 : vector<1x16xi32> to vector<16xi32>
      %get3A_1460 = arith.constant 10 : i32
      %get3A_1461 = arith.index_cast %get3A_1460 : i32 to index
      %get3A_1462 = arith.constant 64 : index
      %get3A_1463 = tpu.vector_load %arg7[%get3A_1461, %get3A_1462] {strides = array<i32>} : memref<13x128xi32, #tpu.memory_space<vmem>>, vector<1x16xi32>,
      %get3A_1464 = vector.shape_cast %get3A_1463 : vector<1x16xi32> to vector<16xi32>
      %add3A_1465 = arith.addi %get3A_1459, %get3A_1464 : vector<16xi32>
      %swap3A_1466 = arith.constant 10 : i32
      %swap3A_1467 = arith.index_cast %swap3A_1466 : i32 to index
      %swap3A_1468 = arith.constant 64 : index
      %swap3A_1469 = tpu.vector_load %arg6[%swap3A_1467, %swap3A_1468] {strides = array<i32>} : memref<13x128xi32, #tpu.memory_space<vmem>>, vector<1x16xi32>,
      %swap3A_1470 = vector.shape_cast %swap3A_1469 : vector<1x16xi32> to vector<16xi32>
      %swap3A_1471 = vector.shape_cast %add3A_1465 : vector<16xi32> to vector<1x16xi32>
      tpu.vector_store %arg6[%swap3A_1467, %swap3A_1468], %swap3A_1471 {strides = array<i32>} : memref<13x128xi32, #tpu.memory_space<vmem>>, vector<1x16xi32>,
      %get3A_1472 = arith.constant 10 : i32
      %get3A_1473 = arith.index_cast %get3A_1472 : i32 to index
      %get3A_1474 = arith.constant 80 : index
      %get3A_1475 = tpu.vector_load %arg6[%get3A_1473, %get3A_1474] {strides = array<i32>} : memref<13x128xi32, #tpu.memory_space<vmem>>, vector<1x16xi32>,
      %get3A_1476 = vector.shape_cast %get3A_1475 : vector<1x16xi32> to vector<16xi32>
      %get3A_1477 = arith.constant 10 : i32
      %get3A_1478 = arith.index_cast %get3A_1477 : i32 to index
      %get3A_1479 = arith.constant 80 : index
      %get3A_1480 = tpu.vector_load %arg7[%get3A_1478, %get3A_1479] {strides = array<i32>} : memref<13x128xi32, #tpu.memory_space<vmem>>, vector<1x16xi32>,
      %get3A_1481 = vector.shape_cast %get3A_1480 : vector<1x16xi32> to vector<16xi32>
      %add3A_1482 = arith.addi %get3A_1476, %get3A_1481 : vector<16xi32>
      %swap3A_1483 = arith.constant 10 : i32
      %swap3A_1484 = arith.index_cast %swap3A_1483 : i32 to index
      %swap3A_1485 = arith.constant 80 : index
      %swap3A_1486 = tpu.vector_load %arg6[%swap3A_1484, %swap3A_1485] {strides = array<i32>} : memref<13x128xi32, #tpu.memory_space<vmem>>, vector<1x16xi32>,
      %swap3A_1487 = vector.shape_cast %swap3A_1486 : vector<1x16xi32> to vector<16xi32>
      %swap3A_1488 = vector.shape_cast %add3A_1482 : vector<16xi32> to vector<1x16xi32>
      tpu.vector_store %arg6[%swap3A_1484, %swap3A_1485], %swap3A_1488 {strides = array<i32>} : memref<13x128xi32, #tpu.memory_space<vmem>>, vector<1x16xi32>,
      %get3A_1489 = arith.constant 10 : i32
      %get3A_1490 = arith.index_cast %get3A_1489 : i32 to index
      %get3A_1491 = arith.constant 96 : index
      %get3A_1492 = tpu.vector_load %arg6[%get3A_1490, %get3A_1491] {strides = array<i32>} : memref<13x128xi32, #tpu.memory_space<vmem>>, vector<1x16xi32>,
      %get3A_1493 = vector.shape_cast %get3A_1492 : vector<1x16xi32> to vector<16xi32>
      %get3A_1494 = arith.constant 10 : i32
      %get3A_1495 = arith.index_cast %get3A_1494 : i32 to index
      %get3A_1496 = arith.constant 96 : index
      %get3A_1497 = tpu.vector_load %arg7[%get3A_1495, %get3A_1496] {strides = array<i32>} : memref<13x128xi32, #tpu.memory_space<vmem>>, vector<1x16xi32>,
      %get3A_1498 = vector.shape_cast %get3A_1497 : vector<1x16xi32> to vector<16xi32>
      %add3A_1499 = arith.addi %get3A_1493, %get3A_1498 : vector<16xi32>
      %swap3A_1500 = arith.constant 10 : i32
      %swap3A_1501 = arith.index_cast %swap3A_1500 : i32 to index
      %swap3A_1502 = arith.constant 96 : index
      %swap3A_1503 = tpu.vector_load %arg6[%swap3A_1501, %swap3A_1502] {strides = array<i32>} : memref<13x128xi32, #tpu.memory_space<vmem>>, vector<1x16xi32>,
      %swap3A_1504 = vector.shape_cast %swap3A_1503 : vector<1x16xi32> to vector<16xi32>
      %swap3A_1505 = vector.shape_cast %add3A_1499 : vector<16xi32> to vector<1x16xi32>
      tpu.vector_store %arg6[%swap3A_1501, %swap3A_1502], %swap3A_1505 {strides = array<i32>} : memref<13x128xi32, #tpu.memory_space<vmem>>, vector<1x16xi32>,
      %get3A_1506 = arith.constant 10 : i32
      %get3A_1507 = arith.index_cast %get3A_1506 : i32 to index
      %get3A_1508 = arith.constant 112 : index
      %get3A_1509 = tpu.vector_load %arg6[%get3A_1507, %get3A_1508] {strides = array<i32>} : memref<13x128xi32, #tpu.memory_space<vmem>>, vector<1x16xi32>,
      %get3A_1510 = vector.shape_cast %get3A_1509 : vector<1x16xi32> to vector<16xi32>
      %get3A_1511 = arith.constant 10 : i32
      %get3A_1512 = arith.index_cast %get3A_1511 : i32 to index
      %get3A_1513 = arith.constant 112 : index
      %get3A_1514 = tpu.vector_load %arg7[%get3A_1512, %get3A_1513] {strides = array<i32>} : memref<13x128xi32, #tpu.memory_space<vmem>>, vector<1x16xi32>,
      %get3A_1515 = vector.shape_cast %get3A_1514 : vector<1x16xi32> to vector<16xi32>
      %add3A_1516 = arith.addi %get3A_1510, %get3A_1515 : vector<16xi32>
      %swap3A_1517 = arith.constant 10 : i32
      %swap3A_1518 = arith.index_cast %swap3A_1517 : i32 to index
      %swap3A_1519 = arith.constant 112 : index
      %swap3A_1520 = tpu.vector_load %arg6[%swap3A_1518, %swap3A_1519] {strides = array<i32>} : memref<13x128xi32, #tpu.memory_space<vmem>>, vector<1x16xi32>,
      %swap3A_1521 = vector.shape_cast %swap3A_1520 : vector<1x16xi32> to vector<16xi32>
      %swap3A_1522 = vector.shape_cast %add3A_1516 : vector<16xi32> to vector<1x16xi32>
      tpu.vector_store %arg6[%swap3A_1518, %swap3A_1519], %swap3A_1522 {strides = array<i32>} : memref<13x128xi32, #tpu.memory_space<vmem>>, vector<1x16xi32>,
      %get3A_1523 = arith.constant 11 : i32
      %get3A_1524 = arith.index_cast %get3A_1523 : i32 to index
      %get3A_1525 = arith.constant 0 : index
      %get3A_1526 = tpu.vector_load %arg6[%get3A_1524, %get3A_1525] {strides = array<i32>} : memref<13x128xi32, #tpu.memory_space<vmem>>, vector<1x16xi32>,
      %get3A_1527 = vector.shape_cast %get3A_1526 : vector<1x16xi32> to vector<16xi32>
      %get3A_1528 = arith.constant 11 : i32
      %get3A_1529 = arith.index_cast %get3A_1528 : i32 to index
      %get3A_1530 = arith.constant 0 : index
      %get3A_1531 = tpu.vector_load %arg7[%get3A_1529, %get3A_1530] {strides = array<i32>} : memref<13x128xi32, #tpu.memory_space<vmem>>, vector<1x16xi32>,
      %get3A_1532 = vector.shape_cast %get3A_1531 : vector<1x16xi32> to vector<16xi32>
      %add3A_1533 = arith.addi %get3A_1527, %get3A_1532 : vector<16xi32>
      %swap3A_1534 = arith.constant 11 : i32
      %swap3A_1535 = arith.index_cast %swap3A_1534 : i32 to index
      %swap3A_1536 = arith.constant 0 : index
      %swap3A_1537 = tpu.vector_load %arg6[%swap3A_1535, %swap3A_1536] {strides = array<i32>} : memref<13x128xi32, #tpu.memory_space<vmem>>, vector<1x16xi32>,
      %swap3A_1538 = vector.shape_cast %swap3A_1537 : vector<1x16xi32> to vector<16xi32>
      %swap3A_1539 = vector.shape_cast %add3A_1533 : vector<16xi32> to vector<1x16xi32>
      tpu.vector_store %arg6[%swap3A_1535, %swap3A_1536], %swap3A_1539 {strides = array<i32>} : memref<13x128xi32, #tpu.memory_space<vmem>>, vector<1x16xi32>,
      %get3A_1540 = arith.constant 11 : i32
      %get3A_1541 = arith.index_cast %get3A_1540 : i32 to index
      %get3A_1542 = arith.constant 16 : index
      %get3A_1543 = tpu.vector_load %arg6[%get3A_1541, %get3A_1542] {strides = array<i32>} : memref<13x128xi32, #tpu.memory_space<vmem>>, vector<1x16xi32>,
      %get3A_1544 = vector.shape_cast %get3A_1543 : vector<1x16xi32> to vector<16xi32>
      %get3A_1545 = arith.constant 11 : i32
      %get3A_1546 = arith.index_cast %get3A_1545 : i32 to index
      %get3A_1547 = arith.constant 16 : index
      %get3A_1548 = tpu.vector_load %arg7[%get3A_1546, %get3A_1547] {strides = array<i32>} : memref<13x128xi32, #tpu.memory_space<vmem>>, vector<1x16xi32>,
      %get3A_1549 = vector.shape_cast %get3A_1548 : vector<1x16xi32> to vector<16xi32>
      %add3A_1550 = arith.addi %get3A_1544, %get3A_1549 : vector<16xi32>
      %swap3A_1551 = arith.constant 11 : i32
      %swap3A_1552 = arith.index_cast %swap3A_1551 : i32 to index
      %swap3A_1553 = arith.constant 16 : index
      %swap3A_1554 = tpu.vector_load %arg6[%swap3A_1552, %swap3A_1553] {strides = array<i32>} : memref<13x128xi32, #tpu.memory_space<vmem>>, vector<1x16xi32>,
      %swap3A_1555 = vector.shape_cast %swap3A_1554 : vector<1x16xi32> to vector<16xi32>
      %swap3A_1556 = vector.shape_cast %add3A_1550 : vector<16xi32> to vector<1x16xi32>
      tpu.vector_store %arg6[%swap3A_1552, %swap3A_1553], %swap3A_1556 {strides = array<i32>} : memref<13x128xi32, #tpu.memory_space<vmem>>, vector<1x16xi32>,
      %get3A_1557 = arith.constant 11 : i32
      %get3A_1558 = arith.index_cast %get3A_1557 : i32 to index
      %get3A_1559 = arith.constant 32 : index
      %get3A_1560 = tpu.vector_load %arg6[%get3A_1558, %get3A_1559] {strides = array<i32>} : memref<13x128xi32, #tpu.memory_space<vmem>>, vector<1x16xi32>,
      %get3A_1561 = vector.shape_cast %get3A_1560 : vector<1x16xi32> to vector<16xi32>
      %get3A_1562 = arith.constant 11 : i32
      %get3A_1563 = arith.index_cast %get3A_1562 : i32 to index
      %get3A_1564 = arith.constant 32 : index
      %get3A_1565 = tpu.vector_load %arg7[%get3A_1563, %get3A_1564] {strides = array<i32>} : memref<13x128xi32, #tpu.memory_space<vmem>>, vector<1x16xi32>,
      %get3A_1566 = vector.shape_cast %get3A_1565 : vector<1x16xi32> to vector<16xi32>
      %add3A_1567 = arith.addi %get3A_1561, %get3A_1566 : vector<16xi32>
      %swap3A_1568 = arith.constant 11 : i32
      %swap3A_1569 = arith.index_cast %swap3A_1568 : i32 to index
      %swap3A_1570 = arith.constant 32 : index
      %swap3A_1571 = tpu.vector_load %arg6[%swap3A_1569, %swap3A_1570] {strides = array<i32>} : memref<13x128xi32, #tpu.memory_space<vmem>>, vector<1x16xi32>,
      %swap3A_1572 = vector.shape_cast %swap3A_1571 : vector<1x16xi32> to vector<16xi32>
      %swap3A_1573 = vector.shape_cast %add3A_1567 : vector<16xi32> to vector<1x16xi32>
      tpu.vector_store %arg6[%swap3A_1569, %swap3A_1570], %swap3A_1573 {strides = array<i32>} : memref<13x128xi32, #tpu.memory_space<vmem>>, vector<1x16xi32>,
      %get3A_1574 = arith.constant 11 : i32
      %get3A_1575 = arith.index_cast %get3A_1574 : i32 to index
      %get3A_1576 = arith.constant 48 : index
      %get3A_1577 = tpu.vector_load %arg6[%get3A_1575, %get3A_1576] {strides = array<i32>} : memref<13x128xi32, #tpu.memory_space<vmem>>, vector<1x16xi32>,
      %get3A_1578 = vector.shape_cast %get3A_1577 : vector<1x16xi32> to vector<16xi32>
      %get3A_1579 = arith.constant 11 : i32
      %get3A_1580 = arith.index_cast %get3A_1579 : i32 to index
      %get3A_1581 = arith.constant 48 : index
      %get3A_1582 = tpu.vector_load %arg7[%get3A_1580, %get3A_1581] {strides = array<i32>} : memref<13x128xi32, #tpu.memory_space<vmem>>, vector<1x16xi32>,
      %get3A_1583 = vector.shape_cast %get3A_1582 : vector<1x16xi32> to vector<16xi32>
      %add3A_1584 = arith.addi %get3A_1578, %get3A_1583 : vector<16xi32>
      %swap3A_1585 = arith.constant 11 : i32
      %swap3A_1586 = arith.index_cast %swap3A_1585 : i32 to index
      %swap3A_1587 = arith.constant 48 : index
      %swap3A_1588 = tpu.vector_load %arg6[%swap3A_1586, %swap3A_1587] {strides = array<i32>} : memref<13x128xi32, #tpu.memory_space<vmem>>, vector<1x16xi32>,
      %swap3A_1589 = vector.shape_cast %swap3A_1588 : vector<1x16xi32> to vector<16xi32>
      %swap3A_1590 = vector.shape_cast %add3A_1584 : vector<16xi32> to vector<1x16xi32>
      tpu.vector_store %arg6[%swap3A_1586, %swap3A_1587], %swap3A_1590 {strides = array<i32>} : memref<13x128xi32, #tpu.memory_space<vmem>>, vector<1x16xi32>,
      %get3A_1591 = arith.constant 11 : i32
      %get3A_1592 = arith.index_cast %get3A_1591 : i32 to index
      %get3A_1593 = arith.constant 64 : index
      %get3A_1594 = tpu.vector_load %arg6[%get3A_1592, %get3A_1593] {strides = array<i32>} : memref<13x128xi32, #tpu.memory_space<vmem>>, vector<1x16xi32>,
      %get3A_1595 = vector.shape_cast %get3A_1594 : vector<1x16xi32> to vector<16xi32>
      %get3A_1596 = arith.constant 11 : i32
      %get3A_1597 = arith.index_cast %get3A_1596 : i32 to index
      %get3A_1598 = arith.constant 64 : index
      %get3A_1599 = tpu.vector_load %arg7[%get3A_1597, %get3A_1598] {strides = array<i32>} : memref<13x128xi32, #tpu.memory_space<vmem>>, vector<1x16xi32>,
      %get3A_1600 = vector.shape_cast %get3A_1599 : vector<1x16xi32> to vector<16xi32>
      %add3A_1601 = arith.addi %get3A_1595, %get3A_1600 : vector<16xi32>
      %swap3A_1602 = arith.constant 11 : i32
      %swap3A_1603 = arith.index_cast %swap3A_1602 : i32 to index
      %swap3A_1604 = arith.constant 64 : index
      %swap3A_1605 = tpu.vector_load %arg6[%swap3A_1603, %swap3A_1604] {strides = array<i32>} : memref<13x128xi32, #tpu.memory_space<vmem>>, vector<1x16xi32>,
      %swap3A_1606 = vector.shape_cast %swap3A_1605 : vector<1x16xi32> to vector<16xi32>
      %swap3A_1607 = vector.shape_cast %add3A_1601 : vector<16xi32> to vector<1x16xi32>
      tpu.vector_store %arg6[%swap3A_1603, %swap3A_1604], %swap3A_1607 {strides = array<i32>} : memref<13x128xi32, #tpu.memory_space<vmem>>, vector<1x16xi32>,
      %get3A_1608 = arith.constant 11 : i32
      %get3A_1609 = arith.index_cast %get3A_1608 : i32 to index
      %get3A_1610 = arith.constant 80 : index
      %get3A_1611 = tpu.vector_load %arg6[%get3A_1609, %get3A_1610] {strides = array<i32>} : memref<13x128xi32, #tpu.memory_space<vmem>>, vector<1x16xi32>,
      %get3A_1612 = vector.shape_cast %get3A_1611 : vector<1x16xi32> to vector<16xi32>
      %get3A_1613 = arith.constant 11 : i32
      %get3A_1614 = arith.index_cast %get3A_1613 : i32 to index
      %get3A_1615 = arith.constant 80 : index
      %get3A_1616 = tpu.vector_load %arg7[%get3A_1614, %get3A_1615] {strides = array<i32>} : memref<13x128xi32, #tpu.memory_space<vmem>>, vector<1x16xi32>,
      %get3A_1617 = vector.shape_cast %get3A_1616 : vector<1x16xi32> to vector<16xi32>
      %add3A_1618 = arith.addi %get3A_1612, %get3A_1617 : vector<16xi32>
      %swap3A_1619 = arith.constant 11 : i32
      %swap3A_1620 = arith.index_cast %swap3A_1619 : i32 to index
      %swap3A_1621 = arith.constant 80 : index
      %swap3A_1622 = tpu.vector_load %arg6[%swap3A_1620, %swap3A_1621] {strides = array<i32>} : memref<13x128xi32, #tpu.memory_space<vmem>>, vector<1x16xi32>,
      %swap3A_1623 = vector.shape_cast %swap3A_1622 : vector<1x16xi32> to vector<16xi32>
      %swap3A_1624 = vector.shape_cast %add3A_1618 : vector<16xi32> to vector<1x16xi32>
      tpu.vector_store %arg6[%swap3A_1620, %swap3A_1621], %swap3A_1624 {strides = array<i32>} : memref<13x128xi32, #tpu.memory_space<vmem>>, vector<1x16xi32>,
      %get3A_1625 = arith.constant 11 : i32
      %get3A_1626 = arith.index_cast %get3A_1625 : i32 to index
      %get3A_1627 = arith.constant 96 : index
      %get3A_1628 = tpu.vector_load %arg6[%get3A_1626, %get3A_1627] {strides = array<i32>} : memref<13x128xi32, #tpu.memory_space<vmem>>, vector<1x16xi32>,
      %get3A_1629 = vector.shape_cast %get3A_1628 : vector<1x16xi32> to vector<16xi32>
      %get3A_1630 = arith.constant 11 : i32
      %get3A_1631 = arith.index_cast %get3A_1630 : i32 to index
      %get3A_1632 = arith.constant 96 : index
      %get3A_1633 = tpu.vector_load %arg7[%get3A_1631, %get3A_1632] {strides = array<i32>} : memref<13x128xi32, #tpu.memory_space<vmem>>, vector<1x16xi32>,
      %get3A_1634 = vector.shape_cast %get3A_1633 : vector<1x16xi32> to vector<16xi32>
      %add3A_1635 = arith.addi %get3A_1629, %get3A_1634 : vector<16xi32>
      %swap3A_1636 = arith.constant 11 : i32
      %swap3A_1637 = arith.index_cast %swap3A_1636 : i32 to index
      %swap3A_1638 = arith.constant 96 : index
      %swap3A_1639 = tpu.vector_load %arg6[%swap3A_1637, %swap3A_1638] {strides = array<i32>} : memref<13x128xi32, #tpu.memory_space<vmem>>, vector<1x16xi32>,
      %swap3A_1640 = vector.shape_cast %swap3A_1639 : vector<1x16xi32> to vector<16xi32>
      %swap3A_1641 = vector.shape_cast %add3A_1635 : vector<16xi32> to vector<1x16xi32>
      tpu.vector_store %arg6[%swap3A_1637, %swap3A_1638], %swap3A_1641 {strides = array<i32>} : memref<13x128xi32, #tpu.memory_space<vmem>>, vector<1x16xi32>,
      %get3A_1642 = arith.constant 11 : i32
      %get3A_1643 = arith.index_cast %get3A_1642 : i32 to index
      %get3A_1644 = arith.constant 112 : index
      %get3A_1645 = tpu.vector_load %arg6[%get3A_1643, %get3A_1644] {strides = array<i32>} : memref<13x128xi32, #tpu.memory_space<vmem>>, vector<1x16xi32>,
      %get3A_1646 = vector.shape_cast %get3A_1645 : vector<1x16xi32> to vector<16xi32>
      %get3A_1647 = arith.constant 11 : i32
      %get3A_1648 = arith.index_cast %get3A_1647 : i32 to index
      %get3A_1649 = arith.constant 112 : index
      %get3A_1650 = tpu.vector_load %arg7[%get3A_1648, %get3A_1649] {strides = array<i32>} : memref<13x128xi32, #tpu.memory_space<vmem>>, vector<1x16xi32>,
      %get3A_1651 = vector.shape_cast %get3A_1650 : vector<1x16xi32> to vector<16xi32>
      %add3A_1652 = arith.addi %get3A_1646, %get3A_1651 : vector<16xi32>
      %swap3A_1653 = arith.constant 11 : i32
      %swap3A_1654 = arith.index_cast %swap3A_1653 : i32 to index
      %swap3A_1655 = arith.constant 112 : index
      %swap3A_1656 = tpu.vector_load %arg6[%swap3A_1654, %swap3A_1655] {strides = array<i32>} : memref<13x128xi32, #tpu.memory_space<vmem>>, vector<1x16xi32>,
      %swap3A_1657 = vector.shape_cast %swap3A_1656 : vector<1x16xi32> to vector<16xi32>
      %swap3A_1658 = vector.shape_cast %add3A_1652 : vector<16xi32> to vector<1x16xi32>
      tpu.vector_store %arg6[%swap3A_1654, %swap3A_1655], %swap3A_1658 {strides = array<i32>} : memref<13x128xi32, #tpu.memory_space<vmem>>, vector<1x16xi32>,
      %get3A_1659 = arith.constant 12 : i32
      %get3A_1660 = arith.index_cast %get3A_1659 : i32 to index
      %get3A_1661 = arith.constant 0 : index
      %get3A_1662 = tpu.vector_load %arg6[%get3A_1660, %get3A_1661] {strides = array<i32>} : memref<13x128xi32, #tpu.memory_space<vmem>>, vector<1x16xi32>,
      %get3A_1663 = vector.shape_cast %get3A_1662 : vector<1x16xi32> to vector<16xi32>
      %get3A_1664 = arith.constant 12 : i32
      %get3A_1665 = arith.index_cast %get3A_1664 : i32 to index
      %get3A_1666 = arith.constant 0 : index
      %get3A_1667 = tpu.vector_load %arg7[%get3A_1665, %get3A_1666] {strides = array<i32>} : memref<13x128xi32, #tpu.memory_space<vmem>>, vector<1x16xi32>,
      %get3A_1668 = vector.shape_cast %get3A_1667 : vector<1x16xi32> to vector<16xi32>
      %add3A_1669 = arith.addi %get3A_1663, %get3A_1668 : vector<16xi32>
      %swap3A_1670 = arith.constant 12 : i32
      %swap3A_1671 = arith.index_cast %swap3A_1670 : i32 to index
      %swap3A_1672 = arith.constant 0 : index
      %swap3A_1673 = tpu.vector_load %arg6[%swap3A_1671, %swap3A_1672] {strides = array<i32>} : memref<13x128xi32, #tpu.memory_space<vmem>>, vector<1x16xi32>,
      %swap3A_1674 = vector.shape_cast %swap3A_1673 : vector<1x16xi32> to vector<16xi32>
      %swap3A_1675 = vector.shape_cast %add3A_1669 : vector<16xi32> to vector<1x16xi32>
      tpu.vector_store %arg6[%swap3A_1671, %swap3A_1672], %swap3A_1675 {strides = array<i32>} : memref<13x128xi32, #tpu.memory_space<vmem>>, vector<1x16xi32>,
      %get3A_1676 = arith.constant 12 : i32
      %get3A_1677 = arith.index_cast %get3A_1676 : i32 to index
      %get3A_1678 = arith.constant 16 : index
      %get3A_1679 = tpu.vector_load %arg6[%get3A_1677, %get3A_1678] {strides = array<i32>} : memref<13x128xi32, #tpu.memory_space<vmem>>, vector<1x16xi32>,
      %get3A_1680 = vector.shape_cast %get3A_1679 : vector<1x16xi32> to vector<16xi32>
      %get3A_1681 = arith.constant 12 : i32
      %get3A_1682 = arith.index_cast %get3A_1681 : i32 to index
      %get3A_1683 = arith.constant 16 : index
      %get3A_1684 = tpu.vector_load %arg7[%get3A_1682, %get3A_1683] {strides = array<i32>} : memref<13x128xi32, #tpu.memory_space<vmem>>, vector<1x16xi32>,
      %get3A_1685 = vector.shape_cast %get3A_1684 : vector<1x16xi32> to vector<16xi32>
      %add3A_1686 = arith.addi %get3A_1680, %get3A_1685 : vector<16xi32>
      %swap3A_1687 = arith.constant 12 : i32
      %swap3A_1688 = arith.index_cast %swap3A_1687 : i32 to index
      %swap3A_1689 = arith.constant 16 : index
      %swap3A_1690 = tpu.vector_load %arg6[%swap3A_1688, %swap3A_1689] {strides = array<i32>} : memref<13x128xi32, #tpu.memory_space<vmem>>, vector<1x16xi32>,
      %swap3A_1691 = vector.shape_cast %swap3A_1690 : vector<1x16xi32> to vector<16xi32>
      %swap3A_1692 = vector.shape_cast %add3A_1686 : vector<16xi32> to vector<1x16xi32>
      tpu.vector_store %arg6[%swap3A_1688, %swap3A_1689], %swap3A_1692 {strides = array<i32>} : memref<13x128xi32, #tpu.memory_space<vmem>>, vector<1x16xi32>,
      %get3A_1693 = arith.constant 12 : i32
      %get3A_1694 = arith.index_cast %get3A_1693 : i32 to index
      %get3A_1695 = arith.constant 32 : index
      %get3A_1696 = tpu.vector_load %arg6[%get3A_1694, %get3A_1695] {strides = array<i32>} : memref<13x128xi32, #tpu.memory_space<vmem>>, vector<1x16xi32>,
      %get3A_1697 = vector.shape_cast %get3A_1696 : vector<1x16xi32> to vector<16xi32>
      %get3A_1698 = arith.constant 12 : i32
      %get3A_1699 = arith.index_cast %get3A_1698 : i32 to index
      %get3A_1700 = arith.constant 32 : index
      %get3A_1701 = tpu.vector_load %arg7[%get3A_1699, %get3A_1700] {strides = array<i32>} : memref<13x128xi32, #tpu.memory_space<vmem>>, vector<1x16xi32>,
      %get3A_1702 = vector.shape_cast %get3A_1701 : vector<1x16xi32> to vector<16xi32>
      %add3A_1703 = arith.addi %get3A_1697, %get3A_1702 : vector<16xi32>
      %swap3A_1704 = arith.constant 12 : i32
      %swap3A_1705 = arith.index_cast %swap3A_1704 : i32 to index
      %swap3A_1706 = arith.constant 32 : index
      %swap3A_1707 = tpu.vector_load %arg6[%swap3A_1705, %swap3A_1706] {strides = array<i32>} : memref<13x128xi32, #tpu.memory_space<vmem>>, vector<1x16xi32>,
      %swap3A_1708 = vector.shape_cast %swap3A_1707 : vector<1x16xi32> to vector<16xi32>
      %swap3A_1709 = vector.shape_cast %add3A_1703 : vector<16xi32> to vector<1x16xi32>
      tpu.vector_store %arg6[%swap3A_1705, %swap3A_1706], %swap3A_1709 {strides = array<i32>} : memref<13x128xi32, #tpu.memory_space<vmem>>, vector<1x16xi32>,
      %get3A_1710 = arith.constant 12 : i32
      %get3A_1711 = arith.index_cast %get3A_1710 : i32 to index
      %get3A_1712 = arith.constant 48 : index
      %get3A_1713 = tpu.vector_load %arg6[%get3A_1711, %get3A_1712] {strides = array<i32>} : memref<13x128xi32, #tpu.memory_space<vmem>>, vector<1x16xi32>,
      %get3A_1714 = vector.shape_cast %get3A_1713 : vector<1x16xi32> to vector<16xi32>
      %get3A_1715 = arith.constant 12 : i32
      %get3A_1716 = arith.index_cast %get3A_1715 : i32 to index
      %get3A_1717 = arith.constant 48 : index
      %get3A_1718 = tpu.vector_load %arg7[%get3A_1716, %get3A_1717] {strides = array<i32>} : memref<13x128xi32, #tpu.memory_space<vmem>>, vector<1x16xi32>,
      %get3A_1719 = vector.shape_cast %get3A_1718 : vector<1x16xi32> to vector<16xi32>
      %add3A_1720 = arith.addi %get3A_1714, %get3A_1719 : vector<16xi32>
      %swap3A_1721 = arith.constant 12 : i32
      %swap3A_1722 = arith.index_cast %swap3A_1721 : i32 to index
      %swap3A_1723 = arith.constant 48 : index
      %swap3A_1724 = tpu.vector_load %arg6[%swap3A_1722, %swap3A_1723] {strides = array<i32>} : memref<13x128xi32, #tpu.memory_space<vmem>>, vector<1x16xi32>,
      %swap3A_1725 = vector.shape_cast %swap3A_1724 : vector<1x16xi32> to vector<16xi32>
      %swap3A_1726 = vector.shape_cast %add3A_1720 : vector<16xi32> to vector<1x16xi32>
      tpu.vector_store %arg6[%swap3A_1722, %swap3A_1723], %swap3A_1726 {strides = array<i32>} : memref<13x128xi32, #tpu.memory_space<vmem>>, vector<1x16xi32>,
      %get3A_1727 = arith.constant 12 : i32
      %get3A_1728 = arith.index_cast %get3A_1727 : i32 to index
      %get3A_1729 = arith.constant 64 : index
      %get3A_1730 = tpu.vector_load %arg6[%get3A_1728, %get3A_1729] {strides = array<i32>} : memref<13x128xi32, #tpu.memory_space<vmem>>, vector<1x16xi32>,
      %get3A_1731 = vector.shape_cast %get3A_1730 : vector<1x16xi32> to vector<16xi32>
      %get3A_1732 = arith.constant 12 : i32
      %get3A_1733 = arith.index_cast %get3A_1732 : i32 to index
      %get3A_1734 = arith.constant 64 : index
      %get3A_1735 = tpu.vector_load %arg7[%get3A_1733, %get3A_1734] {strides = array<i32>} : memref<13x128xi32, #tpu.memory_space<vmem>>, vector<1x16xi32>,
      %get3A_1736 = vector.shape_cast %get3A_1735 : vector<1x16xi32> to vector<16xi32>
      %add3A_1737 = arith.addi %get3A_1731, %get3A_1736 : vector<16xi32>
      %swap3A_1738 = arith.constant 12 : i32
      %swap3A_1739 = arith.index_cast %swap3A_1738 : i32 to index
      %swap3A_1740 = arith.constant 64 : index
      %swap3A_1741 = tpu.vector_load %arg6[%swap3A_1739, %swap3A_1740] {strides = array<i32>} : memref<13x128xi32, #tpu.memory_space<vmem>>, vector<1x16xi32>,
      %swap3A_1742 = vector.shape_cast %swap3A_1741 : vector<1x16xi32> to vector<16xi32>
      %swap3A_1743 = vector.shape_cast %add3A_1737 : vector<16xi32> to vector<1x16xi32>
      tpu.vector_store %arg6[%swap3A_1739, %swap3A_1740], %swap3A_1743 {strides = array<i32>} : memref<13x128xi32, #tpu.memory_space<vmem>>, vector<1x16xi32>,
      %get3A_1744 = arith.constant 12 : i32
      %get3A_1745 = arith.index_cast %get3A_1744 : i32 to index
      %get3A_1746 = arith.constant 80 : index
      %get3A_1747 = tpu.vector_load %arg6[%get3A_1745, %get3A_1746] {strides = array<i32>} : memref<13x128xi32, #tpu.memory_space<vmem>>, vector<1x16xi32>,
      %get3A_1748 = vector.shape_cast %get3A_1747 : vector<1x16xi32> to vector<16xi32>
      %get3A_1749 = arith.constant 12 : i32
      %get3A_1750 = arith.index_cast %get3A_1749 : i32 to index
      %get3A_1751 = arith.constant 80 : index
      %get3A_1752 = tpu.vector_load %arg7[%get3A_1750, %get3A_1751] {strides = array<i32>} : memref<13x128xi32, #tpu.memory_space<vmem>>, vector<1x16xi32>,
      %get3A_1753 = vector.shape_cast %get3A_1752 : vector<1x16xi32> to vector<16xi32>
      %add3A_1754 = arith.addi %get3A_1748, %get3A_1753 : vector<16xi32>
      %swap3A_1755 = arith.constant 12 : i32
      %swap3A_1756 = arith.index_cast %swap3A_1755 : i32 to index
      %swap3A_1757 = arith.constant 80 : index
      %swap3A_1758 = tpu.vector_load %arg6[%swap3A_1756, %swap3A_1757] {strides = array<i32>} : memref<13x128xi32, #tpu.memory_space<vmem>>, vector<1x16xi32>,
      %swap3A_1759 = vector.shape_cast %swap3A_1758 : vector<1x16xi32> to vector<16xi32>
      %swap3A_1760 = vector.shape_cast %add3A_1754 : vector<16xi32> to vector<1x16xi32>
      tpu.vector_store %arg6[%swap3A_1756, %swap3A_1757], %swap3A_1760 {strides = array<i32>} : memref<13x128xi32, #tpu.memory_space<vmem>>, vector<1x16xi32>,
      %get3A_1761 = arith.constant 12 : i32
      %get3A_1762 = arith.index_cast %get3A_1761 : i32 to index
      %get3A_1763 = arith.constant 96 : index
      %get3A_1764 = tpu.vector_load %arg6[%get3A_1762, %get3A_1763] {strides = array<i32>} : memref<13x128xi32, #tpu.memory_space<vmem>>, vector<1x16xi32>,
      %get3A_1765 = vector.shape_cast %get3A_1764 : vector<1x16xi32> to vector<16xi32>
      %get3A_1766 = arith.constant 12 : i32
      %get3A_1767 = arith.index_cast %get3A_1766 : i32 to index
      %get3A_1768 = arith.constant 96 : index
      %get3A_1769 = tpu.vector_load %arg7[%get3A_1767, %get3A_1768] {strides = array<i32>} : memref<13x128xi32, #tpu.memory_space<vmem>>, vector<1x16xi32>,
      %get3A_1770 = vector.shape_cast %get3A_1769 : vector<1x16xi32> to vector<16xi32>
      %add3A_1771 = arith.addi %get3A_1765, %get3A_1770 : vector<16xi32>
      %swap3A_1772 = arith.constant 12 : i32
      %swap3A_1773 = arith.index_cast %swap3A_1772 : i32 to index
      %swap3A_1774 = arith.constant 96 : index
      %swap3A_1775 = tpu.vector_load %arg6[%swap3A_1773, %swap3A_1774] {strides = array<i32>} : memref<13x128xi32, #tpu.memory_space<vmem>>, vector<1x16xi32>,
      %swap3A_1776 = vector.shape_cast %swap3A_1775 : vector<1x16xi32> to vector<16xi32>
      %swap3A_1777 = vector.shape_cast %add3A_1771 : vector<16xi32> to vector<1x16xi32>
      tpu.vector_store %arg6[%swap3A_1773, %swap3A_1774], %swap3A_1777 {strides = array<i32>} : memref<13x128xi32, #tpu.memory_space<vmem>>, vector<1x16xi32>,
      %get3A_1778 = arith.constant 12 : i32
      %get3A_1779 = arith.index_cast %get3A_1778 : i32 to index
      %get3A_1780 = arith.constant 112 : index
      %get3A_1781 = tpu.vector_load %arg6[%get3A_1779, %get3A_1780] {strides = array<i32>} : memref<13x128xi32, #tpu.memory_space<vmem>>, vector<1x16xi32>,
      %get3A_1782 = vector.shape_cast %get3A_1781 : vector<1x16xi32> to vector<16xi32>
      %get3A_1783 = arith.constant 12 : i32
      %get3A_1784 = arith.index_cast %get3A_1783 : i32 to index
      %get3A_1785 = arith.constant 112 : index
      %get3A_1786 = tpu.vector_load %arg7[%get3A_1784, %get3A_1785] {strides = array<i32>} : memref<13x128xi32, #tpu.memory_space<vmem>>, vector<1x16xi32>,
      %get3A_1787 = vector.shape_cast %get3A_1786 : vector<1x16xi32> to vector<16xi32>
      %add3A_1788 = arith.addi %get3A_1782, %get3A_1787 : vector<16xi32>
      %swap3A_1789 = arith.constant 12 : i32
      %swap3A_1790 = arith.index_cast %swap3A_1789 : i32 to index
      %swap3A_1791 = arith.constant 112 : index
      %swap3A_1792 = tpu.vector_load %arg6[%swap3A_1790, %swap3A_1791] {strides = array<i32>} : memref<13x128xi32, #tpu.memory_space<vmem>>, vector<1x16xi32>,
      %swap3A_1793 = vector.shape_cast %swap3A_1792 : vector<1x16xi32> to vector<16xi32>
      %swap3A_1794 = vector.shape_cast %add3A_1788 : vector<16xi32> to vector<1x16xi32>
      tpu.vector_store %arg6[%swap3A_1790, %swap3A_1791], %swap3A_1794 {strides = array<i32>} : memref<13x128xi32, #tpu.memory_space<vmem>>, vector<1x16xi32>,
      %dma_start3A = arith.constant 0 : i32
      %dma_start3A_1795 = arith.constant 0 : i32
      %dma_start3A_1796 = arith.constant 0 : i32
      %dma_start3A_1797 = tpu.memref_slice %arg8[%dma_start3A_1795, %dma_start3A_1796] : memref<1664x16xf32, #tpu.memory_space<vmem>> -> memref<128x16xf32, #tpu.memory_space<vmem>>
      %dma_start3A_1798 = arith.constant 0 : i32
      %dma_start3A_1799 = tpu.memref_slice %arg6[%dma_start3A, %dma_start3A_1798] : memref<13x128xi32, #tpu.memory_space<vmem>> -> memref<1x128xi32, #tpu.memory_space<vmem>>
      %dma_start3A_1800 = tpu.memref_squeeze %dma_start3A_1799 : memref<1x128xi32, #tpu.memory_space<vmem>> -> memref<128xi32, #tpu.memory_space<vmem>>
      %dma_start3A_1801 = arith.constant 0 : i32
      %dma_start3A_1802 = arith.constant 0 : i32
      %dma_start3A_1803 = tpu.memref_slice %arg4[%dma_start3A_1801, %dma_start3A_1802] : memref<1040000x16xf32, #tpu.memory_space<hbm>> -> memref<1040000x16xf32, #tpu.memory_space<hbm>>
      tpu.enqueue_indirect_dma source(%dma_start3A_1803 : memref<1040000x16xf32, #tpu.memory_space<hbm>>) target(%dma_start3A_1797 : memref<128x16xf32, #tpu.memory_space<vmem>>) offsets(%dma_start3A_1800 : memref<128xi32, #tpu.memory_space<vmem>>) semaphore(%arg9 : memref<!tpu.dma_semaphore, #tpu.memory_space<semaphore_mem>>)
      %dma_start3A_1804 = arith.constant 1 : i32
      %dma_start3A_1805 = arith.constant 128 : i32
      %dma_start3A_1806 = arith.constant 0 : i32
      %dma_start3A_1807 = tpu.memref_slice %arg8[%dma_start3A_1805, %dma_start3A_1806] : memref<1664x16xf32, #tpu.memory_space<vmem>> -> memref<128x16xf32, #tpu.memory_space<vmem>>
      %dma_start3A_1808 = arith.constant 0 : i32
      %dma_start3A_1809 = tpu.memref_slice %arg6[%dma_start3A_1804, %dma_start3A_1808] : memref<13x128xi32, #tpu.memory_space<vmem>> -> memref<1x128xi32, #tpu.memory_space<vmem>>
      %dma_start3A_1810 = tpu.memref_squeeze %dma_start3A_1809 : memref<1x128xi32, #tpu.memory_space<vmem>> -> memref<128xi32, #tpu.memory_space<vmem>>
      %dma_start3A_1811 = arith.constant 0 : i32
      %dma_start3A_1812 = arith.constant 0 : i32
      %dma_start3A_1813 = tpu.memref_slice %arg4[%dma_start3A_1811, %dma_start3A_1812] : memref<1040000x16xf32, #tpu.memory_space<hbm>> -> memref<1040000x16xf32, #tpu.memory_space<hbm>>
      tpu.enqueue_indirect_dma source(%dma_start3A_1813 : memref<1040000x16xf32, #tpu.memory_space<hbm>>) target(%dma_start3A_1807 : memref<128x16xf32, #tpu.memory_space<vmem>>) offsets(%dma_start3A_1810 : memref<128xi32, #tpu.memory_space<vmem>>) semaphore(%arg9 : memref<!tpu.dma_semaphore, #tpu.memory_space<semaphore_mem>>)
      %dma_start3A_1814 = arith.constant 2 : i32
      %dma_start3A_1815 = arith.constant 256 : i32
      %dma_start3A_1816 = arith.constant 0 : i32
      %dma_start3A_1817 = tpu.memref_slice %arg8[%dma_start3A_1815, %dma_start3A_1816] : memref<1664x16xf32, #tpu.memory_space<vmem>> -> memref<128x16xf32, #tpu.memory_space<vmem>>
      %dma_start3A_1818 = arith.constant 0 : i32
      %dma_start3A_1819 = tpu.memref_slice %arg6[%dma_start3A_1814, %dma_start3A_1818] : memref<13x128xi32, #tpu.memory_space<vmem>> -> memref<1x128xi32, #tpu.memory_space<vmem>>
      %dma_start3A_1820 = tpu.memref_squeeze %dma_start3A_1819 : memref<1x128xi32, #tpu.memory_space<vmem>> -> memref<128xi32, #tpu.memory_space<vmem>>
      %dma_start3A_1821 = arith.constant 0 : i32
      %dma_start3A_1822 = arith.constant 0 : i32
      %dma_start3A_1823 = tpu.memref_slice %arg4[%dma_start3A_1821, %dma_start3A_1822] : memref<1040000x16xf32, #tpu.memory_space<hbm>> -> memref<1040000x16xf32, #tpu.memory_space<hbm>>
      tpu.enqueue_indirect_dma source(%dma_start3A_1823 : memref<1040000x16xf32, #tpu.memory_space<hbm>>) target(%dma_start3A_1817 : memref<128x16xf32, #tpu.memory_space<vmem>>) offsets(%dma_start3A_1820 : memref<128xi32, #tpu.memory_space<vmem>>) semaphore(%arg9 : memref<!tpu.dma_semaphore, #tpu.memory_space<semaphore_mem>>)
      %dma_start3A_1824 = arith.constant 3 : i32
      %dma_start3A_1825 = arith.constant 384 : i32
      %dma_start3A_1826 = arith.constant 0 : i32
      %dma_start3A_1827 = tpu.memref_slice %arg8[%dma_start3A_1825, %dma_start3A_1826] : memref<1664x16xf32, #tpu.memory_space<vmem>> -> memref<128x16xf32, #tpu.memory_space<vmem>>
      %dma_start3A_1828 = arith.constant 0 : i32
      %dma_start3A_1829 = tpu.memref_slice %arg6[%dma_start3A_1824, %dma_start3A_1828] : memref<13x128xi32, #tpu.memory_space<vmem>> -> memref<1x128xi32, #tpu.memory_space<vmem>>
      %dma_start3A_1830 = tpu.memref_squeeze %dma_start3A_1829 : memref<1x128xi32, #tpu.memory_space<vmem>> -> memref<128xi32, #tpu.memory_space<vmem>>
      %dma_start3A_1831 = arith.constant 0 : i32
      %dma_start3A_1832 = arith.constant 0 : i32
      %dma_start3A_1833 = tpu.memref_slice %arg4[%dma_start3A_1831, %dma_start3A_1832] : memref<1040000x16xf32, #tpu.memory_space<hbm>> -> memref<1040000x16xf32, #tpu.memory_space<hbm>>
      tpu.enqueue_indirect_dma source(%dma_start3A_1833 : memref<1040000x16xf32, #tpu.memory_space<hbm>>) target(%dma_start3A_1827 : memref<128x16xf32, #tpu.memory_space<vmem>>) offsets(%dma_start3A_1830 : memref<128xi32, #tpu.memory_space<vmem>>) semaphore(%arg9 : memref<!tpu.dma_semaphore, #tpu.memory_space<semaphore_mem>>)
      %dma_start3A_1834 = arith.constant 4 : i32
      %dma_start3A_1835 = arith.constant 512 : i32
      %dma_start3A_1836 = arith.constant 0 : i32
      %dma_start3A_1837 = tpu.memref_slice %arg8[%dma_start3A_1835, %dma_start3A_1836] : memref<1664x16xf32, #tpu.memory_space<vmem>> -> memref<128x16xf32, #tpu.memory_space<vmem>>
      %dma_start3A_1838 = arith.constant 0 : i32
      %dma_start3A_1839 = tpu.memref_slice %arg6[%dma_start3A_1834, %dma_start3A_1838] : memref<13x128xi32, #tpu.memory_space<vmem>> -> memref<1x128xi32, #tpu.memory_space<vmem>>
      %dma_start3A_1840 = tpu.memref_squeeze %dma_start3A_1839 : memref<1x128xi32, #tpu.memory_space<vmem>> -> memref<128xi32, #tpu.memory_space<vmem>>
      %dma_start3A_1841 = arith.constant 0 : i32
      %dma_start3A_1842 = arith.constant 0 : i32
      %dma_start3A_1843 = tpu.memref_slice %arg4[%dma_start3A_1841, %dma_start3A_1842] : memref<1040000x16xf32, #tpu.memory_space<hbm>> -> memref<1040000x16xf32, #tpu.memory_space<hbm>>
      tpu.enqueue_indirect_dma source(%dma_start3A_1843 : memref<1040000x16xf32, #tpu.memory_space<hbm>>) target(%dma_start3A_1837 : memref<128x16xf32, #tpu.memory_space<vmem>>) offsets(%dma_start3A_1840 : memref<128xi32, #tpu.memory_space<vmem>>) semaphore(%arg9 : memref<!tpu.dma_semaphore, #tpu.memory_space<semaphore_mem>>)
      %dma_start3A_1844 = arith.constant 5 : i32
      %dma_start3A_1845 = arith.constant 640 : i32
      %dma_start3A_1846 = arith.constant 0 : i32
      %dma_start3A_1847 = tpu.memref_slice %arg8[%dma_start3A_1845, %dma_start3A_1846] : memref<1664x16xf32, #tpu.memory_space<vmem>> -> memref<128x16xf32, #tpu.memory_space<vmem>>
      %dma_start3A_1848 = arith.constant 0 : i32
      %dma_start3A_1849 = tpu.memref_slice %arg6[%dma_start3A_1844, %dma_start3A_1848] : memref<13x128xi32, #tpu.memory_space<vmem>> -> memref<1x128xi32, #tpu.memory_space<vmem>>
      %dma_start3A_1850 = tpu.memref_squeeze %dma_start3A_1849 : memref<1x128xi32, #tpu.memory_space<vmem>> -> memref<128xi32, #tpu.memory_space<vmem>>
      %dma_start3A_1851 = arith.constant 0 : i32
      %dma_start3A_1852 = arith.constant 0 : i32
      %dma_start3A_1853 = tpu.memref_slice %arg4[%dma_start3A_1851, %dma_start3A_1852] : memref<1040000x16xf32, #tpu.memory_space<hbm>> -> memref<1040000x16xf32, #tpu.memory_space<hbm>>
      tpu.enqueue_indirect_dma source(%dma_start3A_1853 : memref<1040000x16xf32, #tpu.memory_space<hbm>>) target(%dma_start3A_1847 : memref<128x16xf32, #tpu.memory_space<vmem>>) offsets(%dma_start3A_1850 : memref<128xi32, #tpu.memory_space<vmem>>) semaphore(%arg9 : memref<!tpu.dma_semaphore, #tpu.memory_space<semaphore_mem>>)
      %dma_start3A_1854 = arith.constant 6 : i32
      %dma_start3A_1855 = arith.constant 768 : i32
      %dma_start3A_1856 = arith.constant 0 : i32
      %dma_start3A_1857 = tpu.memref_slice %arg8[%dma_start3A_1855, %dma_start3A_1856] : memref<1664x16xf32, #tpu.memory_space<vmem>> -> memref<128x16xf32, #tpu.memory_space<vmem>>
      %dma_start3A_1858 = arith.constant 0 : i32
      %dma_start3A_1859 = tpu.memref_slice %arg6[%dma_start3A_1854, %dma_start3A_1858] : memref<13x128xi32, #tpu.memory_space<vmem>> -> memref<1x128xi32, #tpu.memory_space<vmem>>
      %dma_start3A_1860 = tpu.memref_squeeze %dma_start3A_1859 : memref<1x128xi32, #tpu.memory_space<vmem>> -> memref<128xi32, #tpu.memory_space<vmem>>
      %dma_start3A_1861 = arith.constant 0 : i32
      %dma_start3A_1862 = arith.constant 0 : i32
      %dma_start3A_1863 = tpu.memref_slice %arg4[%dma_start3A_1861, %dma_start3A_1862] : memref<1040000x16xf32, #tpu.memory_space<hbm>> -> memref<1040000x16xf32, #tpu.memory_space<hbm>>
      tpu.enqueue_indirect_dma source(%dma_start3A_1863 : memref<1040000x16xf32, #tpu.memory_space<hbm>>) target(%dma_start3A_1857 : memref<128x16xf32, #tpu.memory_space<vmem>>) offsets(%dma_start3A_1860 : memref<128xi32, #tpu.memory_space<vmem>>) semaphore(%arg9 : memref<!tpu.dma_semaphore, #tpu.memory_space<semaphore_mem>>)
      %dma_start3A_1864 = arith.constant 7 : i32
      %dma_start3A_1865 = arith.constant 896 : i32
      %dma_start3A_1866 = arith.constant 0 : i32
      %dma_start3A_1867 = tpu.memref_slice %arg8[%dma_start3A_1865, %dma_start3A_1866] : memref<1664x16xf32, #tpu.memory_space<vmem>> -> memref<128x16xf32, #tpu.memory_space<vmem>>
      %dma_start3A_1868 = arith.constant 0 : i32
      %dma_start3A_1869 = tpu.memref_slice %arg6[%dma_start3A_1864, %dma_start3A_1868] : memref<13x128xi32, #tpu.memory_space<vmem>> -> memref<1x128xi32, #tpu.memory_space<vmem>>
      %dma_start3A_1870 = tpu.memref_squeeze %dma_start3A_1869 : memref<1x128xi32, #tpu.memory_space<vmem>> -> memref<128xi32, #tpu.memory_space<vmem>>
      %dma_start3A_1871 = arith.constant 0 : i32
      %dma_start3A_1872 = arith.constant 0 : i32
      %dma_start3A_1873 = tpu.memref_slice %arg4[%dma_start3A_1871, %dma_start3A_1872] : memref<1040000x16xf32, #tpu.memory_space<hbm>> -> memref<1040000x16xf32, #tpu.memory_space<hbm>>
      tpu.enqueue_indirect_dma source(%dma_start3A_1873 : memref<1040000x16xf32, #tpu.memory_space<hbm>>) target(%dma_start3A_1867 : memref<128x16xf32, #tpu.memory_space<vmem>>) offsets(%dma_start3A_1870 : memref<128xi32, #tpu.memory_space<vmem>>) semaphore(%arg9 : memref<!tpu.dma_semaphore, #tpu.memory_space<semaphore_mem>>)
      %dma_start3A_1874 = arith.constant 8 : i32
      %dma_start3A_1875 = arith.constant 1024 : i32
      %dma_start3A_1876 = arith.constant 0 : i32
      %dma_start3A_1877 = tpu.memref_slice %arg8[%dma_start3A_1875, %dma_start3A_1876] : memref<1664x16xf32, #tpu.memory_space<vmem>> -> memref<128x16xf32, #tpu.memory_space<vmem>>
      %dma_start3A_1878 = arith.constant 0 : i32
      %dma_start3A_1879 = tpu.memref_slice %arg6[%dma_start3A_1874, %dma_start3A_1878] : memref<13x128xi32, #tpu.memory_space<vmem>> -> memref<1x128xi32, #tpu.memory_space<vmem>>
      %dma_start3A_1880 = tpu.memref_squeeze %dma_start3A_1879 : memref<1x128xi32, #tpu.memory_space<vmem>> -> memref<128xi32, #tpu.memory_space<vmem>>
      %dma_start3A_1881 = arith.constant 0 : i32
      %dma_start3A_1882 = arith.constant 0 : i32
      %dma_start3A_1883 = tpu.memref_slice %arg4[%dma_start3A_1881, %dma_start3A_1882] : memref<1040000x16xf32, #tpu.memory_space<hbm>> -> memref<1040000x16xf32, #tpu.memory_space<hbm>>
      tpu.enqueue_indirect_dma source(%dma_start3A_1883 : memref<1040000x16xf32, #tpu.memory_space<hbm>>) target(%dma_start3A_1877 : memref<128x16xf32, #tpu.memory_space<vmem>>) offsets(%dma_start3A_1880 : memref<128xi32, #tpu.memory_space<vmem>>) semaphore(%arg9 : memref<!tpu.dma_semaphore, #tpu.memory_space<semaphore_mem>>)
      %dma_start3A_1884 = arith.constant 9 : i32
      %dma_start3A_1885 = arith.constant 1152 : i32
      %dma_start3A_1886 = arith.constant 0 : i32
      %dma_start3A_1887 = tpu.memref_slice %arg8[%dma_start3A_1885, %dma_start3A_1886] : memref<1664x16xf32, #tpu.memory_space<vmem>> -> memref<128x16xf32, #tpu.memory_space<vmem>>
      %dma_start3A_1888 = arith.constant 0 : i32
      %dma_start3A_1889 = tpu.memref_slice %arg6[%dma_start3A_1884, %dma_start3A_1888] : memref<13x128xi32, #tpu.memory_space<vmem>> -> memref<1x128xi32, #tpu.memory_space<vmem>>
      %dma_start3A_1890 = tpu.memref_squeeze %dma_start3A_1889 : memref<1x128xi32, #tpu.memory_space<vmem>> -> memref<128xi32, #tpu.memory_space<vmem>>
      %dma_start3A_1891 = arith.constant 0 : i32
      %dma_start3A_1892 = arith.constant 0 : i32
      %dma_start3A_1893 = tpu.memref_slice %arg4[%dma_start3A_1891, %dma_start3A_1892] : memref<1040000x16xf32, #tpu.memory_space<hbm>> -> memref<1040000x16xf32, #tpu.memory_space<hbm>>
      tpu.enqueue_indirect_dma source(%dma_start3A_1893 : memref<1040000x16xf32, #tpu.memory_space<hbm>>) target(%dma_start3A_1887 : memref<128x16xf32, #tpu.memory_space<vmem>>) offsets(%dma_start3A_1890 : memref<128xi32, #tpu.memory_space<vmem>>) semaphore(%arg9 : memref<!tpu.dma_semaphore, #tpu.memory_space<semaphore_mem>>)
      %dma_start3A_1894 = arith.constant 10 : i32
      %dma_start3A_1895 = arith.constant 1280 : i32
      %dma_start3A_1896 = arith.constant 0 : i32
      %dma_start3A_1897 = tpu.memref_slice %arg8[%dma_start3A_1895, %dma_start3A_1896] : memref<1664x16xf32, #tpu.memory_space<vmem>> -> memref<128x16xf32, #tpu.memory_space<vmem>>
      %dma_start3A_1898 = arith.constant 0 : i32
      %dma_start3A_1899 = tpu.memref_slice %arg6[%dma_start3A_1894, %dma_start3A_1898] : memref<13x128xi32, #tpu.memory_space<vmem>> -> memref<1x128xi32, #tpu.memory_space<vmem>>
      %dma_start3A_1900 = tpu.memref_squeeze %dma_start3A_1899 : memref<1x128xi32, #tpu.memory_space<vmem>> -> memref<128xi32, #tpu.memory_space<vmem>>
      %dma_start3A_1901 = arith.constant 0 : i32
      %dma_start3A_1902 = arith.constant 0 : i32
      %dma_start3A_1903 = tpu.memref_slice %arg4[%dma_start3A_1901, %dma_start3A_1902] : memref<1040000x16xf32, #tpu.memory_space<hbm>> -> memref<1040000x16xf32, #tpu.memory_space<hbm>>
      tpu.enqueue_indirect_dma source(%dma_start3A_1903 : memref<1040000x16xf32, #tpu.memory_space<hbm>>) target(%dma_start3A_1897 : memref<128x16xf32, #tpu.memory_space<vmem>>) offsets(%dma_start3A_1900 : memref<128xi32, #tpu.memory_space<vmem>>) semaphore(%arg9 : memref<!tpu.dma_semaphore, #tpu.memory_space<semaphore_mem>>)
      %dma_start3A_1904 = arith.constant 11 : i32
      %dma_start3A_1905 = arith.constant 1408 : i32
      %dma_start3A_1906 = arith.constant 0 : i32
      %dma_start3A_1907 = tpu.memref_slice %arg8[%dma_start3A_1905, %dma_start3A_1906] : memref<1664x16xf32, #tpu.memory_space<vmem>> -> memref<128x16xf32, #tpu.memory_space<vmem>>
      %dma_start3A_1908 = arith.constant 0 : i32
      %dma_start3A_1909 = tpu.memref_slice %arg6[%dma_start3A_1904, %dma_start3A_1908] : memref<13x128xi32, #tpu.memory_space<vmem>> -> memref<1x128xi32, #tpu.memory_space<vmem>>
      %dma_start3A_1910 = tpu.memref_squeeze %dma_start3A_1909 : memref<1x128xi32, #tpu.memory_space<vmem>> -> memref<128xi32, #tpu.memory_space<vmem>>
      %dma_start3A_1911 = arith.constant 0 : i32
      %dma_start3A_1912 = arith.constant 0 : i32
      %dma_start3A_1913 = tpu.memref_slice %arg4[%dma_start3A_1911, %dma_start3A_1912] : memref<1040000x16xf32, #tpu.memory_space<hbm>> -> memref<1040000x16xf32, #tpu.memory_space<hbm>>
      tpu.enqueue_indirect_dma source(%dma_start3A_1913 : memref<1040000x16xf32, #tpu.memory_space<hbm>>) target(%dma_start3A_1907 : memref<128x16xf32, #tpu.memory_space<vmem>>) offsets(%dma_start3A_1910 : memref<128xi32, #tpu.memory_space<vmem>>) semaphore(%arg9 : memref<!tpu.dma_semaphore, #tpu.memory_space<semaphore_mem>>)
      %dma_start3A_1914 = arith.constant 12 : i32
      %dma_start3A_1915 = arith.constant 1536 : i32
      %dma_start3A_1916 = arith.constant 0 : i32
      %dma_start3A_1917 = tpu.memref_slice %arg8[%dma_start3A_1915, %dma_start3A_1916] : memref<1664x16xf32, #tpu.memory_space<vmem>> -> memref<128x16xf32, #tpu.memory_space<vmem>>
      %dma_start3A_1918 = arith.constant 0 : i32
      %dma_start3A_1919 = tpu.memref_slice %arg6[%dma_start3A_1914, %dma_start3A_1918] : memref<13x128xi32, #tpu.memory_space<vmem>> -> memref<1x128xi32, #tpu.memory_space<vmem>>
      %dma_start3A_1920 = tpu.memref_squeeze %dma_start3A_1919 : memref<1x128xi32, #tpu.memory_space<vmem>> -> memref<128xi32, #tpu.memory_space<vmem>>
      %dma_start3A_1921 = arith.constant 0 : i32
      %dma_start3A_1922 = arith.constant 0 : i32
      %dma_start3A_1923 = tpu.memref_slice %arg4[%dma_start3A_1921, %dma_start3A_1922] : memref<1040000x16xf32, #tpu.memory_space<hbm>> -> memref<1040000x16xf32, #tpu.memory_space<hbm>>
      tpu.enqueue_indirect_dma source(%dma_start3A_1923 : memref<1040000x16xf32, #tpu.memory_space<hbm>>) target(%dma_start3A_1917 : memref<128x16xf32, #tpu.memory_space<vmem>>) offsets(%dma_start3A_1920 : memref<128xi32, #tpu.memory_space<vmem>>) semaphore(%arg9 : memref<!tpu.dma_semaphore, #tpu.memory_space<semaphore_mem>>)
      %dma_wait3A = arith.constant 0 : i32
      %dma_wait3A_1924 = arith.constant 0 : i32
      %dma_wait3A_1925 = arith.constant 0 : i32
      %dma_wait3A_1926 = tpu.memref_slice %arg8[%dma_wait3A_1924, %dma_wait3A_1925] : memref<1664x16xf32, #tpu.memory_space<vmem>> -> memref<128x16xf32, #tpu.memory_space<vmem>>
      %dma_wait3A_1927 = arith.constant 0 : i32
      %dma_wait3A_1928 = tpu.memref_slice %arg6[%dma_wait3A, %dma_wait3A_1927] : memref<13x128xi32, #tpu.memory_space<vmem>> -> memref<1x128xi32, #tpu.memory_space<vmem>>
      %dma_wait3A_1929 = tpu.memref_squeeze %dma_wait3A_1928 : memref<1x128xi32, #tpu.memory_space<vmem>> -> memref<128xi32, #tpu.memory_space<vmem>>
      %dma_wait3A_1930 = arith.constant 0 : i32
      %dma_wait3A_1931 = arith.constant 0 : i32
      %dma_wait3A_1932 = tpu.memref_slice %arg4[%dma_wait3A_1930, %dma_wait3A_1931] : memref<1040000x16xf32, #tpu.memory_space<hbm>> -> memref<1040000x16xf32, #tpu.memory_space<hbm>>
      tpu.wait_indirect_dma semaphore(%arg9 : memref<!tpu.dma_semaphore, #tpu.memory_space<semaphore_mem>>) src(%dma_wait3A_1932 : memref<1040000x16xf32, #tpu.memory_space<hbm>>) dst(%dma_wait3A_1926 : memref<128x16xf32, #tpu.memory_space<vmem>>)
      %dma_wait3A_1933 = arith.constant 1 : i32
      %dma_wait3A_1934 = arith.constant 128 : i32
      %dma_wait3A_1935 = arith.constant 0 : i32
      %dma_wait3A_1936 = tpu.memref_slice %arg8[%dma_wait3A_1934, %dma_wait3A_1935] : memref<1664x16xf32, #tpu.memory_space<vmem>> -> memref<128x16xf32, #tpu.memory_space<vmem>>
      %dma_wait3A_1937 = arith.constant 0 : i32
      %dma_wait3A_1938 = tpu.memref_slice %arg6[%dma_wait3A_1933, %dma_wait3A_1937] : memref<13x128xi32, #tpu.memory_space<vmem>> -> memref<1x128xi32, #tpu.memory_space<vmem>>
      %dma_wait3A_1939 = tpu.memref_squeeze %dma_wait3A_1938 : memref<1x128xi32, #tpu.memory_space<vmem>> -> memref<128xi32, #tpu.memory_space<vmem>>
      %dma_wait3A_1940 = arith.constant 0 : i32
      %dma_wait3A_1941 = arith.constant 0 : i32
      %dma_wait3A_1942 = tpu.memref_slice %arg4[%dma_wait3A_1940, %dma_wait3A_1941] : memref<1040000x16xf32, #tpu.memory_space<hbm>> -> memref<1040000x16xf32, #tpu.memory_space<hbm>>
      tpu.wait_indirect_dma semaphore(%arg9 : memref<!tpu.dma_semaphore, #tpu.memory_space<semaphore_mem>>) src(%dma_wait3A_1942 : memref<1040000x16xf32, #tpu.memory_space<hbm>>) dst(%dma_wait3A_1936 : memref<128x16xf32, #tpu.memory_space<vmem>>)
      %dma_wait3A_1943 = arith.constant 2 : i32
      %dma_wait3A_1944 = arith.constant 256 : i32
      %dma_wait3A_1945 = arith.constant 0 : i32
      %dma_wait3A_1946 = tpu.memref_slice %arg8[%dma_wait3A_1944, %dma_wait3A_1945] : memref<1664x16xf32, #tpu.memory_space<vmem>> -> memref<128x16xf32, #tpu.memory_space<vmem>>
      %dma_wait3A_1947 = arith.constant 0 : i32
      %dma_wait3A_1948 = tpu.memref_slice %arg6[%dma_wait3A_1943, %dma_wait3A_1947] : memref<13x128xi32, #tpu.memory_space<vmem>> -> memref<1x128xi32, #tpu.memory_space<vmem>>
      %dma_wait3A_1949 = tpu.memref_squeeze %dma_wait3A_1948 : memref<1x128xi32, #tpu.memory_space<vmem>> -> memref<128xi32, #tpu.memory_space<vmem>>
      %dma_wait3A_1950 = arith.constant 0 : i32
      %dma_wait3A_1951 = arith.constant 0 : i32
      %dma_wait3A_1952 = tpu.memref_slice %arg4[%dma_wait3A_1950, %dma_wait3A_1951] : memref<1040000x16xf32, #tpu.memory_space<hbm>> -> memref<1040000x16xf32, #tpu.memory_space<hbm>>
      tpu.wait_indirect_dma semaphore(%arg9 : memref<!tpu.dma_semaphore, #tpu.memory_space<semaphore_mem>>) src(%dma_wait3A_1952 : memref<1040000x16xf32, #tpu.memory_space<hbm>>) dst(%dma_wait3A_1946 : memref<128x16xf32, #tpu.memory_space<vmem>>)
      %dma_wait3A_1953 = arith.constant 3 : i32
      %dma_wait3A_1954 = arith.constant 384 : i32
      %dma_wait3A_1955 = arith.constant 0 : i32
      %dma_wait3A_1956 = tpu.memref_slice %arg8[%dma_wait3A_1954, %dma_wait3A_1955] : memref<1664x16xf32, #tpu.memory_space<vmem>> -> memref<128x16xf32, #tpu.memory_space<vmem>>
      %dma_wait3A_1957 = arith.constant 0 : i32
      %dma_wait3A_1958 = tpu.memref_slice %arg6[%dma_wait3A_1953, %dma_wait3A_1957] : memref<13x128xi32, #tpu.memory_space<vmem>> -> memref<1x128xi32, #tpu.memory_space<vmem>>
      %dma_wait3A_1959 = tpu.memref_squeeze %dma_wait3A_1958 : memref<1x128xi32, #tpu.memory_space<vmem>> -> memref<128xi32, #tpu.memory_space<vmem>>
      %dma_wait3A_1960 = arith.constant 0 : i32
      %dma_wait3A_1961 = arith.constant 0 : i32
      %dma_wait3A_1962 = tpu.memref_slice %arg4[%dma_wait3A_1960, %dma_wait3A_1961] : memref<1040000x16xf32, #tpu.memory_space<hbm>> -> memref<1040000x16xf32, #tpu.memory_space<hbm>>
      tpu.wait_indirect_dma semaphore(%arg9 : memref<!tpu.dma_semaphore, #tpu.memory_space<semaphore_mem>>) src(%dma_wait3A_1962 : memref<1040000x16xf32, #tpu.memory_space<hbm>>) dst(%dma_wait3A_1956 : memref<128x16xf32, #tpu.memory_space<vmem>>)
      %dma_wait3A_1963 = arith.constant 4 : i32
      %dma_wait3A_1964 = arith.constant 512 : i32
      %dma_wait3A_1965 = arith.constant 0 : i32
      %dma_wait3A_1966 = tpu.memref_slice %arg8[%dma_wait3A_1964, %dma_wait3A_1965] : memref<1664x16xf32, #tpu.memory_space<vmem>> -> memref<128x16xf32, #tpu.memory_space<vmem>>
      %dma_wait3A_1967 = arith.constant 0 : i32
      %dma_wait3A_1968 = tpu.memref_slice %arg6[%dma_wait3A_1963, %dma_wait3A_1967] : memref<13x128xi32, #tpu.memory_space<vmem>> -> memref<1x128xi32, #tpu.memory_space<vmem>>
      %dma_wait3A_1969 = tpu.memref_squeeze %dma_wait3A_1968 : memref<1x128xi32, #tpu.memory_space<vmem>> -> memref<128xi32, #tpu.memory_space<vmem>>
      %dma_wait3A_1970 = arith.constant 0 : i32
      %dma_wait3A_1971 = arith.constant 0 : i32
      %dma_wait3A_1972 = tpu.memref_slice %arg4[%dma_wait3A_1970, %dma_wait3A_1971] : memref<1040000x16xf32, #tpu.memory_space<hbm>> -> memref<1040000x16xf32, #tpu.memory_space<hbm>>
      tpu.wait_indirect_dma semaphore(%arg9 : memref<!tpu.dma_semaphore, #tpu.memory_space<semaphore_mem>>) src(%dma_wait3A_1972 : memref<1040000x16xf32, #tpu.memory_space<hbm>>) dst(%dma_wait3A_1966 : memref<128x16xf32, #tpu.memory_space<vmem>>)
      %dma_wait3A_1973 = arith.constant 5 : i32
      %dma_wait3A_1974 = arith.constant 640 : i32
      %dma_wait3A_1975 = arith.constant 0 : i32
      %dma_wait3A_1976 = tpu.memref_slice %arg8[%dma_wait3A_1974, %dma_wait3A_1975] : memref<1664x16xf32, #tpu.memory_space<vmem>> -> memref<128x16xf32, #tpu.memory_space<vmem>>
      %dma_wait3A_1977 = arith.constant 0 : i32
      %dma_wait3A_1978 = tpu.memref_slice %arg6[%dma_wait3A_1973, %dma_wait3A_1977] : memref<13x128xi32, #tpu.memory_space<vmem>> -> memref<1x128xi32, #tpu.memory_space<vmem>>
      %dma_wait3A_1979 = tpu.memref_squeeze %dma_wait3A_1978 : memref<1x128xi32, #tpu.memory_space<vmem>> -> memref<128xi32, #tpu.memory_space<vmem>>
      %dma_wait3A_1980 = arith.constant 0 : i32
      %dma_wait3A_1981 = arith.constant 0 : i32
      %dma_wait3A_1982 = tpu.memref_slice %arg4[%dma_wait3A_1980, %dma_wait3A_1981] : memref<1040000x16xf32, #tpu.memory_space<hbm>> -> memref<1040000x16xf32, #tpu.memory_space<hbm>>
      tpu.wait_indirect_dma semaphore(%arg9 : memref<!tpu.dma_semaphore, #tpu.memory_space<semaphore_mem>>) src(%dma_wait3A_1982 : memref<1040000x16xf32, #tpu.memory_space<hbm>>) dst(%dma_wait3A_1976 : memref<128x16xf32, #tpu.memory_space<vmem>>)
      %dma_wait3A_1983 = arith.constant 6 : i32
      %dma_wait3A_1984 = arith.constant 768 : i32
      %dma_wait3A_1985 = arith.constant 0 : i32
      %dma_wait3A_1986 = tpu.memref_slice %arg8[%dma_wait3A_1984, %dma_wait3A_1985] : memref<1664x16xf32, #tpu.memory_space<vmem>> -> memref<128x16xf32, #tpu.memory_space<vmem>>
      %dma_wait3A_1987 = arith.constant 0 : i32
      %dma_wait3A_1988 = tpu.memref_slice %arg6[%dma_wait3A_1983, %dma_wait3A_1987] : memref<13x128xi32, #tpu.memory_space<vmem>> -> memref<1x128xi32, #tpu.memory_space<vmem>>
      %dma_wait3A_1989 = tpu.memref_squeeze %dma_wait3A_1988 : memref<1x128xi32, #tpu.memory_space<vmem>> -> memref<128xi32, #tpu.memory_space<vmem>>
      %dma_wait3A_1990 = arith.constant 0 : i32
      %dma_wait3A_1991 = arith.constant 0 : i32
      %dma_wait3A_1992 = tpu.memref_slice %arg4[%dma_wait3A_1990, %dma_wait3A_1991] : memref<1040000x16xf32, #tpu.memory_space<hbm>> -> memref<1040000x16xf32, #tpu.memory_space<hbm>>
      tpu.wait_indirect_dma semaphore(%arg9 : memref<!tpu.dma_semaphore, #tpu.memory_space<semaphore_mem>>) src(%dma_wait3A_1992 : memref<1040000x16xf32, #tpu.memory_space<hbm>>) dst(%dma_wait3A_1986 : memref<128x16xf32, #tpu.memory_space<vmem>>)
      %dma_wait3A_1993 = arith.constant 7 : i32
      %dma_wait3A_1994 = arith.constant 896 : i32
      %dma_wait3A_1995 = arith.constant 0 : i32
      %dma_wait3A_1996 = tpu.memref_slice %arg8[%dma_wait3A_1994, %dma_wait3A_1995] : memref<1664x16xf32, #tpu.memory_space<vmem>> -> memref<128x16xf32, #tpu.memory_space<vmem>>
      %dma_wait3A_1997 = arith.constant 0 : i32
      %dma_wait3A_1998 = tpu.memref_slice %arg6[%dma_wait3A_1993, %dma_wait3A_1997] : memref<13x128xi32, #tpu.memory_space<vmem>> -> memref<1x128xi32, #tpu.memory_space<vmem>>
      %dma_wait3A_1999 = tpu.memref_squeeze %dma_wait3A_1998 : memref<1x128xi32, #tpu.memory_space<vmem>> -> memref<128xi32, #tpu.memory_space<vmem>>
      %dma_wait3A_2000 = arith.constant 0 : i32
      %dma_wait3A_2001 = arith.constant 0 : i32
      %dma_wait3A_2002 = tpu.memref_slice %arg4[%dma_wait3A_2000, %dma_wait3A_2001] : memref<1040000x16xf32, #tpu.memory_space<hbm>> -> memref<1040000x16xf32, #tpu.memory_space<hbm>>
      tpu.wait_indirect_dma semaphore(%arg9 : memref<!tpu.dma_semaphore, #tpu.memory_space<semaphore_mem>>) src(%dma_wait3A_2002 : memref<1040000x16xf32, #tpu.memory_space<hbm>>) dst(%dma_wait3A_1996 : memref<128x16xf32, #tpu.memory_space<vmem>>)
      %dma_wait3A_2003 = arith.constant 8 : i32
      %dma_wait3A_2004 = arith.constant 1024 : i32
      %dma_wait3A_2005 = arith.constant 0 : i32
      %dma_wait3A_2006 = tpu.memref_slice %arg8[%dma_wait3A_2004, %dma_wait3A_2005] : memref<1664x16xf32, #tpu.memory_space<vmem>> -> memref<128x16xf32, #tpu.memory_space<vmem>>
      %dma_wait3A_2007 = arith.constant 0 : i32
      %dma_wait3A_2008 = tpu.memref_slice %arg6[%dma_wait3A_2003, %dma_wait3A_2007] : memref<13x128xi32, #tpu.memory_space<vmem>> -> memref<1x128xi32, #tpu.memory_space<vmem>>
      %dma_wait3A_2009 = tpu.memref_squeeze %dma_wait3A_2008 : memref<1x128xi32, #tpu.memory_space<vmem>> -> memref<128xi32, #tpu.memory_space<vmem>>
      %dma_wait3A_2010 = arith.constant 0 : i32
      %dma_wait3A_2011 = arith.constant 0 : i32
      %dma_wait3A_2012 = tpu.memref_slice %arg4[%dma_wait3A_2010, %dma_wait3A_2011] : memref<1040000x16xf32, #tpu.memory_space<hbm>> -> memref<1040000x16xf32, #tpu.memory_space<hbm>>
      tpu.wait_indirect_dma semaphore(%arg9 : memref<!tpu.dma_semaphore, #tpu.memory_space<semaphore_mem>>) src(%dma_wait3A_2012 : memref<1040000x16xf32, #tpu.memory_space<hbm>>) dst(%dma_wait3A_2006 : memref<128x16xf32, #tpu.memory_space<vmem>>)
      %dma_wait3A_2013 = arith.constant 9 : i32
      %dma_wait3A_2014 = arith.constant 1152 : i32
      %dma_wait3A_2015 = arith.constant 0 : i32
      %dma_wait3A_2016 = tpu.memref_slice %arg8[%dma_wait3A_2014, %dma_wait3A_2015] : memref<1664x16xf32, #tpu.memory_space<vmem>> -> memref<128x16xf32, #tpu.memory_space<vmem>>
      %dma_wait3A_2017 = arith.constant 0 : i32
      %dma_wait3A_2018 = tpu.memref_slice %arg6[%dma_wait3A_2013, %dma_wait3A_2017] : memref<13x128xi32, #tpu.memory_space<vmem>> -> memref<1x128xi32, #tpu.memory_space<vmem>>
      %dma_wait3A_2019 = tpu.memref_squeeze %dma_wait3A_2018 : memref<1x128xi32, #tpu.memory_space<vmem>> -> memref<128xi32, #tpu.memory_space<vmem>>
      %dma_wait3A_2020 = arith.constant 0 : i32
      %dma_wait3A_2021 = arith.constant 0 : i32
      %dma_wait3A_2022 = tpu.memref_slice %arg4[%dma_wait3A_2020, %dma_wait3A_2021] : memref<1040000x16xf32, #tpu.memory_space<hbm>> -> memref<1040000x16xf32, #tpu.memory_space<hbm>>
      tpu.wait_indirect_dma semaphore(%arg9 : memref<!tpu.dma_semaphore, #tpu.memory_space<semaphore_mem>>) src(%dma_wait3A_2022 : memref<1040000x16xf32, #tpu.memory_space<hbm>>) dst(%dma_wait3A_2016 : memref<128x16xf32, #tpu.memory_space<vmem>>)
      %dma_wait3A_2023 = arith.constant 10 : i32
      %dma_wait3A_2024 = arith.constant 1280 : i32
      %dma_wait3A_2025 = arith.constant 0 : i32
      %dma_wait3A_2026 = tpu.memref_slice %arg8[%dma_wait3A_2024, %dma_wait3A_2025] : memref<1664x16xf32, #tpu.memory_space<vmem>> -> memref<128x16xf32, #tpu.memory_space<vmem>>
      %dma_wait3A_2027 = arith.constant 0 : i32
      %dma_wait3A_2028 = tpu.memref_slice %arg6[%dma_wait3A_2023, %dma_wait3A_2027] : memref<13x128xi32, #tpu.memory_space<vmem>> -> memref<1x128xi32, #tpu.memory_space<vmem>>
      %dma_wait3A_2029 = tpu.memref_squeeze %dma_wait3A_2028 : memref<1x128xi32, #tpu.memory_space<vmem>> -> memref<128xi32, #tpu.memory_space<vmem>>
      %dma_wait3A_2030 = arith.constant 0 : i32
      %dma_wait3A_2031 = arith.constant 0 : i32
      %dma_wait3A_2032 = tpu.memref_slice %arg4[%dma_wait3A_2030, %dma_wait3A_2031] : memref<1040000x16xf32, #tpu.memory_space<hbm>> -> memref<1040000x16xf32, #tpu.memory_space<hbm>>
      tpu.wait_indirect_dma semaphore(%arg9 : memref<!tpu.dma_semaphore, #tpu.memory_space<semaphore_mem>>) src(%dma_wait3A_2032 : memref<1040000x16xf32, #tpu.memory_space<hbm>>) dst(%dma_wait3A_2026 : memref<128x16xf32, #tpu.memory_space<vmem>>)
      %dma_wait3A_2033 = arith.constant 11 : i32
      %dma_wait3A_2034 = arith.constant 1408 : i32
      %dma_wait3A_2035 = arith.constant 0 : i32
      %dma_wait3A_2036 = tpu.memref_slice %arg8[%dma_wait3A_2034, %dma_wait3A_2035] : memref<1664x16xf32, #tpu.memory_space<vmem>> -> memref<128x16xf32, #tpu.memory_space<vmem>>
      %dma_wait3A_2037 = arith.constant 0 : i32
      %dma_wait3A_2038 = tpu.memref_slice %arg6[%dma_wait3A_2033, %dma_wait3A_2037] : memref<13x128xi32, #tpu.memory_space<vmem>> -> memref<1x128xi32, #tpu.memory_space<vmem>>
      %dma_wait3A_2039 = tpu.memref_squeeze %dma_wait3A_2038 : memref<1x128xi32, #tpu.memory_space<vmem>> -> memref<128xi32, #tpu.memory_space<vmem>>
      %dma_wait3A_2040 = arith.constant 0 : i32
      %dma_wait3A_2041 = arith.constant 0 : i32
      %dma_wait3A_2042 = tpu.memref_slice %arg4[%dma_wait3A_2040, %dma_wait3A_2041] : memref<1040000x16xf32, #tpu.memory_space<hbm>> -> memref<1040000x16xf32, #tpu.memory_space<hbm>>
      tpu.wait_indirect_dma semaphore(%arg9 : memref<!tpu.dma_semaphore, #tpu.memory_space<semaphore_mem>>) src(%dma_wait3A_2042 : memref<1040000x16xf32, #tpu.memory_space<hbm>>) dst(%dma_wait3A_2036 : memref<128x16xf32, #tpu.memory_space<vmem>>)
      %dma_wait3A_2043 = arith.constant 12 : i32
      %dma_wait3A_2044 = arith.constant 1536 : i32
      %dma_wait3A_2045 = arith.constant 0 : i32
      %dma_wait3A_2046 = tpu.memref_slice %arg8[%dma_wait3A_2044, %dma_wait3A_2045] : memref<1664x16xf32, #tpu.memory_space<vmem>> -> memref<128x16xf32, #tpu.memory_space<vmem>>
      %dma_wait3A_2047 = arith.constant 0 : i32
      %dma_wait3A_2048 = tpu.memref_slice %arg6[%dma_wait3A_2043, %dma_wait3A_2047] : memref<13x128xi32, #tpu.memory_space<vmem>> -> memref<1x128xi32, #tpu.memory_space<vmem>>
      %dma_wait3A_2049 = tpu.memref_squeeze %dma_wait3A_2048 : memref<1x128xi32, #tpu.memory_space<vmem>> -> memref<128xi32, #tpu.memory_space<vmem>>
      %dma_wait3A_2050 = arith.constant 0 : i32
      %dma_wait3A_2051 = arith.constant 0 : i32
      %dma_wait3A_2052 = tpu.memref_slice %arg4[%dma_wait3A_2050, %dma_wait3A_2051] : memref<1040000x16xf32, #tpu.memory_space<hbm>> -> memref<1040000x16xf32, #tpu.memory_space<hbm>>
      tpu.wait_indirect_dma semaphore(%arg9 : memref<!tpu.dma_semaphore, #tpu.memory_space<semaphore_mem>>) src(%dma_wait3A_2052 : memref<1040000x16xf32, #tpu.memory_space<hbm>>) dst(%dma_wait3A_2046 : memref<128x16xf32, #tpu.memory_space<vmem>>)
      %mul3A_2053 = arith.constant 26 : i32
      %mul3A_2054 = arith.muli %add3A_11, %mul3A_2053 : i32
      "tpu.region"() ({
        %run_scoped3A = tpu.sem_alloc : memref<!tpu.dma_semaphore, #tpu.memory_space<semaphore_mem>>
        %dma_start3A_2055 = arith.constant 0 : i32
        %dma_start3A_2056 = tpu.memref_slice %arg5[%mul3A_2054, %dma_start3A_2055] : memref<425984x16xf32, #tpu.memory_space<hbm>> -> memref<1664x16xf32, #tpu.memory_space<hbm>>
        %dma_start3A_2057 = arith.constant 0 : i32
        %dma_start3A_2058 = tpu.memref_slice %arg5[%mul3A_2054, %dma_start3A_2057] : memref<425984x16xf32, #tpu.memory_space<hbm>> -> memref<1664x16xf32, #tpu.memory_space<hbm>>
        tpu.enqueue_dma source(%arg8 : memref<1664x16xf32, #tpu.memory_space<vmem>>) target(%dma_start3A_2058 : memref<1664x16xf32, #tpu.memory_space<hbm>>) target_semaphore(%run_scoped3A : memref<!tpu.dma_semaphore, #tpu.memory_space<semaphore_mem>>)
        %dma_wait3A_2059 = arith.constant 0 : i32
        %dma_wait3A_2060 = tpu.memref_slice %arg5[%mul3A_2054, %dma_wait3A_2059] : memref<425984x16xf32, #tpu.memory_space<hbm>> -> memref<1664x16xf32, #tpu.memory_space<hbm>>
        %dma_wait3A_2061 = arith.constant 0 : i32
        %dma_wait3A_2062 = tpu.memref_slice %arg5[%mul3A_2054, %dma_wait3A_2061] : memref<425984x16xf32, #tpu.memory_space<hbm>> -> memref<1664x16xf32, #tpu.memory_space<hbm>>
        tpu.wait_dma2 semaphore(%run_scoped3A : memref<!tpu.dma_semaphore, #tpu.memory_space<semaphore_mem>>) src(%arg8 : memref<1664x16xf32, #tpu.memory_space<vmem>>) dst(%dma_wait3A_2062 : memref<1664x16xf32, #tpu.memory_space<hbm>>)
        tpu.yield
      }) : () -> ()
    }
    %scan3A_7 = arith.constant 8 : i32
    return
  }
}

module attributes {stable_mosaic.version = 14 : i64} {
  func.func @_tc_body(%arg0: i32, %arg1: memref<128x416xf32, #tpu.memory_space<vmem>>, %arg2: memref<128x208xf32, #tpu.memory_space<vmem>>, %arg3: memref<1x208xf32, #tpu.memory_space<vmem>>, %arg4: memref<1x208xf32, #tpu.memory_space<vmem>>, %arg5: memref<1x416xf32, #tpu.memory_space<vmem>>, %arg6: memref<128x624xf32, #tpu.memory_space<vmem>>) attributes {dimension_semantics = [#tpu.dimension_semantics<arbitrary>], iteration_bounds = array<i64: 128>, scalar_prefetch = 0 : i64, scratch_operands = 0 : i64, tpu.core_type = #tpu.core_type<tc>, window_params = [{transform_indices = @transform_0, window_bounds = array<i64: 128, 416>}, {transform_indices = @transform_1, window_bounds = array<i64: 128, 208>}, {pipeline_mode = #tpu.pipeline_mode<synchronous>, transform_indices = @transform_2, window_bounds = array<i64: 1, 208>}, {pipeline_mode = #tpu.pipeline_mode<synchronous>, transform_indices = @transform_3, window_bounds = array<i64: 1, 208>}, {pipeline_mode = #tpu.pipeline_mode<synchronous>, transform_indices = @transform_4, window_bounds = array<i64: 1, 416>}, {transform_indices = @transform_5, window_bounds = array<i64: 128, 624>}]} {
    %get3A = arith.constant 0 : index
    %get3A_0 = arith.constant 0 : index
    %get3A_1 = vector.load %arg2[%get3A, %get3A_0] : memref<128x208xf32, #tpu.memory_space<vmem>>, vector<128x208xf32>
    %get3A_2 = arith.constant 0 : index
    %get3A_3 = arith.constant 0 : index
    %get3A_4 = vector.load %arg3[%get3A_2, %get3A_3] : memref<1x208xf32, #tpu.memory_space<vmem>>, vector<1x208xf32>
    %mul3A = vector.broadcast %get3A_4 : vector<1x208xf32> to vector<128x208xf32>
    %mul3A_5 = arith.mulf %get3A_1, %mul3A : vector<128x208xf32>
    %get3A_6 = arith.constant 0 : index
    %get3A_7 = arith.constant 0 : index
    %get3A_8 = vector.load %arg4[%get3A_6, %get3A_7] : memref<1x208xf32, #tpu.memory_space<vmem>>, vector<1x208xf32>
    %add3A = vector.broadcast %get3A_8 : vector<1x208xf32> to vector<128x208xf32>
    %add3A_9 = arith.addf %mul3A_5, %add3A : vector<128x208xf32>
    %get3A_10 = arith.constant 0 : index
    %get3A_11 = arith.constant 0 : index
    %get3A_12 = vector.load %arg1[%get3A_10, %get3A_11] : memref<128x416xf32, #tpu.memory_space<vmem>>, vector<128x416xf32>
    %get3A_13 = arith.constant 0 : index
    %get3A_14 = arith.constant 0 : index
    %get3A_15 = vector.load %arg5[%get3A_13, %get3A_14] : memref<1x416xf32, #tpu.memory_space<vmem>>, vector<1x416xf32>
    %add3A_16 = vector.broadcast %get3A_15 : vector<1x416xf32> to vector<128x416xf32>
    %add3A_17 = arith.addf %get3A_12, %add3A_16 : vector<128x416xf32>
    %concatenate3A = tpu.concatenate %add3A_9, %add3A_17 in 1 : vector<128x208xf32>, vector<128x416xf32> -> vector<128x624xf32>
    %swap3A = arith.constant 0 : index
    %swap3A_18 = arith.constant 0 : index
    %swap3A_19 = vector.load %arg6[%swap3A, %swap3A_18] : memref<128x624xf32, #tpu.memory_space<vmem>>, vector<128x624xf32>
    tpu.vector_store %arg6[%swap3A, %swap3A_18], %concatenate3A {strides = array<i32>} : memref<128x624xf32, #tpu.memory_space<vmem>>, vector<128x624xf32>,
    return
  }
  func.func @transform_0(%arg0: i32) -> (i32, i32) {
    %c0_i32 = arith.constant 0 : i32
    %c0_i32_0 = arith.constant 0 : i32
    return %arg0, %c0_i32 : i32, i32
  }
  func.func @transform_1(%arg0: i32) -> (i32, i32) {
    %c0_i32 = arith.constant 0 : i32
    %c0_i32_0 = arith.constant 0 : i32
    return %arg0, %c0_i32 : i32, i32
  }
  func.func @transform_2(%arg0: i32) -> (i32, i32) {
    %c0_i32 = arith.constant 0 : i32
    %c0_i32_0 = arith.constant 0 : i32
    %c0_i32_1 = arith.constant 0 : i32
    return %c0_i32, %c0_i32_0 : i32, i32
  }
  func.func @transform_3(%arg0: i32) -> (i32, i32) {
    %c0_i32 = arith.constant 0 : i32
    %c0_i32_0 = arith.constant 0 : i32
    %c0_i32_1 = arith.constant 0 : i32
    return %c0_i32, %c0_i32_0 : i32, i32
  }
  func.func @transform_4(%arg0: i32) -> (i32, i32) {
    %c0_i32 = arith.constant 0 : i32
    %c0_i32_0 = arith.constant 0 : i32
    %c0_i32_1 = arith.constant 0 : i32
    return %c0_i32, %c0_i32_0 : i32, i32
  }
  func.func @transform_5(%arg0: i32) -> (i32, i32) {
    %c0_i32 = arith.constant 0 : i32
    %c0_i32_0 = arith.constant 0 : i32
    return %arg0, %c0_i32 : i32, i32
  }
}

</mosaic_0001>

<sc_bundles>
// kernel: kernel.4.cloned.1.call-start
scs
__scs_entry_jumppad:
0x0: {  	(pc) =	sbr.rel $0x88, $3  }
0x1: {  	(tag) =	ssettag $0x0;
	lr =	simm.s32 $0x1  }
0x2: {  	[smem:$0x3F9B] =	sst lr;
	_ =	strace $0xD0000000  }
0x3: {  	_ = 	snop  }
0x4: {  	_ = 	snop  }
0x5: {  	_ = 	snop  }
0x6: {  	_ = 	snop  }
0x7: {  	_ = 	snop  }
__scs_overlays_trampoline_lowered:
0x8: {  	[smem:$0x3FAA] =	sst s0  }
0x9: {  	[smem:$0x3FAB] =	sst s1  }
0xa: {  	[smem:$0x3FAC] =	sst s2  }
0xb: {  	[smem:$0x3FAD] =	sst s3  }
0xc: {  	[smem:$0x3FAE] =	sst s4  }
0xd: {  	[smem:$0x3FAF] =	sst s5  }
0xe: {  	[smem:$0x3FB0] =	sst s6  }
0xf: {  	[smem:$0x3FB1] =	sst s7  }
0x10: {  	[smem:$0x3FB2] =	sst s8  }
0x11: {  	[smem:$0x3FB3] =	sst s9;
	s0 =	simm.s32 @!p0 $0x0  }
0x12: {  	s1 =	sld [smem:$0x3F99];
	s0 =	simm.s32 @p0 $0x1  }
0x13: {  	[smem:$0x3FB4] =	sst s0;
	s0 =	simm.s32 @!p1 $0x0  }
0x14: {  	s2 =	sld [smem:$0x3F98];
	s0 =	simm.s32 @p1 $0x1  }
0x15: {  	[smem:$0x3FB5] =	sst s0;
	s0 =	simm.s32 @!p2 $0x0  }
0x16: {  	s3 =	sld [smem:$0x3FDB];
	s0 =	simm.s32 @p2 $0x1  }
0x17: {  	s4 =	simm.s32 $0x1BF5;
	[smem:$0x3FB7] =	sst s0  }
0x18: {  	s0 =	sld [smem:$0x3F9A];
	_ =	swait.ge [sflag:s4], $0x0  }
0x19: {  	s7 =	sld [smem:$0x3F9B]  }
0x1a: {  	s8 =	sadd.s32 $0xFFFFE003, lr  }
0x1b: {  	s9 =	sadd.s32 $0xFFFFFEF7, lr;
	s5 =	simm.s32 $0xFFFFFFFF;
	p2 =	slt.u32 s8, $0xFFFFF086  }
0x1c: {  	p1 =	slt.u32 s9, $0xF7A;
	s5 =	simm.s32 @!p2 $0x0  }
0x1d: {  	s5 =	simm.s32 @p1 $0x1;
	p0 =	seq.s32 s7, s2  }
0x1e: {  	s7 =	smul.u32 @!p0 $0xF7A, s2;
	p2 =	seq.s32 @!p0 s5, $0x0  }
0x1f: {  	s9 =	smul.u32 $0xF7A, s1;
	s8 =	simm.s32 @!p0 $0x1BF5;
	p2 =	por !p2, p0  }
0x20: {  	[sflag:s8] =	ssyncset.s32 @!p0 $0xFFFFF086;
	s6 =	sadd.s32 @!p0 s3, s7;
	s7 =	simm.s32 @!p0 $0x108  }
0x21: {  	s3 =	sadd.s32 s3, s9;
	s6 =	sadd.s32 @!p0 $0x88, s6;
	s7 =	simm.s32 @p2 $0x1082  }
0x22: {  	[simem:s7], [sflag:s8] =	dma.local @!p0 [hbm:s6], $0xF7A  }
0x23: {  	s9 =	sor.u32 $0xD0000000, s2;
	s6 =	simm.s32 $0x108;
	_ =	swait.ge @!p0 [sflag:s8], $0x0  }
0x24: {  	s3 =	sadd.s32 $0x88, s3;
	s6 =	simm.s32 @!p1 $0x1082;
	[sflag:s4] =	ssyncset.s32 $0xFFFFF086  }
0x25: {  	[simem:s6], [sflag:s4] =	dma.local [hbm:s3], $0xF7A  }
0x26: {  	[smem:$0x3F9B] =	sst s1;
	(tag) =	ssettag s2;
	_ =	strace s9  }
0x27: {  	s1 =	sld [smem:$0x3FAB]  }
0x28: {  	s2 =	sld [smem:$0x3FAC]  }
0x29: {  	s4 =	sld [smem:$0x3FAE]  }
0x2a: {  	p0 =	seq.s32 s5, $0x0;
	s5 =	sld [smem:$0x3FAF]  }
0x2b: {  	s6 =	sld [smem:$0x3FB0]  }
0x2c: {  	s7 =	sld [smem:$0x3FB1]  }
0x2d: {  	s3 =	simm.s32 $0x108;
	s8 =	sld [smem:$0x3FB2]  }
0x2e: {  	s3 =	simm.s32 @!p0 $0x1082;
	s9 =	sld [smem:$0x3FB3]  }
0x2f: {  	lr =	sadd.s32 s0, s3;
	s0 =	sld [smem:$0x3FAA]  }
0x30: {  	s3 =	sld [smem:$0x3FAD]  }
0x31: {  	[smem:$0x3FB6] =	sst s10  }
0x32: {  	s10 =	sld [smem:$0x3FB4];
	_ =	sdelay $0x3  }
0x33: {  	p0 =	seq.s32 s10, $0x1;
	s10 =	sld [smem:$0x3FB6];
	_ =	sdelay $0x3  }
0x34: {  	[smem:$0x3FB6] =	sst s10  }
0x35: {  	s10 =	sld [smem:$0x3FB5];
	_ =	sdelay $0x3  }
0x36: {  	p1 =	seq.s32 s10, $0x1;
	s10 =	sld [smem:$0x3FB6];
	_ =	sdelay $0x3  }
0x37: {  	[smem:$0x3FB6] =	sst s10  }
0x38: {  	s10 =	sld [smem:$0x3FB7]  }
0x39: {  	_ = 	snop;
	(pc) =	sbr.ind lr, $3  }
0x3a: {  	_ = 	snop  }
0x3b: {  	_ = 	snop  }
0x3c: {  	p2 =	seq.s32 s10, $0x1;
	s10 =	sld [smem:$0x3FB6]  }
0x3d: {  	_ =	shalt  }
0x3e: {  	_ =	shalt  }
0x3f: {  	_ =	shalt  }
0x40: {  	_ =	shalt  }
0x41: {  	_ =	shalt  }
0x42: {  	_ =	shalt  }
0x43: {  	_ =	shalt  }
0x44: {  	_ =	shalt  }
0x45: {  	_ =	shalt  }
0x46: {  	_ =	shalt  }
0x47: {  	_ =	shalt  }
0x48: {  	_ =	shalt  }
0x49: {  	_ =	shalt  }
0x4a: {  	_ =	shalt  }
0x4b: {  	_ =	shalt  }
0x4c: {  	_ =	shalt  }
0x4d: {  	_ =	shalt  }
0x4e: {  	_ =	shalt  }
0x4f: {  	_ =	shalt  }
0x50: {  	_ =	shalt  }
0x51: {  	_ =	shalt  }
0x52: {  	_ =	shalt  }
0x53: {  	_ =	shalt  }
0x54: {  	_ =	shalt  }
0x55: {  	_ =	shalt  }
0x56: {  	_ =	shalt  }
0x57: {  	_ =	shalt  }
0x58: {  	_ =	shalt  }
0x59: {  	_ =	shalt  }
0x5a: {  	_ =	shalt  }
0x5b: {  	_ =	shalt  }
0x5c: {  	_ =	shalt  }
0x5d: {  	_ =	shalt  }
0x5e: {  	_ =	shalt  }
0x5f: {  	_ =	shalt  }
0x60: {  	_ =	shalt  }
0x61: {  	_ =	shalt  }
0x62: {  	_ =	shalt  }
0x63: {  	_ =	shalt  }
0x64: {  	_ =	shalt  }
0x65: {  	_ =	shalt  }
0x66: {  	_ =	shalt  }
0x67: {  	_ =	shalt  }
0x68: {  	_ =	shalt  }
0x69: {  	_ =	shalt  }
0x6a: {  	_ =	shalt  }
0x6b: {  	_ =	shalt  }
0x6c: {  	_ =	shalt  }
0x6d: {  	_ =	shalt  }
0x6e: {  	_ =	shalt  }
0x6f: {  	_ =	shalt  }
0x70: {  	_ =	shalt  }
0x71: {  	_ =	shalt  }
0x72: {  	_ =	shalt  }
0x73: {  	_ =	shalt  }
0x74: {  	_ =	shalt  }
0x75: {  	_ =	shalt  }
0x76: {  	_ =	shalt  }
0x77: {  	_ =	shalt  }
0x78: {  	_ =	shalt  }
0x79: {  	_ =	shalt  }
0x7a: {  	_ =	shalt  }
0x7b: {  	_ =	shalt  }
0x7c: {  	_ =	shalt  }
0x7d: {  	_ =	shalt  }
0x7e: {  	_ =	shalt  }
0x7f: {  	_ =	shalt  }
0x80: {  	_ =	shalt  }
0x81: {  	_ =	shalt  }
0x82: {  	_ =	shalt  }
0x83: {  	_ =	shalt  }
0x84: {  	_ =	shalt  }
0x85: {  	_ =	shalt  }
0x86: {  	_ =	shalt  }
0x87: {  	_ =	shalt  }
.Lfunc_end0:
.L_simem_size_0:
called_computation_lowered:
.L_overlay_start_0:
0x88: {  	s2 =	sld [smem:$0x3FD9]  }
0x89: {  	s3 =	sld [smem:$0x3FFE];
	_ =	sdelay $0x1  }
0x8a: {  	s1 =	srdreg.scid  }
0x8b: {  	s0 =	sand.u32 $0x1, s1  }
0x8c: {  	s17 =	sshll.u32 s0, $0xA;
	s2 =	sadd.s32 s3, s2  }
0x8d: {  	s2 =	sadd.s32 s2, s17  }
0x8e: {  	[smem:$0x3FC2] =	sst s2  }
0x8f: {  	_ = 	snop  }
0x90: {  	s2 =	sld [smem:$0x3FD0];
	(tm) =	ssettm $0x1  }
0x91: {  	s18 =	sld [smem:$0x3FFB];
	_ =	sdelay $0x3  }
0x92: {  	_ =	strace s18  }
0x93: {  	s3 =	sld [smem:$0x3FFC];
	_ =	sdelay $0x3  }
0x94: {  	_ =	strace s3  }
0x95: {  	s3 =	sld [smem:$0x3FFD];
	_ =	sdelay $0x3  }
0x96: {  	_ =	strace s3  }
0x97: {  	_ =	strace $0x8FFFFFFF  }
0x98: {  	s19 =	sld [smem:$0x3FDB];
	_ =	sdelay $0x1  }
0x99: {  	s4 =	simm.s32 $_scs_section_size  }
0x9a: {  	s5 =	simm.s32 $_size__tile_overlayer_lowered;
	s6 =	simm.s32 $_tile_overlayer_lowered  }
0x9b: {  	s22 =	simm.s32 $0x1BFF;
	s21 =	sshll.u32 s6, $0x1;
	s3 =	sadd.s32 s4, s19  }
0x9c: {  	s7 =	simm.s32 $0x0;
	s20 =	sshll.u32 s5, $0x1;
	s5 =	sadd.s32 s21, s3  }
0x9d: {  	[timem:s7], [sflag:s22] =	dma.local [hbm:s5], s20  }
0x9e: {  	_ =	swait.ge [sflag:s22], s20  }
0x9f: {  	s4 =	ssub.s32 $0x0, s20;
	[sflag:s22] =	ssyncset.done $0x0  }
0xa0: {  	[sflag:s22] =	ssyncadd.s32 s4;
	_ =	sdelay $0x1  }
0xa1: {  	s23 =	simm.s32 $0x1B8B  }
0xa2: {  	_ =	swait.ge [sflag:s23], $0x1  }
0xa3: {  	[sflag:s23] =	ssyncset.done $0x0  }
0xa4: {  	s25 =	simm.s32 $0x1B8E;
	s24 =	sld [smem:$0x3FFE];
	[sflag:s23] =	ssyncadd.s32 $0xFFFFFFFF  }
0xa5: {  	s26 =	simm.s32 $execute0_lowered;
	[smem:$0x3FD2] =	sst s25  }
0xa6: {  	s5 =	sshll.u32 s26, $0x1;
	_ =	strace $0x80000046;
	[dreg:$0x1] =	wrdreg $0xFFFFFFFF  }
0xa7: {  	s28 =	simm.s32 $_size_execute0_lowered;
	s3 =	sadd.s32 s3, s5;
	[dreg:$0x0] =	wrdreg $0x0  }
0xa8: {  	s5 =	sshll.u32 s28, $0x1;
	[dreg:$0x2] =	wrdreg s3  }
0xa9: {  	[dreg:$0x3] =	wrdreg s5  }
0xaa: {  	[dreg:$0x4] =	wrdreg $0xC0  }
0xab: {  	_ =	task [dreg:s7], $0x5FFFF  }
0xac: {  	[dreg:$0x1] =	wrdreg $0xFFFFFFFF  }
0xad: {  	[dreg:$0x0] =	wrdreg $0x60  }
0xae: {  	[dreg:$0x2] =	wrdreg s2  }
0xaf: {  	[dreg:$0x3] =	wrdreg s24  }
0xb0: {  	[dreg:$0x4] =	wrdreg $0x9  }
0xb1: {  	_ =	task.clear_ibuf [dreg:s7], $0x5FFFF;
	_ =	strace $0x90000046  }
0xb2: {  	s29 =	simm.s32 $0x9;
	_ =	strace $0x80000048  }
0xb3: {  	_ =	swait.ge [sflag:s29], $0x1  }
0xb4: {  	[sflag:s29] =	ssyncadd.s32 $0xFFFFFFFF  }
0xb5: {  	_ =	strace $0x90000048  }
0xb6: {  	_ =	sfence  }
0xb7: {  	s30 =	sld [smem:$0x0];
	_ =	sdelay $0x2  }
0xb8: {  	s31 =	sshll.u32 s1, $0xD;
	s1 =	sshrl.u32 s1, $0x2  }
0xb9: {  	s3 =	sand.u32 $0x4000, s31;
	s1 =	sadd.s32 s1, s30  }
0xba: {  	s0 =	sor.u32 s3, s0;
	s1 =	sshll.u32 s1, $0x11  }
0xbb: {  	s0 =	sor.u32 s1, s0  }
0xbc: {  	s0 =	sadd.s32 $0x8F2B, s0  }
0xbd: {  	[sflag:s0] =	ssyncadd.remote.s32 $0x1  }
0xbe: {  	_ =	sfence.sel $0xFFFF  }
0xbf: {  	[dreg:$0x0] =	wrdreg $0xFFFFFFFF;
	(pc) =	sbr.abs _section_cstart, $3  }
0xc0: {  	[dreg:$0x1] =	wrdreg $0xFFFFFFFF  }
0xc1: {  	_ =	task.clear_ibuf [dreg:s7], $0x2FFFF;
	_ =	strace $0x9FFFFFFF  }
0xc2: {  	(tm) =	ssettm $0x7FFFFFFF  }
0xc3: {  	_ =	shalt  }
tec
execute0_lowered:
.L_overlay_start_1:
0x0: {  	(tag) =	ssettag $0x1  }
0x1: {  	s0 =	rddreg [dreg:$0x0]  }
0x2: {  	s1 =	rddreg [dreg:$0x1];
	s2 =	simm.s32 $0x0  }
0x3: {  	s3 =	srdreg.scid;
	s6 =	stileid.u32;
	s24 =	simm.s32 $0x1500  }
0x4: {  	s25 =	simm.s32 $0x100;
	s9 =	simm.s32 $0x80;
	s26 =	simm.s32 $0x1D00  }
0x5: {  	s10 =	simm.s32 $0xD00;
	s11 =	simm.s32 $0x180;
	s12 =	simm.s32 $0x2500  }
0x6: {  	s13 =	simm.s32 $0x200;
	s14 =	simm.s32 $0x2D00;
	s15 =	simm.s32 $0x280  }
0x7: {  	s16 =	simm.s32 $0x3500;
	s17 =	simm.s32 $0x300;
	s18 =	simm.s32 $0x3D00  }
0x8: {  	s19 =	simm.s32 $0x380;
	s28 =	simm.s32 $0x580;
	s29 =	simm.s32 $0x6500  }
0x9: {  	s30 =	simm.s32 $0x600;
	[smem:$0x7FF] =	sst s2;
	s7 =	sadd.s32 $0xE00, s1  }
0xa: {  	s31 =	simm.s32 $0x6D00;
	_ =	strace $0x80000047;
	[dreg:$0x7] =	wrdreg s7  }
0xb: {  	s3 =	sand.u32 $0x1, s3;
	s4 =	sshll.u32 s6, $0xA;
	[dreg:$0x4] =	wrdreg s24  }
0xc: {  	s6 =	smul.u32 $0xD000, s6;
	s5 =	sshll.u32 s3, $0x9;
	[dreg:$0x5] =	wrdreg s25  }
0xd: {  	s20 =	ssub.s32 $0x2, s3;
	s3 =	smul.u32 $0x6800, s3;
	[dreg:$0x6] =	wrdreg s26  }
0xe: {  	s24 =	simm.s32 $0x5500;
	s25 =	simm.s32 $0x500;
	s26 =	simm.s32 $0x5D00  }
0xf: {  	s4 =	sor.u32 s5, s4;
	s6 =	sadd.s32 s6, s1;
	s21 =	sshrl.u32 s20, $0x1  }
0x10: {  	s4 =	sshrl.u32 s4, $0x6;
	s22 =	ssub.s32 s20, s21;
	s3 =	sadd.s32 s3, s6  }
0x11: {  	s20 =	simm.s32 $0x4500;
	s21 =	simm.s32 $0x400;
	s8 =	smul.u32 $0xD0, s4  }
0x12: {  	s4 =	sadd.s32 $0xFDF600, s1;
	s1 =	smax.u32 s22, $0x1;
	s23 =	sadd.s32 $0x1000, s3  }
0x13: {  	s22 =	simm.s32 $0x4D00;
	s3 =	simm.s32 $0x0;
	[dreg:$0x8] =	wrdreg s1  }
0x14: {  	[dreg:$0x9] =	wrdreg s23;
	s23 =	simm.s32 $0x480;
	s0 =	sadd.s32 s8, s0  }
0x15: {  	s8 =	simm.s32 $0x2;
	[dreg:$0x3] =	wrdreg s0;
	s0 =	simm.s32 $0x1  }
.LBB2_1:
0x16: {  	[dreg:$0xa] =	wrdreg s3  }
0x17: {  	s1 =	rddreg [dreg:$0x7];
	s7 =	simm.s32 $0x680  }
0x18: {  	[tilespmem:s7], [sflag:$0x2] =	stream.linear.gather [hbm4b:s1+s2], $0x680, $0x38;
	[tilespmem:$0x7500] =	vst v63  }
0x19: {  	_ =	swait.ge [sflag:s8], $0x680  }
0x1a: {  	[sflag:s8] =	ssyncset.done $0x0  }
0x1b: {  	s3 =	simm.s32 $0x0;
	s6 =	rddreg [dreg:$0x9];
	[sflag:s8] =	ssyncadd.s32 $0xFFFFF980  }
.LBB2_2:
0x1c: {  	s5 =	rddreg [dreg:$0x3]  }
0x1d: {  	s5 =	sadd.s32 s3, s5  }
0x1e: {  	[tilespmem:s2], [sflag:$0x2] =	stream.linear.gather [hbm4b:s5+s2], $0x680, $0x38;
	[tilespmem:$0x7500] =	vst v63  }
0x1f: {  	_ =	swait.ge [sflag:s8], $0x680  }
0x20: {  	[sflag:s8] =	ssyncset.done $0x0  }
0x21: {  	[sflag:s8] =	ssyncadd.s32 $0xFFFFF980  }
0x22: {  	v59 =	vld [tilespmem:$0x1F0];
	_ =	sdelay $0x4  }
0x23: {  	[tilespmem:$0x1FCD0] =	vst v59;
	v59 =	vld [tilespmem:$0x200];
	_ =	sdelay $0x4  }
0x24: {  	[tilespmem:$0x1FCE0] =	vst v59;
	v59 =	vld [tilespmem:$0x880];
	_ =	sdelay $0x1  }
0x25: {  	v10 =	vld [tilespmem:$0x0]  }
0x26: {  	v11 =	vld [tilespmem:$0x680]  }
0x27: {  	v18 =	vld [tilespmem:$0x10]  }
0x28: {  	[tilespmem:$0x1FCF0] =	vst v59;
	v59 =	vld [tilespmem:$0x210]  }
0x29: {  	v19 =	vld [tilespmem:$0x690]  }
0x2a: {  	v28 =	vld [tilespmem:$0x20]  }
0x2b: {  	v29 =	vld [tilespmem:$0x6A0]  }
0x2c: {  	v36 =	vld [tilespmem:$0x30]  }
0x2d: {  	[tilespmem:$0x1FD00] =	vst v59;
	v59 =	vld [tilespmem:$0x890]  }
0x2e: {  	v37 =	vld [tilespmem:$0x6B0]  }
0x2f: {  	v44 =	vld [tilespmem:$0x40]  }
0x30: {  	v45 =	vld [tilespmem:$0x6C0]  }
0x31: {  	v52 =	vld [tilespmem:$0x50]  }
0x32: {  	[tilespmem:$0x1FD10] =	vst v59;
	v59 =	vld [tilespmem:$0x220]  }
0x33: {  	v53 =	vld [tilespmem:$0x6D0]  }
0x34: {  	v60 =	vld [tilespmem:$0x60]  }
0x35: {  	v61 =	vld [tilespmem:$0x6E0]  }
0x36: {  	v1 =	vld [tilespmem:$0x70]  }
0x37: {  	[tilespmem:$0x1FD20] =	vst v59;
	v59 =	vld [tilespmem:$0x8A0]  }
0x38: {  	v0 =	vld [tilespmem:$0x6F0]  }
0x39: {  	v3 =	vld [tilespmem:$0x80]  }
0x3a: {  	v2 =	vld [tilespmem:$0x700]  }
0x3b: {  	v5 =	vld [tilespmem:$0x90]  }
0x3c: {  	[tilespmem:$0x1FD30] =	vst v59;
	v59 =	vld [tilespmem:$0x230]  }
0x3d: {  	v4 =	vld [tilespmem:$0x710]  }
0x3e: {  	v7 =	vld [tilespmem:$0xA0]  }
0x3f: {  	v6 =	vld [tilespmem:$0x720]  }
0x40: {  	v9 =	vld [tilespmem:$0xB0]  }
0x41: {  	[tilespmem:$0x1FD40] =	vst v59;
	v59 =	vld [tilespmem:$0x8B0]  }
0x42: {  	v8 =	vld [tilespmem:$0x730]  }
0x43: {  	v13 =	vld [tilespmem:$0xC0]  }
0x44: {  	v12 =	vld [tilespmem:$0x740]  }
0x45: {  	v15 =	vld [tilespmem:$0xD0]  }
0x46: {  	[tilespmem:$0x1FD50] =	vst v59;
	v59 =	vld [tilespmem:$0x240]  }
0x47: {  	v14 =	vld [tilespmem:$0x750]  }
0x48: {  	v17 =	vld [tilespmem:$0xE0]  }
0x49: {  	v16 =	vld [tilespmem:$0x760]  }
0x4a: {  	v21 =	vld [tilespmem:$0xF0]  }
0x4b: {  	[tilespmem:$0x1FD60] =	vst v59;
	v59 =	vld [tilespmem:$0x8C0]  }
0x4c: {  	v20 =	vld [tilespmem:$0x770]  }
0x4d: {  	v23 =	vld [tilespmem:$0x100]  }
0x4e: {  	v22 =	vld [tilespmem:$0x780]  }
0x4f: {  	v25 =	vld [tilespmem:$0x110]  }
0x50: {  	[tilespmem:$0x1FD70] =	vst v59;
	v59 =	vld [tilespmem:$0x250]  }
0x51: {  	v24 =	vld [tilespmem:$0x790]  }
0x52: {  	v27 =	vld [tilespmem:$0x120]  }
0x53: {  	v26 =	vld [tilespmem:$0x7A0]  }
0x54: {  	v31 =	vld [tilespmem:$0x130]  }
0x55: {  	[tilespmem:$0x1FD80] =	vst v59;
	v59 =	vld [tilespmem:$0x8D0]  }
0x56: {  	v30 =	vld [tilespmem:$0x7B0]  }
0x57: {  	v34 =	vld [tilespmem:$0x140]  }
0x58: {  	v32 =	vld [tilespmem:$0x7C0]  }
0x59: {  	v35 =	vld [tilespmem:$0x150]  }
0x5a: {  	[tilespmem:$0x1FD90] =	vst v59;
	v59 =	vld [tilespmem:$0x260]  }
0x5b: {  	v33 =	vld [tilespmem:$0x7D0]  }
0x5c: {  	v40 =	vld [tilespmem:$0x160]  }
0x5d: {  	v38 =	vld [tilespmem:$0x7E0]  }
0x5e: {  	v42 =	vld [tilespmem:$0x170]  }
0x5f: {  	[tilespmem:$0x1FDA0] =	vst v59;
	v59 =	vld [tilespmem:$0x8E0]  }
0x60: {  	v39 =	vld [tilespmem:$0x7F0]  }
0x61: {  	v46 =	vld [tilespmem:$0x180]  }
0x62: {  	v41 =	vld [tilespmem:$0x800]  }
0x63: {  	v48 =	vld [tilespmem:$0x190]  }
0x64: {  	[tilespmem:$0x1FDB0] =	vst v59;
	v59 =	vld [tilespmem:$0x270]  }
0x65: {  	v43 =	vld [tilespmem:$0x810]  }
0x66: {  	v50 =	vld [tilespmem:$0x1A0]  }
0x67: {  	v47 =	vld [tilespmem:$0x820]  }
0x68: {  	v54 =	vld [tilespmem:$0x1B0]  }
0x69: {  	[tilespmem:$0x1FDC0] =	vst v59;
	v59 =	vld [tilespmem:$0x8F0]  }
0x6a: {  	v49 =	vld [tilespmem:$0x830]  }
0x6b: {  	v56 =	vld [tilespmem:$0x1C0]  }
0x6c: {  	v51 =	vld [tilespmem:$0x840]  }
0x6d: {  	v58 =	vld [tilespmem:$0x1D0]  }
0x6e: {  	[tilespmem:$0x1FDD0] =	vst v59;
	v59 =	vld [tilespmem:$0x280]  }
0x6f: {  	v55 =	vld [tilespmem:$0x850]  }
0x70: {  	v62 =	vld [tilespmem:$0x1E0]  }
0x71: {  	v57 =	vld [tilespmem:$0x860]  }
0x72: {  	v63 =	vld [tilespmem:$0x870]  }
0x73: {  	[tilespmem:$0x1FDE0] =	vst v59;
	v59 =	vld [tilespmem:$0x900]  }
0x74: {  	v18 =	vadd.s32 v18, v19;
	v19 =	vld [tilespmem:$0x370]  }
0x75: {  	v28 =	vadd.s32 v28, v29;
	v29 =	vld [tilespmem:$0x9F0]  }
0x76: {  	v36 =	vadd.s32 v36, v37;
	v37 =	vld [tilespmem:$0x380]  }
0x77: {  	v44 =	vadd.s32 v44, v45;
	v45 =	vld [tilespmem:$0xA00]  }
0x78: {  	[tilespmem:$0x1FDF0] =	vst v59;
	v59 =	vld [tilespmem:$0x290]  }
0x79: {  	v10 =	vadd.s32 v10, v11;
	v52 =	vadd.s32 v52, v53;
	v53 =	vld [tilespmem:$0x390]  }
0x7a: {  	v60 =	vadd.s32 v60, v61;
	v61 =	vadd.s32 v3, v2;
	v2 =	vld [tilespmem:$0xA80];
	[tilespmem:$0x0] =	vst v10  }
0x7b: {  	v3 =	vld [tilespmem:$0x410];
	[tilespmem:$0x10] =	vst v18  }
0x7c: {  	v0 =	vadd.s32 v1, v0;
	v1 =	vld [tilespmem:$0xA90];
	[tilespmem:$0x20] =	vst v28  }
0x7d: {  	[tilespmem:$0x1FE00] =	vst v59;
	v59 =	vld [tilespmem:$0x910]  }
0x7e: {  	v11 =	vadd.s32 v9, v8;
	v8 =	vld [tilespmem:$0x440];
	[tilespmem:$0x30] =	vst v36  }
0x7f: {  	v9 =	vld [tilespmem:$0xAC0];
	[tilespmem:$0x40] =	vst v44  }
0x80: {  	[tilespmem:$0x50] =	vst v52;
	v28 =	vld [tilespmem:$0xA10]  }
0x81: {  	[tilespmem:$0x60] =	vst v60;
	v36 =	vld [tilespmem:$0xA20]  }
0x82: {  	[tilespmem:$0x1FE10] =	vst v59;
	v59 =	vld [tilespmem:$0x2A0]  }
0x83: {  	v5 =	vadd.s32 v5, v4;
	[tilespmem:$0x80] =	vst v61;
	v44 =	vld [tilespmem:$0xA30]  }
0x84: {  	[tilespmem:$0x90] =	vst v5;
	v52 =	vld [tilespmem:$0xA40]  }
0x85: {  	v13 =	vadd.s32 v13, v12;
	[tilespmem:$0xB0] =	vst v11;
	v60 =	vld [tilespmem:$0xA50]  }
0x86: {  	[tilespmem:$0xC0] =	vst v13;
	v61 =	vld [tilespmem:$0x3E0]  }
0x87: {  	v21 =	vadd.s32 v21, v20;
	[tilespmem:$0x1FE20] =	vst v59;
	v59 =	vld [tilespmem:$0x920]  }
0x88: {  	v4 =	vadd.s32 v23, v22;
	[tilespmem:$0xF0] =	vst v21;
	v11 =	vld [tilespmem:$0x400]  }
0x89: {  	v12 =	vadd.s32 v34, v32;
	[tilespmem:$0x100] =	vst v4;
	v4 =	vld [tilespmem:$0x420]  }
0x8a: {  	v20 =	vadd.s32 v50, v47;
	[tilespmem:$0x140] =	vst v12;
	v12 =	vld [tilespmem:$0x450]  }
0x8b: {  	v5 =	vadd.s32 v25, v24;
	[tilespmem:$0x1A0] =	vst v20;
	v25 =	vld [tilespmem:$0x1FCD0]  }
0x8c: {  	v22 =	vadd.s32 v56, v51;
	[tilespmem:$0x1FE30] =	vst v59;
	v59 =	vld [tilespmem:$0x2B0]  }
0x8d: {  	v23 =	vadd.s32 v58, v55;
	[tilespmem:$0x1C0] =	vst v22;
	v20 =	vld [tilespmem:$0x480]  }
0x8e: {  	v10 =	vadd.s32 v7, v6;
	[tilespmem:$0x1D0] =	vst v23;
	v22 =	vld [tilespmem:$0x490]  }
0x8f: {  	v18 =	vadd.s32 v15, v14;
	v23 =	vld [tilespmem:$0xB10];
	[tilespmem:$0xA0] =	vst v10  }
0x90: {  	[tilespmem:$0xD0] =	vst v18;
	v18 =	vld [tilespmem:$0xA60]  }
0x91: {  	[tilespmem:$0x1FE40] =	vst v59;
	v59 =	vld [tilespmem:$0x930]  }
0x92: {  	v6 =	vadd.s32 v27, v26;
	[tilespmem:$0x110] =	vst v5;
	v10 =	vld [tilespmem:$0xA70]  }
0x93: {  	v7 =	vadd.s32 v31, v30;
	[tilespmem:$0x120] =	vst v6;
	v5 =	vld [tilespmem:$0xAA0]  }
0x94: {  	v13 =	vadd.s32 v35, v33;
	[tilespmem:$0x130] =	vst v7;
	v6 =	vld [tilespmem:$0x430]  }
0x95: {  	[tilespmem:$0x150] =	vst v13;
	v7 =	vld [tilespmem:$0xAB0]  }
0x96: {  	v14 =	vadd.s32 v40, v38;
	[tilespmem:$0x1FE50] =	vst v59;
	v59 =	vld [tilespmem:$0x2C0]  }
0x97: {  	v15 =	vadd.s32 v42, v39;
	[tilespmem:$0x160] =	vst v14;
	v13 =	vld [tilespmem:$0xAD0]  }
0x98: {  	v21 =	vadd.s32 v54, v49;
	[tilespmem:$0x170] =	vst v15;
	v14 =	vld [tilespmem:$0x460]  }
0x99: {  	v24 =	vadd.s32 v62, v57;
	[tilespmem:$0x1B0] =	vst v21;
	v15 =	vld [tilespmem:$0xAE0]  }
0x9a: {  	[tilespmem:$0x1E0] =	vst v24;
	v21 =	vld [tilespmem:$0xB00]  }
0x9b: {  	[tilespmem:$0x1FE60] =	vst v59;
	v59 =	vld [tilespmem:$0x940]  }
0x9c: {  	v24 =	vld [tilespmem:$0x4A0];
	[tilespmem:$0x1FFB0] =	vst v19  }
0x9d: {  	[tilespmem:$0x1FFC0] =	vst v29;
	v29 =	vld [tilespmem:$0x3A0]  }
0x9e: {  	[tilespmem:$0x1FFD0] =	vst v37;
	v37 =	vld [tilespmem:$0x3B0]  }
0x9f: {  	[tilespmem:$0x1FFE0] =	vst v45;
	v45 =	vld [tilespmem:$0x3C0]  }
0xa0: {  	[tilespmem:$0x1FE70] =	vst v59;
	v59 =	vld [tilespmem:$0x2D0]  }
0xa1: {  	[tilespmem:$0x1FFF0] =	vst v53;
	v53 =	vld [tilespmem:$0x3D0];
	v19 =	vadd.s32 v17, v16  }
0xa2: {  	[tilespmem:$0xE0] =	vst v19;
	v19 =	vld [tilespmem:$0x3F0]  }
0xa3: {  	v16 =	vadd.s32 v46, v41;
	v26 =	vld [tilespmem:$0x1FCE0]  }
0xa4: {  	[tilespmem:$0x180] =	vst v16;
	v16 =	vld [tilespmem:$0x470]  }
0xa5: {  	v17 =	vadd.s32 v48, v43;
	[tilespmem:$0x1FE80] =	vst v59;
	v59 =	vld [tilespmem:$0x950]  }
0xa6: {  	[tilespmem:$0x190] =	vst v17;
	v17 =	vld [tilespmem:$0xAF0]  }
0xa7: {  	v27 =	vld [tilespmem:$0x1FCF0]  }
0xa8: {  	[tilespmem:$0x70] =	vst v0;
	v0 =	vadd.s32 v25, v63;
	v25 =	vld [tilespmem:$0xB20]  }
0xa9: {  	v30 =	vld [tilespmem:$0x1FD00]  }
0xaa: {  	[tilespmem:$0x1FE90] =	vst v59;
	v59 =	vld [tilespmem:$0x2E0]  }
0xab: {  	v31 =	vld [tilespmem:$0x1FD10]  }
0xac: {  	[tilespmem:$0x1F0] =	vst v0;
	v0 =	vadd.s32 v26, v27;
	v26 =	vld [tilespmem:$0x4B0]  }
0xad: {  	v27 =	vld [tilespmem:$0xB30]  }
0xae: {  	v32 =	vld [tilespmem:$0x1FD20]  }
0xaf: {  	[tilespmem:$0x1FEA0] =	vst v59;
	v59 =	vld [tilespmem:$0x960]  }
0xb0: {  	[tilespmem:$0x200] =	vst v0;
	v0 =	vadd.s32 v30, v31;
	v30 =	vld [tilespmem:$0x4C0]  }
0xb1: {  	v33 =	vld [tilespmem:$0x1FD30]  }
0xb2: {  	v31 =	vld [tilespmem:$0xB40]  }
0xb3: {  	v34 =	vld [tilespmem:$0x1FD40]  }
0xb4: {  	[tilespmem:$0x1FEB0] =	vst v59;
	v59 =	vld [tilespmem:$0x2F0]  }
0xb5: {  	v35 =	vld [tilespmem:$0x1FD50]  }
0xb6: {  	[tilespmem:$0x210] =	vst v0;
	v0 =	vadd.s32 v32, v33;
	v32 =	vld [tilespmem:$0x4D0]  }
0xb7: {  	v33 =	vld [tilespmem:$0xB50]  }
0xb8: {  	v38 =	vld [tilespmem:$0x1FD60]  }
0xb9: {  	[tilespmem:$0x1FEC0] =	vst v59;
	v59 =	vld [tilespmem:$0x970]  }
0xba: {  	[tilespmem:$0x220] =	vst v0;
	v0 =	vadd.s32 v34, v35;
	v34 =	vld [tilespmem:$0x4E0]  }
0xbb: {  	v39 =	vld [tilespmem:$0x1FD70]  }
0xbc: {  	v40 =	vld [tilespmem:$0x1FD80]  }
0xbd: {  	v41 =	vld [tilespmem:$0x1FD90]  }
0xbe: {  	[tilespmem:$0x1FED0] =	vst v59;
	v59 =	vld [tilespmem:$0x300]  }
0xbf: {  	v42 =	vld [tilespmem:$0x1FDA0]  }
0xc0: {  	v43 =	vld [tilespmem:$0x1FDB0]  }
0xc1: {  	v46 =	vld [tilespmem:$0x1FDC0]  }
0xc2: {  	v47 =	vld [tilespmem:$0x1FDD0]  }
0xc3: {  	[tilespmem:$0x1FEE0] =	vst v59;
	v59 =	vld [tilespmem:$0x980]  }
0xc4: {  	v48 =	vld [tilespmem:$0x1FDE0]  }
0xc5: {  	v49 =	vld [tilespmem:$0x1FDF0]  }
0xc6: {  	v50 =	vld [tilespmem:$0x1FE00]  }
0xc7: {  	v51 =	vld [tilespmem:$0x1FE10]  }
0xc8: {  	[tilespmem:$0x1FEF0] =	vst v59;
	v59 =	vld [tilespmem:$0x310]  }
0xc9: {  	v54 =	vld [tilespmem:$0x1FE20]  }
0xca: {  	v55 =	vld [tilespmem:$0x1FE30]  }
0xcb: {  	[tilespmem:$0x230] =	vst v0;
	v0 =	vadd.s32 v38, v39;
	v56 =	vld [tilespmem:$0x1FE40]  }
0xcc: {  	[tilespmem:$0x240] =	vst v0;
	v57 =	vld [tilespmem:$0x1FE50]  }
0xcd: {  	v0 =	vadd.s32 v40, v41;
	[tilespmem:$0x1FF00] =	vst v59;
	v59 =	vld [tilespmem:$0x990]  }
0xce: {  	[tilespmem:$0x250] =	vst v0;
	v0 =	vadd.s32 v42, v43;
	v58 =	vld [tilespmem:$0x1FE60]  }
0xcf: {  	[tilespmem:$0x260] =	vst v0;
	v0 =	vadd.s32 v46, v47;
	v62 =	vld [tilespmem:$0x1FE70]  }
0xd0: {  	[tilespmem:$0x270] =	vst v0;
	v0 =	vadd.s32 v48, v49;
	v63 =	vld [tilespmem:$0x1FE80]  }
0xd1: {  	[tilespmem:$0x280] =	vst v0;
	v38 =	vld [tilespmem:$0x1FE90]  }
0xd2: {  	v0 =	vadd.s32 v50, v51;
	[tilespmem:$0x1FF10] =	vst v59;
	v59 =	vld [tilespmem:$0x320]  }
0xd3: {  	v35 =	vld [tilespmem:$0xB60];
	[tilespmem:$0x290] =	vst v0;
	v0 =	vadd.s32 v54, v55  }
0xd4: {  	[tilespmem:$0x2A0] =	vst v0;
	v0 =	vadd.s32 v56, v57;
	v39 =	vld [tilespmem:$0x1FEA0]  }
0xd5: {  	[tilespmem:$0x2B0] =	vst v0;
	v0 =	vadd.s32 v58, v62;
	v40 =	vld [tilespmem:$0x1FEB0]  }
0xd6: {  	[tilespmem:$0x2C0] =	vst v0;
	v0 =	vadd.s32 v63, v38;
	v38 =	vld [tilespmem:$0x4F0]  }
0xd7: {  	[tilespmem:$0x1FF20] =	vst v59;
	v59 =	vld [tilespmem:$0x9A0]  }
0xd8: {  	v63 =	vld [tilespmem:$0x1FFB0]  }
0xd9: {  	v41 =	vld [tilespmem:$0x1FEC0]  }
0xda: {  	[tilespmem:$0x2D0] =	vst v0;
	v0 =	vadd.s32 v39, v40;
	v39 =	vld [tilespmem:$0xB70]  }
0xdb: {  	v42 =	vld [tilespmem:$0x1FED0]  }
0xdc: {  	[tilespmem:$0x1FF30] =	vst v59;
	v59 =	vld [tilespmem:$0x330]  }
0xdd: {  	v40 =	vld [tilespmem:$0x500]  }
0xde: {  	v43 =	vld [tilespmem:$0x1FEE0]  }
0xdf: {  	v46 =	vld [tilespmem:$0x1FEF0]  }
0xe0: {  	[tilespmem:$0x2E0] =	vst v0;
	v0 =	vadd.s32 v41, v42;
	v41 =	vld [tilespmem:$0xB80]  }
0xe1: {  	[tilespmem:$0x1FF40] =	vst v59;
	v59 =	vld [tilespmem:$0x9B0]  }
0xe2: {  	v42 =	vld [tilespmem:$0x510]  }
0xe3: {  	v47 =	vld [tilespmem:$0x1FF00]  }
0xe4: {  	[tilespmem:$0x2F0] =	vst v0;
	v0 =	vadd.s32 v43, v46;
	v43 =	vld [tilespmem:$0xB90]  }
0xe5: {  	v48 =	vld [tilespmem:$0x1FF10]  }
0xe6: {  	[tilespmem:$0x1FF50] =	vst v59;
	v59 =	vld [tilespmem:$0x340]  }
0xe7: {  	v46 =	vld [tilespmem:$0x520]  }
0xe8: {  	v49 =	vld [tilespmem:$0x1FF20]  }
0xe9: {  	v50 =	vld [tilespmem:$0x1FF30]  }
0xea: {  	[tilespmem:$0x300] =	vst v0;
	v0 =	vadd.s32 v47, v48;
	v48 =	vld [tilespmem:$0x1FFC0]  }
0xeb: {  	[tilespmem:$0x1FF60] =	vst v59;
	v59 =	vld [tilespmem:$0x9C0]  }
0xec: {  	v47 =	vld [tilespmem:$0xBA0]  }
0xed: {  	v51 =	vld [tilespmem:$0x1FF40]  }
0xee: {  	[tilespmem:$0x310] =	vst v0;
	v0 =	vadd.s32 v49, v50;
	v49 =	vld [tilespmem:$0x1FFD0]  }
0xef: {  	v54 =	vld [tilespmem:$0x1FF50]  }
0xf0: {  	[tilespmem:$0x1FF70] =	vst v59;
	v59 =	vld [tilespmem:$0x350]  }
0xf1: {  	v13 =	vadd.s32 v12, v13;
	v50 =	vld [tilespmem:$0x1FFE0]  }
0xf2: {  	v15 =	vadd.s32 v14, v15;
	[tilespmem:$0x450] =	vst v13;
	v55 =	vld [tilespmem:$0x1FF60]  }
0xf3: {  	[tilespmem:$0x460] =	vst v15;
	v56 =	vld [tilespmem:$0x1FF70]  }
0xf4: {  	[tilespmem:$0x320] =	vst v0;
	v0 =	vadd.s32 v51, v54;
	v51 =	vld [tilespmem:$0x1FFF0]  }
0xf5: {  	v21 =	vadd.s32 v20, v21;
	[tilespmem:$0x1FF80] =	vst v59;
	v59 =	vld [tilespmem:$0x9D0]  }
0xf6: {  	[tilespmem:$0x480] =	vst v21;
	v54 =	vadd.s32 v29, v36;
	v29 =	vld [tilespmem:$0xBB0]  }
0xf7: {  	[tilespmem:$0x3A0] =	vst v54;
	v54 =	vld [tilespmem:$0xC40]  }
0xf8: {  	[tilespmem:$0x330] =	vst v0;
	v0 =	vadd.s32 v55, v56;
	v57 =	vld [tilespmem:$0x1FF80]  }
0xf9: {  	v56 =	vadd.s32 v45, v52;
	v52 =	vld [tilespmem:$0x5C0];
	[tilespmem:$0x340] =	vst v0  }
0xfa: {  	v55 =	vadd.s32 v37, v44;
	[tilespmem:$0x1FF90] =	vst v59;
	v59 =	vld [tilespmem:$0x360]  }
0xfb: {  	[tilespmem:$0x3B0] =	vst v55;
	v58 =	vld [tilespmem:$0x1FF90]  }
0xfc: {  	v36 =	vld [tilespmem:$0x540];
	v45 =	vadd.s32 v22, v23;
	[tilespmem:$0x3C0] =	vst v56  }
0xfd: {  	v37 =	vld [tilespmem:$0xBC0];
	[tilespmem:$0x490] =	vst v45;
	v55 =	vadd.s32 v32, v33  }
0xfe: {  	v44 =	vld [tilespmem:$0x550];
	[tilespmem:$0x4D0] =	vst v55;
	v45 =	vadd.s32 v52, v54  }
0xff: {  	v56 =	vld [tilespmem:$0x5D0];
	[tilespmem:$0x5C0] =	vst v45  }
0x100: {  	v32 =	vld [tilespmem:$0x610];
	[tilespmem:$0x1FFA0] =	vst v59;
	v0 =	vadd.s32 v57, v58  }
0x101: {  	v52 =	vld [tilespmem:$0x660];
	v57 =	vadd.s32 v53, v60;
	[tilespmem:$0x350] =	vst v0  }
0x102: {  	v54 =	vld [tilespmem:$0xCE0];
	v58 =	vadd.s32 v61, v18;
	[tilespmem:$0x3D0] =	vst v57  }
0x103: {  	v59 =	vld [tilespmem:$0x9E0];
	v60 =	vadd.s32 v11, v2;
	[tilespmem:$0x3E0] =	vst v58  }
0x104: {  	v62 =	vld [tilespmem:$0x1FFA0];
	v61 =	vadd.s32 v3, v1;
	[tilespmem:$0x400] =	vst v60  }
0x105: {  	v18 =	vld [tilespmem:$0xBD0];
	v11 =	vadd.s32 v8, v9;
	[tilespmem:$0x410] =	vst v61  }
0x106: {  	v2 =	vld [tilespmem:$0xBE0];
	v53 =	vadd.s32 v30, v31;
	[tilespmem:$0x440] =	vst v11  }
0x107: {  	v1 =	vld [tilespmem:$0x570];
	[tilespmem:$0x4C0] =	vst v53;
	v57 =	vadd.s32 v34, v35  }
0x108: {  	v3 =	vld [tilespmem:$0xBF0];
	v61 =	vadd.s32 v40, v41;
	[tilespmem:$0x4E0] =	vst v57  }
0x109: {  	v8 =	vld [tilespmem:$0x5A0];
	[tilespmem:$0x500] =	vst v61;
	v0 =	vadd.s32 v62, v59  }
0x10a: {  	v9 =	vld [tilespmem:$0xC20];
	v59 =	vadd.s32 v19, v10;
	[tilespmem:$0x360] =	vst v0  }
0x10b: {  	v30 =	vld [tilespmem:$0xC80];
	v62 =	vadd.s32 v4, v5;
	[tilespmem:$0x3F0] =	vst v59  }
0x10c: {  	v58 =	vld [tilespmem:$0xC50];
	v19 =	vadd.s32 v16, v17;
	[tilespmem:$0x420] =	vst v62  }
0x10d: {  	v60 =	vld [tilespmem:$0x5E0];
	v31 =	vadd.s32 v44, v18;
	[tilespmem:$0x470] =	vst v19  }
0x10e: {  	v34 =	vld [tilespmem:$0xC90];
	v35 =	vadd.s32 v1, v3;
	[tilespmem:$0x550] =	vst v31  }
0x10f: {  	v40 =	vld [tilespmem:$0x630];
	v41 =	vadd.s32 v8, v9;
	[tilespmem:$0x570] =	vst v35  }
0x110: {  	v10 =	vld [tilespmem:$0x560];
	v0 =	vadd.s32 v63, v48;
	[tilespmem:$0x5A0] =	vst v41  }
0x111: {  	v4 =	vld [tilespmem:$0x580];
	v63 =	vadd.s32 v6, v7;
	[tilespmem:$0x370] =	vst v0  }
0x112: {  	v5 =	vld [tilespmem:$0xC00];
	v59 =	vadd.s32 v38, v39;
	[tilespmem:$0x430] =	vst v63  }
0x113: {  	v44 =	vld [tilespmem:$0x640];
	v55 =	vadd.s32 v32, v34;
	[tilespmem:$0x4F0] =	vst v59  }
0x114: {  	v6 =	vld [tilespmem:$0x590];
	v0 =	vadd.s32 v49, v50;
	[tilespmem:$0x610] =	vst v55  }
0x115: {  	v7 =	vld [tilespmem:$0xC10];
	v49 =	vadd.s32 v24, v25;
	[tilespmem:$0x380] =	vst v0  }
0x116: {  	v48 =	vld [tilespmem:$0x5B0];
	v63 =	vadd.s32 v42, v43;
	[tilespmem:$0x4A0] =	vst v49  }
0x117: {  	v62 =	vld [tilespmem:$0xC60];
	v25 =	vadd.s32 v46, v47;
	[tilespmem:$0x510] =	vst v63  }
0x118: {  	v38 =	vld [tilespmem:$0xCA0];
	v47 =	vadd.s32 v56, v58;
	[tilespmem:$0x520] =	vst v25  }
0x119: {  	v50 =	vld [tilespmem:$0xC30];
	v0 =	vadd.s32 v51, v28;
	[tilespmem:$0x5D0] =	vst v47  }
0x11a: {  	v42 =	vld [tilespmem:$0xCB0];
	v51 =	vadd.s32 v26, v27;
	[tilespmem:$0x390] =	vst v0  }
0x11b: {  	v46 =	vld [tilespmem:$0xCC0];
	[tilespmem:$0x4B0] =	vst v51;
	v33 =	vadd.s32 v10, v2  }
0x11c: {  	v56 =	vld [tilespmem:$0x670];
	[tilespmem:$0x560] =	vst v33;
	v39 =	vadd.s32 v6, v7  }
0x11d: {  	v58 =	vld [tilespmem:$0xCF0];
	v49 =	vadd.s32 v60, v62;
	[tilespmem:$0x590] =	vst v39  }
0x11e: {  	v28 =	vld [tilespmem:$0x530];
	v62 =	vadd.s32 v52, v54;
	[tilespmem:$0x5E0] =	vst v49  }
0x11f: {  	v24 =	vld [tilespmem:$0x5F0];
	v43 =	vadd.s32 v48, v50;
	[tilespmem:$0x660] =	vst v62  }
0x120: {  	v26 =	vld [tilespmem:$0xC70];
	v59 =	vadd.s32 v40, v42;
	[tilespmem:$0x5B0] =	vst v43  }
0x121: {  	v48 =	vld [tilespmem:$0x650];
	v60 =	vadd.s32 v44, v46;
	[tilespmem:$0x630] =	vst v59  }
0x122: {  	v50 =	vld [tilespmem:$0xCD0];
	v63 =	vadd.s32 v56, v58;
	[tilespmem:$0x640] =	vst v60  }
0x123: {  	v27 =	vadd.s32 v28, v29;
	v28 =	vld [tilespmem:$0x600];
	[tilespmem:$0x670] =	vst v63  }
0x124: {  	v29 =	vadd.s32 v36, v37;
	v36 =	vld [tilespmem:$0x620];
	[tilespmem:$0x530] =	vst v27  }
0x125: {  	v37 =	vadd.s32 v4, v5;
	[tilespmem:$0x540] =	vst v29  }
0x126: {  	v51 =	vadd.s32 v24, v26;
	[tilespmem:$0x580] =	vst v37  }
0x127: {  	[tilespmem:$0x5F0] =	vst v51;
	v61 =	vadd.s32 v48, v50  }
0x128: {  	v53 =	vadd.s32 v28, v30;
	[tilespmem:$0x650] =	vst v61  }
0x129: {  	v57 =	vadd.s32 v36, v38;
	[tilespmem:$0x600] =	vst v53  }
0x12a: {  	s5 =	rddreg [dreg:$0x4];
	[tilespmem:$0x620] =	vst v57  }
0x12b: {  	[tilespmem:s10], [sflag:$0x1] =	stream.indirect.gather [hbm4b:s4+s9], $0x10, s2, s9, $0xb8;
	[tilespmem:$0x7500] =	vst v63  }
0x12c: {  	s7 =	rddreg [dreg:$0x5]  }
0x12d: {  	[tilespmem:s5], [sflag:$0x1] =	stream.indirect.gather [hbm4b:s4+s9], $0x10, s9, s9, $0xb8;
	[tilespmem:$0x7500] =	vst v63  }
0x12e: {  	s1 =	rddreg [dreg:$0x6]  }
0x12f: {  	[tilespmem:s1], [sflag:$0x1] =	stream.indirect.gather [hbm4b:s4+s9], $0x10, s7, s9, $0xb8;
	[tilespmem:$0x7500] =	vst v63  }
0x130: {  	_ = 	snop  }
0x131: {  	[tilespmem:s12], [sflag:$0x1] =	stream.indirect.gather [hbm4b:s4+s9], $0x10, s11, s9, $0xb8;
	[tilespmem:$0x7500] =	vst v63  }
0x132: {  	_ = 	snop  }
0x133: {  	[tilespmem:s14], [sflag:$0x1] =	stream.indirect.gather [hbm4b:s4+s9], $0x10, s13, s9, $0xb8;
	[tilespmem:$0x7500] =	vst v63  }
0x134: {  	_ = 	snop  }
0x135: {  	[tilespmem:s16], [sflag:$0x1] =	stream.indirect.gather [hbm4b:s4+s9], $0x10, s15, s9, $0xb8;
	[tilespmem:$0x7500] =	vst v63  }
0x136: {  	_ = 	snop  }
0x137: {  	[tilespmem:s18], [sflag:$0x1] =	stream.indirect.gather [hbm4b:s4+s9], $0x10, s17, s9, $0xb8;
	[tilespmem:$0x7500] =	vst v63  }
0x138: {  	_ = 	snop  }
0x139: {  	[tilespmem:s20], [sflag:$0x1] =	stream.indirect.gather [hbm4b:s4+s9], $0x10, s19, s9, $0xb8;
	[tilespmem:$0x7500] =	vst v63  }
0x13a: {  	_ = 	snop  }
0x13b: {  	[tilespmem:s22], [sflag:$0x1] =	stream.indirect.gather [hbm4b:s4+s9], $0x10, s21, s9, $0xb8;
	[tilespmem:$0x7500] =	vst v63  }
0x13c: {  	_ = 	snop  }
0x13d: {  	[tilespmem:s24], [sflag:$0x1] =	stream.indirect.gather [hbm4b:s4+s9], $0x10, s23, s9, $0xb8;
	[tilespmem:$0x7500] =	vst v63  }
0x13e: {  	_ = 	snop  }
0x13f: {  	[tilespmem:s26], [sflag:$0x1] =	stream.indirect.gather [hbm4b:s4+s9], $0x10, s25, s9, $0xb8;
	[tilespmem:$0x7500] =	vst v63  }
0x140: {  	_ = 	snop  }
0x141: {  	[tilespmem:s29], [sflag:$0x1] =	stream.indirect.gather [hbm4b:s4+s9], $0x10, s28, s9, $0xb8;
	[tilespmem:$0x7500] =	vst v63  }
0x142: {  	_ = 	snop  }
0x143: {  	[tilespmem:s31], [sflag:$0x1] =	stream.indirect.gather [hbm4b:s4+s9], $0x10, s30, s9, $0xb8;
	[tilespmem:$0x7500] =	vst v63  }
0x144: {  	_ =	swait.ge [sflag:s0], $0x800  }
0x145: {  	[sflag:s0] =	ssyncset.done $0x0  }
0x146: {  	[sflag:s0] =	ssyncadd.s32 $0xFFFFF800  }
0x147: {  	_ =	swait.ge [sflag:s0], $0x800  }
0x148: {  	[sflag:s0] =	ssyncset.done $0x0  }
0x149: {  	[sflag:s0] =	ssyncadd.s32 $0xFFFFF800  }
0x14a: {  	_ =	swait.ge [sflag:s0], $0x800  }
0x14b: {  	[sflag:s0] =	ssyncset.done $0x0  }
0x14c: {  	[sflag:s0] =	ssyncadd.s32 $0xFFFFF800  }
0x14d: {  	_ =	swait.ge [sflag:s0], $0x800  }
0x14e: {  	[sflag:s0] =	ssyncset.done $0x0  }
0x14f: {  	[sflag:s0] =	ssyncadd.s32 $0xFFFFF800  }
0x150: {  	_ =	swait.ge [sflag:s0], $0x800  }
0x151: {  	[sflag:s0] =	ssyncset.done $0x0  }
0x152: {  	[sflag:s0] =	ssyncadd.s32 $0xFFFFF800  }
0x153: {  	_ =	swait.ge [sflag:s0], $0x800  }
0x154: {  	[sflag:s0] =	ssyncset.done $0x0  }
0x155: {  	[sflag:s0] =	ssyncadd.s32 $0xFFFFF800  }
0x156: {  	_ =	swait.ge [sflag:s0], $0x800  }
0x157: {  	[sflag:s0] =	ssyncset.done $0x0  }
0x158: {  	[sflag:s0] =	ssyncadd.s32 $0xFFFFF800  }
0x159: {  	_ =	swait.ge [sflag:s0], $0x800  }
0x15a: {  	[sflag:s0] =	ssyncset.done $0x0  }
0x15b: {  	[sflag:s0] =	ssyncadd.s32 $0xFFFFF800  }
0x15c: {  	_ =	swait.ge [sflag:s0], $0x800  }
0x15d: {  	[sflag:s0] =	ssyncset.done $0x0  }
0x15e: {  	[sflag:s0] =	ssyncadd.s32 $0xFFFFF800  }
0x15f: {  	_ =	swait.ge [sflag:s0], $0x800  }
0x160: {  	[sflag:s0] =	ssyncset.done $0x0  }
0x161: {  	[sflag:s0] =	ssyncadd.s32 $0xFFFFF800  }
0x162: {  	_ =	swait.ge [sflag:s0], $0x800  }
0x163: {  	[sflag:s0] =	ssyncset.done $0x0  }
0x164: {  	[sflag:s0] =	ssyncadd.s32 $0xFFFFF800  }
0x165: {  	_ =	swait.ge [sflag:s0], $0x800  }
0x166: {  	[sflag:s0] =	ssyncset.done $0x0  }
0x167: {  	[sflag:s0] =	ssyncadd.s32 $0xFFFFF800  }
0x168: {  	_ =	swait.ge [sflag:s0], $0x800  }
0x169: {  	p0 =	sne.s32 s3, $0x5B0;
	[sflag:s0] =	ssyncset.done $0x0  }
.Ltmp0:
0x16a: {  	[sflag:s0] =	ssyncadd.s32 $0xFFFFF800;
	(pc) =	sbr.rel @p0 .LBB2_2-.Ltmp0, $4  }
0x16b: {  	[hbm4b:s6+s2] =	stream.linear.scatter [tilespmem:s10], [sflag:$0x2], $0x6800, $0x38;
	[tilespmem:$0x7500] =	vst v63  }
0x16c: {  	_ =	swait.ge [sflag:s8], $0x6800  }
0x16d: {  	[sflag:s8] =	ssyncset.done $0x0  }
0x16e: {  	s3 =	sadd.s32 $0xD0, s3;
	s6 =	sadd.s32 $0xD00, s6;
	[sflag:s8] =	ssyncadd.s32 $0xFFFF9800  }
0x16f: {  	s3 =	rddreg [dreg:$0xa]  }
0x170: {  	s1 =	rddreg [dreg:$0x8];
	s3 =	sadd.s32 $0x1, s3  }
0x171: {  	p0 =	sne.s32 s3, s1  }
.Ltmp1:
0x172: {  	_ = 	snop;
	(pc) =	sbr.rel @p0 .LBB2_1-.Ltmp1, $1  }
0x173: {  	_ =	sdelay $0x3  }
0x174: {  	_ =	sfence.sel $0x180000  }
0x175: {  	[bflag:$0x0] =	sbarrier.arrive $0xFFFF  }
0x176: {  	_ =	strace $0x90000047  }
0x177: {  	s0 =	stileid.u32;
	[bflag:$0x2] =	sbarrier.arrive $0xFFFF  }
0x178: {  	p0 =	sne.s32 s0, $0x0;
	s0 =	rddreg [dreg:$0x2]  }
0x179: {  	s0 =	sadd.s32 @!p0 $0x100000, s0  }
0x17a: {  	[sflag:s0] =	ssyncadd.tile.s32 @!p0 $0x1;
	_ =	shalt  }
.Lfunc_end2:
_tile_overlayer_lowered:
.L_overlay_start_2:
0x17b: {  	(tag) =	ssettag $0x2  }
0x17c: {  	s0 =	rddreg [dreg:$0x0];
	s2 =	stileid.u32  }
0x17d: {  	s1 =	rddreg [dreg:$0x1];
	p0 =	sne.s32 s2, $0x0  }
0x17e: {  	s3 =	rddreg [dreg:$0x2];
	[bflag:$0x3] =	sbarrier.arrive $0xFFFF;
	s2 =	simm.s32 @!p0 $0x1C02  }
0x17f: {  	[timem:s3], [sflag:s2] =	dma.local @!p0 [hbm:s0], s1  }
0x180: {  	s0 =	simm.s32 @!p0 $0x2  }
0x181: {  	_ =	swait.ge @!p0 [sflag:s0], s1  }
0x182: {  	s1 =	ssub.s32 @!p0 $0x0, s1;
	[sflag:s0] =	ssyncset.done @!p0 $0x0  }
0x183: {  	[sflag:s0] =	ssyncadd.s32 @!p0 s1  }
0x184: {  	[bflag:$0x3] =	sbarrier.arrive $0xFFFF  }
0x185: {  	_ =	shalt  }

</sc_bundles>
